<compile_context>
chip_gen: v7x
topology: tpu7x:2x2x1
jax: 0.10.2.dev20260603
libtpu: 0.0.44.dev20260713+nightly
codegen_flags: <defaults>
</compile_context>

<pallas_src>
import functools

import jax
import jax.numpy as jnp
from jax import lax
from jax.experimental import pallas as pl
from jax.experimental.pallas import tpu as pltpu
from jax.experimental.pallas import tpu_sc as plsc

N_NODES = 10000
D_FEAT = 128
D_EDGE = 16
D_OUT = 16

NC, NS = 2, 16
NW = NC * NS
BLK = 80
TPW = 125
EPW = BLK * TPW
E_TOT = EPW * NW
EROWS = BLK * D_OUT // 128
_EW_BLK = 4000


def _block_diag8(w):
    r, c = w.shape
    big = jnp.concatenate([w] * 8, axis=0)
    big = jnp.concatenate([big] * 8, axis=1)
    rb = lax.broadcasted_iota(jnp.int32, (8 * r, 8 * c), 0) // r
    cb = lax.broadcasted_iota(jnp.int32, (8 * r, 8 * c), 1) // c
    return jnp.where(rb == cb, big, 0.0)


def _tc_body(x8_ref, ew_ref, w1_ref, b_ref, ts_ref, td_ref, o_ref,
             wbd_ref, bt_ref):
    i = pl.program_id(0)

    @pl.when(i == 0)
    def _():
        x8 = x8_ref[...]
        ts_ref[...] = jnp.dot(
            x8, _block_diag8(w1_ref[D_EDGE:D_EDGE + D_FEAT, :]),
            preferred_element_type=jnp.float32)
        td_ref[...] = jnp.dot(
            x8, _block_diag8(w1_ref[D_EDGE + D_FEAT:, :]),
            preferred_element_type=jnp.float32)
        wbd_ref[...] = _block_diag8(w1_ref[:D_EDGE, :])
        bt_ref[...] = jnp.concatenate([b_ref[...]] * 8, axis=1)

    o_ref[...] = (
        jnp.dot(ew_ref[...], wbd_ref[...], preferred_element_type=jnp.float32)
        + bt_ref[...]
    )


def _tc_stage(x8, ew8, w1, b1r):
    rows = E_TOT // 8
    n_ew = rows // _EW_BLK
    return pl.pallas_call(
        _tc_body,
        grid=(n_ew + 1,),
        in_specs=[
            pl.BlockSpec((N_NODES // 8, 8 * D_FEAT), lambda i: (0, 0)),
            pl.BlockSpec((_EW_BLK, 128), lambda i: (jnp.maximum(i - 1, 0), 0)),
            pl.BlockSpec((2 * D_FEAT + D_EDGE, D_OUT), lambda i: (0, 0)),
            pl.BlockSpec((1, D_OUT), lambda i: (0, 0)),
        ],
        out_specs=[
            pl.BlockSpec((N_NODES // 8, 128), lambda i: (0, 0)),
            pl.BlockSpec((N_NODES // 8, 128), lambda i: (0, 0)),
            pl.BlockSpec((_EW_BLK, 128), lambda i: (jnp.maximum(i - 1, 0), 0)),
        ],
        out_shape=[
            jax.ShapeDtypeStruct((N_NODES // 8, 128), jnp.float32),
            jax.ShapeDtypeStruct((N_NODES // 8, 128), jnp.float32),
            jax.ShapeDtypeStruct((rows, 128), jnp.float32),
        ],
        scratch_shapes=[
            pltpu.VMEM((128, 128), jnp.float32),
            pltpu.VMEM((1, 128), jnp.float32),
        ],
    )(x8, ew8, w1, b1r)


def _sc_body(xs_hbm, xd_hbm, ewp_hbm, ei_hbm, out_hbm,
             idx_sv, idx_dv, bufs_e, bufs_s, bufs_d, bufs_o,
             sems_e, sems_s, sems_d, sems_o):
    wid = lax.axis_index("s") * NC + lax.axis_index("c")
    base = wid * EPW
    ebase = wid * (EPW * D_OUT)
    pltpu.sync_copy(ei_hbm.at[0, pl.ds(base, EPW)], idx_sv)
    pltpu.sync_copy(ei_hbm.at[1, pl.ds(base, EPW)], idx_dv)

    def issue_in(t, b):
        pltpu.async_copy(
            xs_hbm.at[idx_sv.at[pl.ds(t * BLK, BLK)]], bufs_s[b], sems_s[b])
        pltpu.async_copy(
            xd_hbm.at[idx_dv.at[pl.ds(t * BLK, BLK)]], bufs_d[b], sems_d[b])
        pltpu.async_copy(
            ewp_hbm.at[pl.ds(ebase + t * BLK * D_OUT, BLK * D_OUT)],
            bufs_e[b], sems_e[b])

    def drain_in(t, b):
        pltpu.make_async_copy(
            xs_hbm.at[idx_sv.at[pl.ds(t * BLK, BLK)]], bufs_s[b],
            sems_s[b]).wait()
        pltpu.make_async_copy(
            xd_hbm.at[idx_dv.at[pl.ds(t * BLK, BLK)]], bufs_d[b],
            sems_d[b]).wait()
        pltpu.make_async_copy(
            ewp_hbm.at[pl.ds(ebase + t * BLK * D_OUT, BLK * D_OUT)],
            bufs_e[b], sems_e[b]).wait()

    def drain_out(t, b):
        pltpu.make_async_copy(
            bufs_o[b], out_hbm.at[pl.ds(base + t * BLK, BLK), :],
            sems_o[b]).wait()

    def combine(b):
        e_ref, s_ref, d_ref, o_ref = bufs_e[b], bufs_s[b], bufs_d[b], bufs_o[b]

        def row_body(r, c):
            for k in range(8):
                i = r * 8 + k
                o_ref[i, :] = jnp.maximum(
                    e_ref[pl.ds(i * D_OUT, D_OUT)]
                    + s_ref[i, :] + d_ref[i, :],
                    0.0,
                )
            return c

        lax.fori_loop(0, EROWS, row_body, 0, unroll=2)

    def half(t, b):
        issue_in(t + 1, 1 - b)
        drain_in(t, b)
        pl.when(t >= 2)(lambda: drain_out(t - 2, b))
        combine(b)
        pltpu.async_copy(
            bufs_o[b], out_hbm.at[pl.ds(base + t * BLK, BLK), :], sems_o[b])

    issue_in(0, 0)

    def g_body(g, c):
        half(2 * g, 0)
        half(2 * g + 1, 1)
        return c

    lax.fori_loop(0, (TPW - 1) // 2, g_body, 0)
    t_last = TPW - 1
    drain_in(t_last, 0)
    drain_out(t_last - 2, 0)
    combine(0)
    pltpu.async_copy(
        bufs_o[0], out_hbm.at[pl.ds(base + t_last * BLK, BLK), :], sems_o[0])
    drain_out(t_last - 1, 1)
    drain_out(t_last, 0)


@functools.lru_cache(maxsize=None)
def _sc_gather_combine():
    return pl.kernel(
        _sc_body,
        out_type=jax.ShapeDtypeStruct((E_TOT, D_OUT), jnp.float32),
        mesh=plsc.VectorSubcoreMesh(
            core_axis_name="c", subcore_axis_name="s",
            num_cores=NC, num_subcores=NS,
        ),
        scratch_types=[
            pltpu.VMEM((EPW,), jnp.int32),
            pltpu.VMEM((EPW,), jnp.int32),
            [pltpu.VMEM((BLK * D_OUT,), jnp.float32)] * 2,
            [pltpu.VMEM((BLK, D_OUT), jnp.float32)] * 2,
            [pltpu.VMEM((BLK, D_OUT), jnp.float32)] * 2,
            [pltpu.VMEM((BLK, D_OUT), jnp.float32)] * 2,
            [pltpu.SemaphoreType.DMA] * 2,
            [pltpu.SemaphoreType.DMA] * 2,
            [pltpu.SemaphoreType.DMA] * 2,
            [pltpu.SemaphoreType.DMA] * 2,
        ],
        compiler_params=pltpu.CompilerParams(use_tc_tiling_on_sc=False),
    )


def kernel(x, edge_index, edge_weight, W1, b1):
    x8 = x.reshape(N_NODES // 8, 8 * D_FEAT)
    ew8 = edge_weight.reshape(E_TOT // 8, 128)
    b1r = b1.reshape(1, D_OUT)

    ts8, td8, ewp8 = _tc_stage(x8, ew8, W1, b1r)
    xs = ts8.reshape(N_NODES, D_OUT)
    xd = td8.reshape(N_NODES, D_OUT)
    ewp = ewp8.reshape(E_TOT * D_OUT)

    return _sc_gather_combine()(xs, xd, ewp, edge_index.astype(jnp.int32))

# --- scband reference (transcript-rebuilt; emitter-appended) ---
"""Pipeline reference for scband-edge-update-88991722373554 (READ-ONLY COPY).

The authoritative reference and input builder live on the scoring server;
editing this copy changes nothing except your own understanding.
"""

import jax, jax.numpy as jnp
import numpy as np

N_NODES = 10000
N_EDGES = 320000
D_FEAT = 128
D_EDGE = 16
IN_DIM = D_EDGE + 2 * D_FEAT  # 272
FC_DIMS = [16]


def setup_inputs(seed: int = 0) -> dict:
    key = jax.random.key(seed)
    k_x, k_ei, k_ew, k_w1, k_b1 = jax.random.split(key, 5)
    x = jax.random.normal(k_x, (N_NODES, D_FEAT), dtype=jnp.float32)
    edge_index = jax.random.randint(k_ei, (2, N_EDGES), 0, N_NODES, dtype=jnp.int64)
    edge_weight = jax.random.normal(k_ew, (N_EDGES, D_EDGE), dtype=jnp.float32)
    # ConcatDense params: Linear(272 -> 16), kaiming-ish init
    W1 = jax.random.normal(k_w1, (IN_DIM, FC_DIMS[0]), dtype=jnp.float32) * (1.0 / np.sqrt(IN_DIM))
    b1 = jax.random.normal(k_b1, (FC_DIMS[0],), dtype=jnp.float32) * 0.01
    return {"x": x, "edge_index": edge_index, "edge_weight": edge_weight, "W1": W1, "b1": b1}


def reference(x, edge_index, edge_weight, W1, b1):
    # EdgeUpdate.forward: gather source/target node features per edge
    src = jnp.take(x, edge_index[0], axis=0)  # [E, d_feat]
    dst = jnp.take(x, edge_index[1], axis=0)  # [E, d_feat]
    # ConcatDense: concat along dim=1, then Linear + ReLU (dropout inactive in eval)
    h = jnp.concatenate([edge_weight, src, dst], axis=1)  # [E, 272]
    out = jax.nn.relu(h @ W1 + b1)  # [E, 16]
    return out

if __name__ == "__main__":
    import jax
    _d = setup_inputs()
    print(jax.jit(kernel)(*tuple(_d.values())))

</pallas_src>

<mosaic_0001>
#map = affine_map<(d0, d1) -> (0, 0)>
#map1 = affine_map<(d0, d1) -> (0)>
module attributes {stable_mosaic.version = 14 : i64} {
  func.func @_sc_body(%arg0: i32, %arg1: i32, %arg2: memref<10000x16xf32, #tpu.memory_space<hbm>>, %arg3: memref<10000x16xf32, #tpu.memory_space<hbm>>, %arg4: memref<5120000xf32, #tpu.memory_space<hbm>>, %arg5: memref<2x320000xi32, #tpu.memory_space<hbm>>, %arg6: memref<320000x16xf32, #tpu.memory_space<hbm>>, %arg7: memref<10000xi32, #tpu.memory_space<vmem>>, %arg8: memref<10000xi32, #tpu.memory_space<vmem>>, %arg9: memref<1280xf32, #tpu.memory_space<vmem>>, %arg10: memref<1280xf32, #tpu.memory_space<vmem>>, %arg11: memref<80x16xf32, #tpu.memory_space<vmem>>, %arg12: memref<80x16xf32, #tpu.memory_space<vmem>>, %arg13: memref<80x16xf32, #tpu.memory_space<vmem>>, %arg14: memref<80x16xf32, #tpu.memory_space<vmem>>, %arg15: memref<80x16xf32, #tpu.memory_space<vmem>>, %arg16: memref<80x16xf32, #tpu.memory_space<vmem>>, %arg17: memref<!tpu.dma_semaphore, #tpu.memory_space<semaphore_mem>>, %arg18: memref<!tpu.dma_semaphore, #tpu.memory_space<semaphore_mem>>, %arg19: memref<!tpu.dma_semaphore, #tpu.memory_space<semaphore_mem>>, %arg20: memref<!tpu.dma_semaphore, #tpu.memory_space<semaphore_mem>>, %arg21: memref<!tpu.dma_semaphore, #tpu.memory_space<semaphore_mem>>, %arg22: memref<!tpu.dma_semaphore, #tpu.memory_space<semaphore_mem>>, %arg23: memref<!tpu.dma_semaphore, #tpu.memory_space<semaphore_mem>>, %arg24: memref<!tpu.dma_semaphore, #tpu.memory_space<semaphore_mem>>) attributes {dimension_semantics = [#tpu.dimension_semantics<core_parallel>, #tpu.dimension_semantics<subcore_parallel>], iteration_bounds = array<i64: 2, 16>, scalar_prefetch = 0 : i64, scratch_operands = 18 : i64, tpu.core_type = #tpu.core_type<sc_vector_subcore>, window_params = [{transform_indices = #map}, {transform_indices = #map}, {transform_indices = #map1}, {transform_indices = #map}, {transform_indices = #map}]} {
    %mul3A = arith.constant 2 : i32
    %mul3A_0 = arith.muli %arg1, %mul3A : i32
    %add3A = arith.addi %mul3A_0, %arg0 : i32
    %mul3A_1 = arith.constant 10000 : i32
    %mul3A_2 = arith.muli %add3A, %mul3A_1 : i32
    %mul3A_3 = arith.constant 160000 : i32
    %mul3A_4 = arith.muli %add3A, %mul3A_3 : i32
    %run_scoped3A = arith.constant 0 : i32
    "tpu.region"() ({
      %run_scoped3A_67 = tpu.sem_alloc : memref<!tpu.dma_semaphore, #tpu.memory_space<semaphore_mem>>
      %dma_start3A_68 = tpu.memref_slice %arg5[%run_scoped3A, %mul3A_2] : memref<2x320000xi32, #tpu.memory_space<hbm>> -> memref<1x10000xi32, #tpu.memory_space<hbm>>
      %dma_start3A_69 = tpu.memref_squeeze %dma_start3A_68 : memref<1x10000xi32, #tpu.memory_space<hbm>> -> memref<10000xi32, #tpu.memory_space<hbm>>
      %dma_start3A_70 = tpu.memref_slice %arg5[%run_scoped3A, %mul3A_2] : memref<2x320000xi32, #tpu.memory_space<hbm>> -> memref<1x10000xi32, #tpu.memory_space<hbm>>
      %dma_start3A_71 = tpu.memref_squeeze %dma_start3A_70 : memref<1x10000xi32, #tpu.memory_space<hbm>> -> memref<10000xi32, #tpu.memory_space<hbm>>
      tpu.enqueue_dma source(%dma_start3A_71 : memref<10000xi32, #tpu.memory_space<hbm>>) target(%arg7 : memref<10000xi32, #tpu.memory_space<vmem>>) target_semaphore(%run_scoped3A_67 : memref<!tpu.dma_semaphore, #tpu.memory_space<semaphore_mem>>)
      %dma_wait3A_72 = tpu.memref_slice %arg5[%run_scoped3A, %mul3A_2] : memref<2x320000xi32, #tpu.memory_space<hbm>> -> memref<1x10000xi32, #tpu.memory_space<hbm>>
      %dma_wait3A_73 = tpu.memref_squeeze %dma_wait3A_72 : memref<1x10000xi32, #tpu.memory_space<hbm>> -> memref<10000xi32, #tpu.memory_space<hbm>>
      %dma_wait3A_74 = tpu.memref_slice %arg5[%run_scoped3A, %mul3A_2] : memref<2x320000xi32, #tpu.memory_space<hbm>> -> memref<1x10000xi32, #tpu.memory_space<hbm>>
      %dma_wait3A_75 = tpu.memref_squeeze %dma_wait3A_74 : memref<1x10000xi32, #tpu.memory_space<hbm>> -> memref<10000xi32, #tpu.memory_space<hbm>>
      tpu.wait_dma2 semaphore(%run_scoped3A_67 : memref<!tpu.dma_semaphore, #tpu.memory_space<semaphore_mem>>) src(%dma_wait3A_75 : memref<10000xi32, #tpu.memory_space<hbm>>) dst(%arg7 : memref<10000xi32, #tpu.memory_space<vmem>>)
      tpu.yield
    }) : () -> ()
    %run_scoped3A_5 = arith.constant 1 : i32
    "tpu.region"() ({
      %run_scoped3A_67 = tpu.sem_alloc : memref<!tpu.dma_semaphore, #tpu.memory_space<semaphore_mem>>
      %dma_start3A_68 = tpu.memref_slice %arg5[%run_scoped3A_5, %mul3A_2] : memref<2x320000xi32, #tpu.memory_space<hbm>> -> memref<1x10000xi32, #tpu.memory_space<hbm>>
      %dma_start3A_69 = tpu.memref_squeeze %dma_start3A_68 : memref<1x10000xi32, #tpu.memory_space<hbm>> -> memref<10000xi32, #tpu.memory_space<hbm>>
      %dma_start3A_70 = tpu.memref_slice %arg5[%run_scoped3A_5, %mul3A_2] : memref<2x320000xi32, #tpu.memory_space<hbm>> -> memref<1x10000xi32, #tpu.memory_space<hbm>>
      %dma_start3A_71 = tpu.memref_squeeze %dma_start3A_70 : memref<1x10000xi32, #tpu.memory_space<hbm>> -> memref<10000xi32, #tpu.memory_space<hbm>>
      tpu.enqueue_dma source(%dma_start3A_71 : memref<10000xi32, #tpu.memory_space<hbm>>) target(%arg8 : memref<10000xi32, #tpu.memory_space<vmem>>) target_semaphore(%run_scoped3A_67 : memref<!tpu.dma_semaphore, #tpu.memory_space<semaphore_mem>>)
      %dma_wait3A_72 = tpu.memref_slice %arg5[%run_scoped3A_5, %mul3A_2] : memref<2x320000xi32, #tpu.memory_space<hbm>> -> memref<1x10000xi32, #tpu.memory_space<hbm>>
      %dma_wait3A_73 = tpu.memref_squeeze %dma_wait3A_72 : memref<1x10000xi32, #tpu.memory_space<hbm>> -> memref<10000xi32, #tpu.memory_space<hbm>>
      %dma_wait3A_74 = tpu.memref_slice %arg5[%run_scoped3A_5, %mul3A_2] : memref<2x320000xi32, #tpu.memory_space<hbm>> -> memref<1x10000xi32, #tpu.memory_space<hbm>>
      %dma_wait3A_75 = tpu.memref_squeeze %dma_wait3A_74 : memref<1x10000xi32, #tpu.memory_space<hbm>> -> memref<10000xi32, #tpu.memory_space<hbm>>
      tpu.wait_dma2 semaphore(%run_scoped3A_67 : memref<!tpu.dma_semaphore, #tpu.memory_space<semaphore_mem>>) src(%dma_wait3A_75 : memref<10000xi32, #tpu.memory_space<hbm>>) dst(%arg8 : memref<10000xi32, #tpu.memory_space<vmem>>)
      tpu.yield
    }) : () -> ()
    %dma_start3A = arith.constant 0 : i32
    %dma_start3A_6 = tpu.memref_slice %arg7[%dma_start3A] : memref<10000xi32, #tpu.memory_space<vmem>> -> memref<80xi32, #tpu.memory_space<vmem>>
    %dma_start3A_7 = arith.constant 0 : i32
    %dma_start3A_8 = arith.constant 0 : i32
    %dma_start3A_9 = tpu.memref_slice %arg2[%dma_start3A_7, %dma_start3A_8] : memref<10000x16xf32, #tpu.memory_space<hbm>> -> memref<10000x16xf32, #tpu.memory_space<hbm>>
    tpu.enqueue_indirect_dma source(%dma_start3A_9 : memref<10000x16xf32, #tpu.memory_space<hbm>>) target(%arg11 : memref<80x16xf32, #tpu.memory_space<vmem>>) offsets(%dma_start3A_6 : memref<80xi32, #tpu.memory_space<vmem>>) semaphore(%arg19 : memref<!tpu.dma_semaphore, #tpu.memory_space<semaphore_mem>>)
    %dma_start3A_10 = arith.constant 0 : i32
    %dma_start3A_11 = tpu.memref_slice %arg8[%dma_start3A_10] : memref<10000xi32, #tpu.memory_space<vmem>> -> memref<80xi32, #tpu.memory_space<vmem>>
    %dma_start3A_12 = arith.constant 0 : i32
    %dma_start3A_13 = arith.constant 0 : i32
    %dma_start3A_14 = tpu.memref_slice %arg3[%dma_start3A_12, %dma_start3A_13] : memref<10000x16xf32, #tpu.memory_space<hbm>> -> memref<10000x16xf32, #tpu.memory_space<hbm>>
    tpu.enqueue_indirect_dma source(%dma_start3A_14 : memref<10000x16xf32, #tpu.memory_space<hbm>>) target(%arg13 : memref<80x16xf32, #tpu.memory_space<vmem>>) offsets(%dma_start3A_11 : memref<80xi32, #tpu.memory_space<vmem>>) semaphore(%arg21 : memref<!tpu.dma_semaphore, #tpu.memory_space<semaphore_mem>>)
    %add3A_15 = arith.constant 0 : i32
    %add3A_16 = arith.addi %mul3A_4, %add3A_15 : i32
    %dma_start3A_17 = tpu.memref_slice %arg4[%add3A_16] : memref<5120000xf32, #tpu.memory_space<hbm>> -> memref<1280xf32, #tpu.memory_space<hbm>>
    %dma_start3A_18 = tpu.memref_slice %arg4[%add3A_16] : memref<5120000xf32, #tpu.memory_space<hbm>> -> memref<1280xf32, #tpu.memory_space<hbm>>
    tpu.enqueue_dma source(%dma_start3A_18 : memref<1280xf32, #tpu.memory_space<hbm>>) target(%arg9 : memref<1280xf32, #tpu.memory_space<vmem>>) target_semaphore(%arg17 : memref<!tpu.dma_semaphore, #tpu.memory_space<semaphore_mem>>)
    %scan3A = arith.constant 0 : i32
    %scan3A_19 = arith.constant 0 : i32
    %scan3A_20 = arith.constant 62 : i32
    %scan3A_21 = arith.addi %scan3A_19, %scan3A_20 : i32
    %scan3A_22 = arith.constant 1 : i32
    scf.for %scan3A_67 = %scan3A_19 to %scan3A_21 step %scan3A_22  : i32 {
      %mul3A_68 = arith.constant 2 : i32
      %mul3A_69 = arith.muli %mul3A_68, %scan3A_67 : i32
      %add3A_70 = arith.constant 1 : i32
      %add3A_71 = arith.addi %mul3A_69, %add3A_70 : i32
      %mul3A_72 = arith.constant 80 : i32
      %mul3A_73 = arith.muli %add3A_71, %mul3A_72 : i32
      %dma_start3A_74 = tpu.memref_slice %arg7[%mul3A_73] : memref<10000xi32, #tpu.memory_space<vmem>> -> memref<80xi32, #tpu.memory_space<vmem>>
      %dma_start3A_75 = arith.constant 0 : i32
      %dma_start3A_76 = arith.constant 0 : i32
      %dma_start3A_77 = tpu.memref_slice %arg2[%dma_start3A_75, %dma_start3A_76] : memref<10000x16xf32, #tpu.memory_space<hbm>> -> memref<10000x16xf32, #tpu.memory_space<hbm>>
      tpu.enqueue_indirect_dma source(%dma_start3A_77 : memref<10000x16xf32, #tpu.memory_space<hbm>>) target(%arg12 : memref<80x16xf32, #tpu.memory_space<vmem>>) offsets(%dma_start3A_74 : memref<80xi32, #tpu.memory_space<vmem>>) semaphore(%arg20 : memref<!tpu.dma_semaphore, #tpu.memory_space<semaphore_mem>>)
      %mul3A_78 = arith.constant 80 : i32
      %mul3A_79 = arith.muli %add3A_71, %mul3A_78 : i32
      %dma_start3A_80 = tpu.memref_slice %arg8[%mul3A_79] : memref<10000xi32, #tpu.memory_space<vmem>> -> memref<80xi32, #tpu.memory_space<vmem>>
      %dma_start3A_81 = arith.constant 0 : i32
      %dma_start3A_82 = arith.constant 0 : i32
      %dma_start3A_83 = tpu.memref_slice %arg3[%dma_start3A_81, %dma_start3A_82] : memref<10000x16xf32, #tpu.memory_space<hbm>> -> memref<10000x16xf32, #tpu.memory_space<hbm>>
      tpu.enqueue_indirect_dma source(%dma_start3A_83 : memref<10000x16xf32, #tpu.memory_space<hbm>>) target(%arg14 : memref<80x16xf32, #tpu.memory_space<vmem>>) offsets(%dma_start3A_80 : memref<80xi32, #tpu.memory_space<vmem>>) semaphore(%arg22 : memref<!tpu.dma_semaphore, #tpu.memory_space<semaphore_mem>>)
      %mul3A_84 = arith.constant 80 : i32
      %mul3A_85 = arith.muli %add3A_71, %mul3A_84 : i32
      %mul3A_86 = arith.constant 16 : i32
      %mul3A_87 = arith.muli %mul3A_85, %mul3A_86 : i32
      %add3A_88 = arith.addi %mul3A_4, %mul3A_87 : i32
      %dma_start3A_89 = tpu.memref_slice %arg4[%add3A_88] : memref<5120000xf32, #tpu.memory_space<hbm>> -> memref<1280xf32, #tpu.memory_space<hbm>>
      %dma_start3A_90 = tpu.memref_slice %arg4[%add3A_88] : memref<5120000xf32, #tpu.memory_space<hbm>> -> memref<1280xf32, #tpu.memory_space<hbm>>
      tpu.enqueue_dma source(%dma_start3A_90 : memref<1280xf32, #tpu.memory_space<hbm>>) target(%arg10 : memref<1280xf32, #tpu.memory_space<vmem>>) target_semaphore(%arg18 : memref<!tpu.dma_semaphore, #tpu.memory_space<semaphore_mem>>)
      %mul3A_91 = arith.constant 80 : i32
      %mul3A_92 = arith.muli %mul3A_69, %mul3A_91 : i32
      %dma_wait3A_93 = tpu.memref_slice %arg7[%mul3A_92] : memref<10000xi32, #tpu.memory_space<vmem>> -> memref<80xi32, #tpu.memory_space<vmem>>
      %dma_wait3A_94 = arith.constant 0 : i32
      %dma_wait3A_95 = arith.constant 0 : i32
      %dma_wait3A_96 = tpu.memref_slice %arg2[%dma_wait3A_94, %dma_wait3A_95] : memref<10000x16xf32, #tpu.memory_space<hbm>> -> memref<10000x16xf32, #tpu.memory_space<hbm>>
      tpu.wait_indirect_dma semaphore(%arg19 : memref<!tpu.dma_semaphore, #tpu.memory_space<semaphore_mem>>) src(%dma_wait3A_96 : memref<10000x16xf32, #tpu.memory_space<hbm>>) dst(%arg11 : memref<80x16xf32, #tpu.memory_space<vmem>>)
      %mul3A_97 = arith.constant 80 : i32
      %mul3A_98 = arith.muli %mul3A_69, %mul3A_97 : i32
      %dma_wait3A_99 = tpu.memref_slice %arg8[%mul3A_98] : memref<10000xi32, #tpu.memory_space<vmem>> -> memref<80xi32, #tpu.memory_space<vmem>>
      %dma_wait3A_100 = arith.constant 0 : i32
      %dma_wait3A_101 = arith.constant 0 : i32
      %dma_wait3A_102 = tpu.memref_slice %arg3[%dma_wait3A_100, %dma_wait3A_101] : memref<10000x16xf32, #tpu.memory_space<hbm>> -> memref<10000x16xf32, #tpu.memory_space<hbm>>
      tpu.wait_indirect_dma semaphore(%arg21 : memref<!tpu.dma_semaphore, #tpu.memory_space<semaphore_mem>>) src(%dma_wait3A_102 : memref<10000x16xf32, #tpu.memory_space<hbm>>) dst(%arg13 : memref<80x16xf32, #tpu.memory_space<vmem>>)
      %mul3A_103 = arith.constant 80 : i32
      %mul3A_104 = arith.muli %mul3A_69, %mul3A_103 : i32
      %mul3A_105 = arith.constant 16 : i32
      %mul3A_106 = arith.muli %mul3A_104, %mul3A_105 : i32
      %add3A_107 = arith.addi %mul3A_4, %mul3A_106 : i32
      %dma_wait3A_108 = tpu.memref_slice %arg4[%add3A_107] : memref<5120000xf32, #tpu.memory_space<hbm>> -> memref<1280xf32, #tpu.memory_space<hbm>>
      %dma_wait3A_109 = tpu.memref_slice %arg4[%add3A_107] : memref<5120000xf32, #tpu.memory_space<hbm>> -> memref<1280xf32, #tpu.memory_space<hbm>>
      tpu.wait_dma2 semaphore(%arg17 : memref<!tpu.dma_semaphore, #tpu.memory_space<semaphore_mem>>) src(%dma_wait3A_109 : memref<1280xf32, #tpu.memory_space<hbm>>) dst(%arg9 : memref<1280xf32, #tpu.memory_space<vmem>>)
      %ge3A = arith.constant 2 : i32
      %ge3A_110 = arith.cmpi sge, %mul3A_69, %ge3A : i32
      %convert_element_type3A = arith.extui %ge3A_110 : i1 to i32
      %cond3A = arith.constant 0 : i32
      %cond3A_111 = arith.cmpi ne, %convert_element_type3A, %cond3A : i32
      scf.if %cond3A_111 {
        %sub3A = arith.constant 2 : i32
        %sub3A_187 = arith.subi %mul3A_69, %sub3A : i32
        %mul3A_188 = arith.constant 80 : i32
        %mul3A_189 = arith.muli %sub3A_187, %mul3A_188 : i32
        %add3A_190 = arith.addi %mul3A_2, %mul3A_189 : i32
        %dma_wait3A_191 = arith.constant 0 : i32
        %dma_wait3A_192 = tpu.memref_slice %arg6[%add3A_190, %dma_wait3A_191] : memref<320000x16xf32, #tpu.memory_space<hbm>> -> memref<80x16xf32, #tpu.memory_space<hbm>>
        %dma_wait3A_193 = arith.constant 0 : i32
        %dma_wait3A_194 = tpu.memref_slice %arg6[%add3A_190, %dma_wait3A_193] : memref<320000x16xf32, #tpu.memory_space<hbm>> -> memref<80x16xf32, #tpu.memory_space<hbm>>
        tpu.wait_dma2 semaphore(%arg23 : memref<!tpu.dma_semaphore, #tpu.memory_space<semaphore_mem>>) src(%arg15 : memref<80x16xf32, #tpu.memory_space<vmem>>) dst(%dma_wait3A_194 : memref<80x16xf32, #tpu.memory_space<hbm>>)
      } else {
      }
      %scan3A_112 = arith.constant 0 : i32
      %scan3A_113 = arith.constant 0 : i32
      %scan3A_114 = arith.constant 10 : i32
      %scan3A_115 = arith.addi %scan3A_113, %scan3A_114 : i32
      %scan3A_116 = arith.constant 2 : i32
      scf.for %scan3A_187 = %scan3A_113 to %scan3A_115 step %scan3A_116  : i32 {
        %mul3A_188 = arith.constant 8 : i32
        %mul3A_189 = arith.muli %scan3A_187, %mul3A_188 : i32
        %add3A_190 = arith.constant 0 : i32
        %add3A_191 = arith.addi %mul3A_189, %add3A_190 : i32
        %mul3A_192 = arith.constant 16 : i32
        %mul3A_193 = arith.muli %add3A_191, %mul3A_192 : i32
        %get3A = arith.index_cast %mul3A_193 : i32 to index
        %get3A_194 = tpu.vector_load %arg9[%get3A] {strides = array<i32>} : memref<1280xf32, #tpu.memory_space<vmem>>, vector<16xf32>,
        %get3A_195 = vector.shape_cast %get3A_194 : vector<16xf32> to vector<16xf32>
        %get3A_196 = arith.index_cast %add3A_191 : i32 to index
        %get3A_197 = arith.constant 0 : index
        %get3A_198 = tpu.vector_load %arg11[%get3A_196, %get3A_197] {strides = array<i32>} : memref<80x16xf32, #tpu.memory_space<vmem>>, vector<1x16xf32>,
        %get3A_199 = vector.shape_cast %get3A_198 : vector<1x16xf32> to vector<16xf32>
        %add3A_200 = arith.addf %get3A_195, %get3A_199 : vector<16xf32>
        %get3A_201 = arith.index_cast %add3A_191 : i32 to index
        %get3A_202 = arith.constant 0 : index
        %get3A_203 = tpu.vector_load %arg13[%get3A_201, %get3A_202] {strides = array<i32>} : memref<80x16xf32, #tpu.memory_space<vmem>>, vector<1x16xf32>,
        %get3A_204 = vector.shape_cast %get3A_203 : vector<1x16xf32> to vector<16xf32>
        %add3A_205 = arith.addf %add3A_200, %get3A_204 : vector<16xf32>
        %max3A = arith.constant 0.000000e+00 : f32
        %max3A_206 = vector.broadcast %max3A : f32 to vector<16xf32>
        %max3A_207 = arith.maximumf %add3A_205, %max3A_206 : vector<16xf32>
        %swap3A = arith.index_cast %add3A_191 : i32 to index
        %swap3A_208 = arith.constant 0 : index
        %swap3A_209 = tpu.vector_load %arg15[%swap3A, %swap3A_208] {strides = array<i32>} : memref<80x16xf32, #tpu.memory_space<vmem>>, vector<1x16xf32>,
        %swap3A_210 = vector.shape_cast %swap3A_209 : vector<1x16xf32> to vector<16xf32>
        %swap3A_211 = vector.shape_cast %max3A_207 : vector<16xf32> to vector<1x16xf32>
        tpu.vector_store %arg15[%swap3A, %swap3A_208], %swap3A_211 {strides = array<i32>} : memref<80x16xf32, #tpu.memory_space<vmem>>, vector<1x16xf32>,
        %mul3A_212 = arith.constant 8 : i32
        %mul3A_213 = arith.muli %scan3A_187, %mul3A_212 : i32
        %add3A_214 = arith.constant 1 : i32
        %add3A_215 = arith.addi %mul3A_213, %add3A_214 : i32
        %mul3A_216 = arith.constant 16 : i32
        %mul3A_217 = arith.muli %add3A_215, %mul3A_216 : i32
        %get3A_218 = arith.index_cast %mul3A_217 : i32 to index
        %get3A_219 = tpu.vector_load %arg9[%get3A_218] {strides = array<i32>} : memref<1280xf32, #tpu.memory_space<vmem>>, vector<16xf32>,
        %get3A_220 = vector.shape_cast %get3A_219 : vector<16xf32> to vector<16xf32>
        %get3A_221 = arith.index_cast %add3A_215 : i32 to index
        %get3A_222 = arith.constant 0 : index
        %get3A_223 = tpu.vector_load %arg11[%get3A_221, %get3A_222] {strides = array<i32>} : memref<80x16xf32, #tpu.memory_space<vmem>>, vector<1x16xf32>,
        %get3A_224 = vector.shape_cast %get3A_223 : vector<1x16xf32> to vector<16xf32>
        %add3A_225 = arith.addf %get3A_220, %get3A_224 : vector<16xf32>
        %get3A_226 = arith.index_cast %add3A_215 : i32 to index
        %get3A_227 = arith.constant 0 : index
        %get3A_228 = tpu.vector_load %arg13[%get3A_226, %get3A_227] {strides = array<i32>} : memref<80x16xf32, #tpu.memory_space<vmem>>, vector<1x16xf32>,
        %get3A_229 = vector.shape_cast %get3A_228 : vector<1x16xf32> to vector<16xf32>
        %add3A_230 = arith.addf %add3A_225, %get3A_229 : vector<16xf32>
        %max3A_231 = arith.constant 0.000000e+00 : f32
        %max3A_232 = vector.broadcast %max3A_231 : f32 to vector<16xf32>
        %max3A_233 = arith.maximumf %add3A_230, %max3A_232 : vector<16xf32>
        %swap3A_234 = arith.index_cast %add3A_215 : i32 to index
        %swap3A_235 = arith.constant 0 : index
        %swap3A_236 = tpu.vector_load %arg15[%swap3A_234, %swap3A_235] {strides = array<i32>} : memref<80x16xf32, #tpu.memory_space<vmem>>, vector<1x16xf32>,
        %swap3A_237 = vector.shape_cast %swap3A_236 : vector<1x16xf32> to vector<16xf32>
        %swap3A_238 = vector.shape_cast %max3A_233 : vector<16xf32> to vector<1x16xf32>
        tpu.vector_store %arg15[%swap3A_234, %swap3A_235], %swap3A_238 {strides = array<i32>} : memref<80x16xf32, #tpu.memory_space<vmem>>, vector<1x16xf32>,
        %mul3A_239 = arith.constant 8 : i32
        %mul3A_240 = arith.muli %scan3A_187, %mul3A_239 : i32
        %add3A_241 = arith.constant 2 : i32
        %add3A_242 = arith.addi %mul3A_240, %add3A_241 : i32
        %mul3A_243 = arith.constant 16 : i32
        %mul3A_244 = arith.muli %add3A_242, %mul3A_243 : i32
        %get3A_245 = arith.index_cast %mul3A_244 : i32 to index
        %get3A_246 = tpu.vector_load %arg9[%get3A_245] {strides = array<i32>} : memref<1280xf32, #tpu.memory_space<vmem>>, vector<16xf32>,
        %get3A_247 = vector.shape_cast %get3A_246 : vector<16xf32> to vector<16xf32>
        %get3A_248 = arith.index_cast %add3A_242 : i32 to index
        %get3A_249 = arith.constant 0 : index
        %get3A_250 = tpu.vector_load %arg11[%get3A_248, %get3A_249] {strides = array<i32>} : memref<80x16xf32, #tpu.memory_space<vmem>>, vector<1x16xf32>,
        %get3A_251 = vector.shape_cast %get3A_250 : vector<1x16xf32> to vector<16xf32>
        %add3A_252 = arith.addf %get3A_247, %get3A_251 : vector<16xf32>
        %get3A_253 = arith.index_cast %add3A_242 : i32 to index
        %get3A_254 = arith.constant 0 : index
        %get3A_255 = tpu.vector_load %arg13[%get3A_253, %get3A_254] {strides = array<i32>} : memref<80x16xf32, #tpu.memory_space<vmem>>, vector<1x16xf32>,
        %get3A_256 = vector.shape_cast %get3A_255 : vector<1x16xf32> to vector<16xf32>
        %add3A_257 = arith.addf %add3A_252, %get3A_256 : vector<16xf32>
        %max3A_258 = arith.constant 0.000000e+00 : f32
        %max3A_259 = vector.broadcast %max3A_258 : f32 to vector<16xf32>
        %max3A_260 = arith.maximumf %add3A_257, %max3A_259 : vector<16xf32>
        %swap3A_261 = arith.index_cast %add3A_242 : i32 to index
        %swap3A_262 = arith.constant 0 : index
        %swap3A_263 = tpu.vector_load %arg15[%swap3A_261, %swap3A_262] {strides = array<i32>} : memref<80x16xf32, #tpu.memory_space<vmem>>, vector<1x16xf32>,
        %swap3A_264 = vector.shape_cast %swap3A_263 : vector<1x16xf32> to vector<16xf32>
        %swap3A_265 = vector.shape_cast %max3A_260 : vector<16xf32> to vector<1x16xf32>
        tpu.vector_store %arg15[%swap3A_261, %swap3A_262], %swap3A_265 {strides = array<i32>} : memref<80x16xf32, #tpu.memory_space<vmem>>, vector<1x16xf32>,
        %mul3A_266 = arith.constant 8 : i32
        %mul3A_267 = arith.muli %scan3A_187, %mul3A_266 : i32
        %add3A_268 = arith.constant 3 : i32
        %add3A_269 = arith.addi %mul3A_267, %add3A_268 : i32
        %mul3A_270 = arith.constant 16 : i32
        %mul3A_271 = arith.muli %add3A_269, %mul3A_270 : i32
        %get3A_272 = arith.index_cast %mul3A_271 : i32 to index
        %get3A_273 = tpu.vector_load %arg9[%get3A_272] {strides = array<i32>} : memref<1280xf32, #tpu.memory_space<vmem>>, vector<16xf32>,
        %get3A_274 = vector.shape_cast %get3A_273 : vector<16xf32> to vector<16xf32>
        %get3A_275 = arith.index_cast %add3A_269 : i32 to index
        %get3A_276 = arith.constant 0 : index
        %get3A_277 = tpu.vector_load %arg11[%get3A_275, %get3A_276] {strides = array<i32>} : memref<80x16xf32, #tpu.memory_space<vmem>>, vector<1x16xf32>,
        %get3A_278 = vector.shape_cast %get3A_277 : vector<1x16xf32> to vector<16xf32>
        %add3A_279 = arith.addf %get3A_274, %get3A_278 : vector<16xf32>
        %get3A_280 = arith.index_cast %add3A_269 : i32 to index
        %get3A_281 = arith.constant 0 : index
        %get3A_282 = tpu.vector_load %arg13[%get3A_280, %get3A_281] {strides = array<i32>} : memref<80x16xf32, #tpu.memory_space<vmem>>, vector<1x16xf32>,
        %get3A_283 = vector.shape_cast %get3A_282 : vector<1x16xf32> to vector<16xf32>
        %add3A_284 = arith.addf %add3A_279, %get3A_283 : vector<16xf32>
        %max3A_285 = arith.constant 0.000000e+00 : f32
        %max3A_286 = vector.broadcast %max3A_285 : f32 to vector<16xf32>
        %max3A_287 = arith.maximumf %add3A_284, %max3A_286 : vector<16xf32>
        %swap3A_288 = arith.index_cast %add3A_269 : i32 to index
        %swap3A_289 = arith.constant 0 : index
        %swap3A_290 = tpu.vector_load %arg15[%swap3A_288, %swap3A_289] {strides = array<i32>} : memref<80x16xf32, #tpu.memory_space<vmem>>, vector<1x16xf32>,
        %swap3A_291 = vector.shape_cast %swap3A_290 : vector<1x16xf32> to vector<16xf32>
        %swap3A_292 = vector.shape_cast %max3A_287 : vector<16xf32> to vector<1x16xf32>
        tpu.vector_store %arg15[%swap3A_288, %swap3A_289], %swap3A_292 {strides = array<i32>} : memref<80x16xf32, #tpu.memory_space<vmem>>, vector<1x16xf32>,
        %mul3A_293 = arith.constant 8 : i32
        %mul3A_294 = arith.muli %scan3A_187, %mul3A_293 : i32
        %add3A_295 = arith.constant 4 : i32
        %add3A_296 = arith.addi %mul3A_294, %add3A_295 : i32
        %mul3A_297 = arith.constant 16 : i32
        %mul3A_298 = arith.muli %add3A_296, %mul3A_297 : i32
        %get3A_299 = arith.index_cast %mul3A_298 : i32 to index
        %get3A_300 = tpu.vector_load %arg9[%get3A_299] {strides = array<i32>} : memref<1280xf32, #tpu.memory_space<vmem>>, vector<16xf32>,
        %get3A_301 = vector.shape_cast %get3A_300 : vector<16xf32> to vector<16xf32>
        %get3A_302 = arith.index_cast %add3A_296 : i32 to index
        %get3A_303 = arith.constant 0 : index
        %get3A_304 = tpu.vector_load %arg11[%get3A_302, %get3A_303] {strides = array<i32>} : memref<80x16xf32, #tpu.memory_space<vmem>>, vector<1x16xf32>,
        %get3A_305 = vector.shape_cast %get3A_304 : vector<1x16xf32> to vector<16xf32>
        %add3A_306 = arith.addf %get3A_301, %get3A_305 : vector<16xf32>
        %get3A_307 = arith.index_cast %add3A_296 : i32 to index
        %get3A_308 = arith.constant 0 : index
        %get3A_309 = tpu.vector_load %arg13[%get3A_307, %get3A_308] {strides = array<i32>} : memref<80x16xf32, #tpu.memory_space<vmem>>, vector<1x16xf32>,
        %get3A_310 = vector.shape_cast %get3A_309 : vector<1x16xf32> to vector<16xf32>
        %add3A_311 = arith.addf %add3A_306, %get3A_310 : vector<16xf32>
        %max3A_312 = arith.constant 0.000000e+00 : f32
        %max3A_313 = vector.broadcast %max3A_312 : f32 to vector<16xf32>
        %max3A_314 = arith.maximumf %add3A_311, %max3A_313 : vector<16xf32>
        %swap3A_315 = arith.index_cast %add3A_296 : i32 to index
        %swap3A_316 = arith.constant 0 : index
        %swap3A_317 = tpu.vector_load %arg15[%swap3A_315, %swap3A_316] {strides = array<i32>} : memref<80x16xf32, #tpu.memory_space<vmem>>, vector<1x16xf32>,
        %swap3A_318 = vector.shape_cast %swap3A_317 : vector<1x16xf32> to vector<16xf32>
        %swap3A_319 = vector.shape_cast %max3A_314 : vector<16xf32> to vector<1x16xf32>
        tpu.vector_store %arg15[%swap3A_315, %swap3A_316], %swap3A_319 {strides = array<i32>} : memref<80x16xf32, #tpu.memory_space<vmem>>, vector<1x16xf32>,
        %mul3A_320 = arith.constant 8 : i32
        %mul3A_321 = arith.muli %scan3A_187, %mul3A_320 : i32
        %add3A_322 = arith.constant 5 : i32
        %add3A_323 = arith.addi %mul3A_321, %add3A_322 : i32
        %mul3A_324 = arith.constant 16 : i32
        %mul3A_325 = arith.muli %add3A_323, %mul3A_324 : i32
        %get3A_326 = arith.index_cast %mul3A_325 : i32 to index
        %get3A_327 = tpu.vector_load %arg9[%get3A_326] {strides = array<i32>} : memref<1280xf32, #tpu.memory_space<vmem>>, vector<16xf32>,
        %get3A_328 = vector.shape_cast %get3A_327 : vector<16xf32> to vector<16xf32>
        %get3A_329 = arith.index_cast %add3A_323 : i32 to index
        %get3A_330 = arith.constant 0 : index
        %get3A_331 = tpu.vector_load %arg11[%get3A_329, %get3A_330] {strides = array<i32>} : memref<80x16xf32, #tpu.memory_space<vmem>>, vector<1x16xf32>,
        %get3A_332 = vector.shape_cast %get3A_331 : vector<1x16xf32> to vector<16xf32>
        %add3A_333 = arith.addf %get3A_328, %get3A_332 : vector<16xf32>
        %get3A_334 = arith.index_cast %add3A_323 : i32 to index
        %get3A_335 = arith.constant 0 : index
        %get3A_336 = tpu.vector_load %arg13[%get3A_334, %get3A_335] {strides = array<i32>} : memref<80x16xf32, #tpu.memory_space<vmem>>, vector<1x16xf32>,
        %get3A_337 = vector.shape_cast %get3A_336 : vector<1x16xf32> to vector<16xf32>
        %add3A_338 = arith.addf %add3A_333, %get3A_337 : vector<16xf32>
        %max3A_339 = arith.constant 0.000000e+00 : f32
        %max3A_340 = vector.broadcast %max3A_339 : f32 to vector<16xf32>
        %max3A_341 = arith.maximumf %add3A_338, %max3A_340 : vector<16xf32>
        %swap3A_342 = arith.index_cast %add3A_323 : i32 to index
        %swap3A_343 = arith.constant 0 : index
        %swap3A_344 = tpu.vector_load %arg15[%swap3A_342, %swap3A_343] {strides = array<i32>} : memref<80x16xf32, #tpu.memory_space<vmem>>, vector<1x16xf32>,
        %swap3A_345 = vector.shape_cast %swap3A_344 : vector<1x16xf32> to vector<16xf32>
        %swap3A_346 = vector.shape_cast %max3A_341 : vector<16xf32> to vector<1x16xf32>
        tpu.vector_store %arg15[%swap3A_342, %swap3A_343], %swap3A_346 {strides = array<i32>} : memref<80x16xf32, #tpu.memory_space<vmem>>, vector<1x16xf32>,
        %mul3A_347 = arith.constant 8 : i32
        %mul3A_348 = arith.muli %scan3A_187, %mul3A_347 : i32
        %add3A_349 = arith.constant 6 : i32
        %add3A_350 = arith.addi %mul3A_348, %add3A_349 : i32
        %mul3A_351 = arith.constant 16 : i32
        %mul3A_352 = arith.muli %add3A_350, %mul3A_351 : i32
        %get3A_353 = arith.index_cast %mul3A_352 : i32 to index
        %get3A_354 = tpu.vector_load %arg9[%get3A_353] {strides = array<i32>} : memref<1280xf32, #tpu.memory_space<vmem>>, vector<16xf32>,
        %get3A_355 = vector.shape_cast %get3A_354 : vector<16xf32> to vector<16xf32>
        %get3A_356 = arith.index_cast %add3A_350 : i32 to index
        %get3A_357 = arith.constant 0 : index
        %get3A_358 = tpu.vector_load %arg11[%get3A_356, %get3A_357] {strides = array<i32>} : memref<80x16xf32, #tpu.memory_space<vmem>>, vector<1x16xf32>,
        %get3A_359 = vector.shape_cast %get3A_358 : vector<1x16xf32> to vector<16xf32>
        %add3A_360 = arith.addf %get3A_355, %get3A_359 : vector<16xf32>
        %get3A_361 = arith.index_cast %add3A_350 : i32 to index
        %get3A_362 = arith.constant 0 : index
        %get3A_363 = tpu.vector_load %arg13[%get3A_361, %get3A_362] {strides = array<i32>} : memref<80x16xf32, #tpu.memory_space<vmem>>, vector<1x16xf32>,
        %get3A_364 = vector.shape_cast %get3A_363 : vector<1x16xf32> to vector<16xf32>
        %add3A_365 = arith.addf %add3A_360, %get3A_364 : vector<16xf32>
        %max3A_366 = arith.constant 0.000000e+00 : f32
        %max3A_367 = vector.broadcast %max3A_366 : f32 to vector<16xf32>
        %max3A_368 = arith.maximumf %add3A_365, %max3A_367 : vector<16xf32>
        %swap3A_369 = arith.index_cast %add3A_350 : i32 to index
        %swap3A_370 = arith.constant 0 : index
        %swap3A_371 = tpu.vector_load %arg15[%swap3A_369, %swap3A_370] {strides = array<i32>} : memref<80x16xf32, #tpu.memory_space<vmem>>, vector<1x16xf32>,
        %swap3A_372 = vector.shape_cast %swap3A_371 : vector<1x16xf32> to vector<16xf32>
        %swap3A_373 = vector.shape_cast %max3A_368 : vector<16xf32> to vector<1x16xf32>
        tpu.vector_store %arg15[%swap3A_369, %swap3A_370], %swap3A_373 {strides = array<i32>} : memref<80x16xf32, #tpu.memory_space<vmem>>, vector<1x16xf32>,
        %mul3A_374 = arith.constant 8 : i32
        %mul3A_375 = arith.muli %scan3A_187, %mul3A_374 : i32
        %add3A_376 = arith.constant 7 : i32
        %add3A_377 = arith.addi %mul3A_375, %add3A_376 : i32
        %mul3A_378 = arith.constant 16 : i32
        %mul3A_379 = arith.muli %add3A_377, %mul3A_378 : i32
        %get3A_380 = arith.index_cast %mul3A_379 : i32 to index
        %get3A_381 = tpu.vector_load %arg9[%get3A_380] {strides = array<i32>} : memref<1280xf32, #tpu.memory_space<vmem>>, vector<16xf32>,
        %get3A_382 = vector.shape_cast %get3A_381 : vector<16xf32> to vector<16xf32>
        %get3A_383 = arith.index_cast %add3A_377 : i32 to index
        %get3A_384 = arith.constant 0 : index
        %get3A_385 = tpu.vector_load %arg11[%get3A_383, %get3A_384] {strides = array<i32>} : memref<80x16xf32, #tpu.memory_space<vmem>>, vector<1x16xf32>,
        %get3A_386 = vector.shape_cast %get3A_385 : vector<1x16xf32> to vector<16xf32>
        %add3A_387 = arith.addf %get3A_382, %get3A_386 : vector<16xf32>
        %get3A_388 = arith.index_cast %add3A_377 : i32 to index
        %get3A_389 = arith.constant 0 : index
        %get3A_390 = tpu.vector_load %arg13[%get3A_388, %get3A_389] {strides = array<i32>} : memref<80x16xf32, #tpu.memory_space<vmem>>, vector<1x16xf32>,
        %get3A_391 = vector.shape_cast %get3A_390 : vector<1x16xf32> to vector<16xf32>
        %add3A_392 = arith.addf %add3A_387, %get3A_391 : vector<16xf32>
        %max3A_393 = arith.constant 0.000000e+00 : f32
        %max3A_394 = vector.broadcast %max3A_393 : f32 to vector<16xf32>
        %max3A_395 = arith.maximumf %add3A_392, %max3A_394 : vector<16xf32>
        %swap3A_396 = arith.index_cast %add3A_377 : i32 to index
        %swap3A_397 = arith.constant 0 : index
        %swap3A_398 = tpu.vector_load %arg15[%swap3A_396, %swap3A_397] {strides = array<i32>} : memref<80x16xf32, #tpu.memory_space<vmem>>, vector<1x16xf32>,
        %swap3A_399 = vector.shape_cast %swap3A_398 : vector<1x16xf32> to vector<16xf32>
        %swap3A_400 = vector.shape_cast %max3A_395 : vector<16xf32> to vector<1x16xf32>
        tpu.vector_store %arg15[%swap3A_396, %swap3A_397], %swap3A_400 {strides = array<i32>} : memref<80x16xf32, #tpu.memory_space<vmem>>, vector<1x16xf32>,
        %scan3A_401 = arith.constant 1 : i32
        %scan3A_402 = arith.addi %scan3A_187, %scan3A_401 : i32
        %mul3A_403 = arith.constant 8 : i32
        %mul3A_404 = arith.muli %scan3A_402, %mul3A_403 : i32
        %add3A_405 = arith.constant 0 : i32
        %add3A_406 = arith.addi %mul3A_404, %add3A_405 : i32
        %mul3A_407 = arith.constant 16 : i32
        %mul3A_408 = arith.muli %add3A_406, %mul3A_407 : i32
        %get3A_409 = arith.index_cast %mul3A_408 : i32 to index
        %get3A_410 = tpu.vector_load %arg9[%get3A_409] {strides = array<i32>} : memref<1280xf32, #tpu.memory_space<vmem>>, vector<16xf32>,
        %get3A_411 = vector.shape_cast %get3A_410 : vector<16xf32> to vector<16xf32>
        %get3A_412 = arith.index_cast %add3A_406 : i32 to index
        %get3A_413 = arith.constant 0 : index
        %get3A_414 = tpu.vector_load %arg11[%get3A_412, %get3A_413] {strides = array<i32>} : memref<80x16xf32, #tpu.memory_space<vmem>>, vector<1x16xf32>,
        %get3A_415 = vector.shape_cast %get3A_414 : vector<1x16xf32> to vector<16xf32>
        %add3A_416 = arith.addf %get3A_411, %get3A_415 : vector<16xf32>
        %get3A_417 = arith.index_cast %add3A_406 : i32 to index
        %get3A_418 = arith.constant 0 : index
        %get3A_419 = tpu.vector_load %arg13[%get3A_417, %get3A_418] {strides = array<i32>} : memref<80x16xf32, #tpu.memory_space<vmem>>, vector<1x16xf32>,
        %get3A_420 = vector.shape_cast %get3A_419 : vector<1x16xf32> to vector<16xf32>
        %add3A_421 = arith.addf %add3A_416, %get3A_420 : vector<16xf32>
        %max3A_422 = arith.constant 0.000000e+00 : f32
        %max3A_423 = vector.broadcast %max3A_422 : f32 to vector<16xf32>
        %max3A_424 = arith.maximumf %add3A_421, %max3A_423 : vector<16xf32>
        %swap3A_425 = arith.index_cast %add3A_406 : i32 to index
        %swap3A_426 = arith.constant 0 : index
        %swap3A_427 = tpu.vector_load %arg15[%swap3A_425, %swap3A_426] {strides = array<i32>} : memref<80x16xf32, #tpu.memory_space<vmem>>, vector<1x16xf32>,
        %swap3A_428 = vector.shape_cast %swap3A_427 : vector<1x16xf32> to vector<16xf32>
        %swap3A_429 = vector.shape_cast %max3A_424 : vector<16xf32> to vector<1x16xf32>
        tpu.vector_store %arg15[%swap3A_425, %swap3A_426], %swap3A_429 {strides = array<i32>} : memref<80x16xf32, #tpu.memory_space<vmem>>, vector<1x16xf32>,
        %mul3A_430 = arith.constant 8 : i32
        %mul3A_431 = arith.muli %scan3A_402, %mul3A_430 : i32
        %add3A_432 = arith.constant 1 : i32
        %add3A_433 = arith.addi %mul3A_431, %add3A_432 : i32
        %mul3A_434 = arith.constant 16 : i32
        %mul3A_435 = arith.muli %add3A_433, %mul3A_434 : i32
        %get3A_436 = arith.index_cast %mul3A_435 : i32 to index
        %get3A_437 = tpu.vector_load %arg9[%get3A_436] {strides = array<i32>} : memref<1280xf32, #tpu.memory_space<vmem>>, vector<16xf32>,
        %get3A_438 = vector.shape_cast %get3A_437 : vector<16xf32> to vector<16xf32>
        %get3A_439 = arith.index_cast %add3A_433 : i32 to index
        %get3A_440 = arith.constant 0 : index
        %get3A_441 = tpu.vector_load %arg11[%get3A_439, %get3A_440] {strides = array<i32>} : memref<80x16xf32, #tpu.memory_space<vmem>>, vector<1x16xf32>,
        %get3A_442 = vector.shape_cast %get3A_441 : vector<1x16xf32> to vector<16xf32>
        %add3A_443 = arith.addf %get3A_438, %get3A_442 : vector<16xf32>
        %get3A_444 = arith.index_cast %add3A_433 : i32 to index
        %get3A_445 = arith.constant 0 : index
        %get3A_446 = tpu.vector_load %arg13[%get3A_444, %get3A_445] {strides = array<i32>} : memref<80x16xf32, #tpu.memory_space<vmem>>, vector<1x16xf32>,
        %get3A_447 = vector.shape_cast %get3A_446 : vector<1x16xf32> to vector<16xf32>
        %add3A_448 = arith.addf %add3A_443, %get3A_447 : vector<16xf32>
        %max3A_449 = arith.constant 0.000000e+00 : f32
        %max3A_450 = vector.broadcast %max3A_449 : f32 to vector<16xf32>
        %max3A_451 = arith.maximumf %add3A_448, %max3A_450 : vector<16xf32>
        %swap3A_452 = arith.index_cast %add3A_433 : i32 to index
        %swap3A_453 = arith.constant 0 : index
        %swap3A_454 = tpu.vector_load %arg15[%swap3A_452, %swap3A_453] {strides = array<i32>} : memref<80x16xf32, #tpu.memory_space<vmem>>, vector<1x16xf32>,
        %swap3A_455 = vector.shape_cast %swap3A_454 : vector<1x16xf32> to vector<16xf32>
        %swap3A_456 = vector.shape_cast %max3A_451 : vector<16xf32> to vector<1x16xf32>
        tpu.vector_store %arg15[%swap3A_452, %swap3A_453], %swap3A_456 {strides = array<i32>} : memref<80x16xf32, #tpu.memory_space<vmem>>, vector<1x16xf32>,
        %mul3A_457 = arith.constant 8 : i32
        %mul3A_458 = arith.muli %scan3A_402, %mul3A_457 : i32
        %add3A_459 = arith.constant 2 : i32
        %add3A_460 = arith.addi %mul3A_458, %add3A_459 : i32
        %mul3A_461 = arith.constant 16 : i32
        %mul3A_462 = arith.muli %add3A_460, %mul3A_461 : i32
        %get3A_463 = arith.index_cast %mul3A_462 : i32 to index
        %get3A_464 = tpu.vector_load %arg9[%get3A_463] {strides = array<i32>} : memref<1280xf32, #tpu.memory_space<vmem>>, vector<16xf32>,
        %get3A_465 = vector.shape_cast %get3A_464 : vector<16xf32> to vector<16xf32>
        %get3A_466 = arith.index_cast %add3A_460 : i32 to index
        %get3A_467 = arith.constant 0 : index
        %get3A_468 = tpu.vector_load %arg11[%get3A_466, %get3A_467] {strides = array<i32>} : memref<80x16xf32, #tpu.memory_space<vmem>>, vector<1x16xf32>,
        %get3A_469 = vector.shape_cast %get3A_468 : vector<1x16xf32> to vector<16xf32>
        %add3A_470 = arith.addf %get3A_465, %get3A_469 : vector<16xf32>
        %get3A_471 = arith.index_cast %add3A_460 : i32 to index
        %get3A_472 = arith.constant 0 : index
        %get3A_473 = tpu.vector_load %arg13[%get3A_471, %get3A_472] {strides = array<i32>} : memref<80x16xf32, #tpu.memory_space<vmem>>, vector<1x16xf32>,
        %get3A_474 = vector.shape_cast %get3A_473 : vector<1x16xf32> to vector<16xf32>
        %add3A_475 = arith.addf %add3A_470, %get3A_474 : vector<16xf32>
        %max3A_476 = arith.constant 0.000000e+00 : f32
        %max3A_477 = vector.broadcast %max3A_476 : f32 to vector<16xf32>
        %max3A_478 = arith.maximumf %add3A_475, %max3A_477 : vector<16xf32>
        %swap3A_479 = arith.index_cast %add3A_460 : i32 to index
        %swap3A_480 = arith.constant 0 : index
        %swap3A_481 = tpu.vector_load %arg15[%swap3A_479, %swap3A_480] {strides = array<i32>} : memref<80x16xf32, #tpu.memory_space<vmem>>, vector<1x16xf32>,
        %swap3A_482 = vector.shape_cast %swap3A_481 : vector<1x16xf32> to vector<16xf32>
        %swap3A_483 = vector.shape_cast %max3A_478 : vector<16xf32> to vector<1x16xf32>
        tpu.vector_store %arg15[%swap3A_479, %swap3A_480], %swap3A_483 {strides = array<i32>} : memref<80x16xf32, #tpu.memory_space<vmem>>, vector<1x16xf32>,
        %mul3A_484 = arith.constant 8 : i32
        %mul3A_485 = arith.muli %scan3A_402, %mul3A_484 : i32
        %add3A_486 = arith.constant 3 : i32
        %add3A_487 = arith.addi %mul3A_485, %add3A_486 : i32
        %mul3A_488 = arith.constant 16 : i32
        %mul3A_489 = arith.muli %add3A_487, %mul3A_488 : i32
        %get3A_490 = arith.index_cast %mul3A_489 : i32 to index
        %get3A_491 = tpu.vector_load %arg9[%get3A_490] {strides = array<i32>} : memref<1280xf32, #tpu.memory_space<vmem>>, vector<16xf32>,
        %get3A_492 = vector.shape_cast %get3A_491 : vector<16xf32> to vector<16xf32>
        %get3A_493 = arith.index_cast %add3A_487 : i32 to index
        %get3A_494 = arith.constant 0 : index
        %get3A_495 = tpu.vector_load %arg11[%get3A_493, %get3A_494] {strides = array<i32>} : memref<80x16xf32, #tpu.memory_space<vmem>>, vector<1x16xf32>,
        %get3A_496 = vector.shape_cast %get3A_495 : vector<1x16xf32> to vector<16xf32>
        %add3A_497 = arith.addf %get3A_492, %get3A_496 : vector<16xf32>
        %get3A_498 = arith.index_cast %add3A_487 : i32 to index
        %get3A_499 = arith.constant 0 : index
        %get3A_500 = tpu.vector_load %arg13[%get3A_498, %get3A_499] {strides = array<i32>} : memref<80x16xf32, #tpu.memory_space<vmem>>, vector<1x16xf32>,
        %get3A_501 = vector.shape_cast %get3A_500 : vector<1x16xf32> to vector<16xf32>
        %add3A_502 = arith.addf %add3A_497, %get3A_501 : vector<16xf32>
        %max3A_503 = arith.constant 0.000000e+00 : f32
        %max3A_504 = vector.broadcast %max3A_503 : f32 to vector<16xf32>
        %max3A_505 = arith.maximumf %add3A_502, %max3A_504 : vector<16xf32>
        %swap3A_506 = arith.index_cast %add3A_487 : i32 to index
        %swap3A_507 = arith.constant 0 : index
        %swap3A_508 = tpu.vector_load %arg15[%swap3A_506, %swap3A_507] {strides = array<i32>} : memref<80x16xf32, #tpu.memory_space<vmem>>, vector<1x16xf32>,
        %swap3A_509 = vector.shape_cast %swap3A_508 : vector<1x16xf32> to vector<16xf32>
        %swap3A_510 = vector.shape_cast %max3A_505 : vector<16xf32> to vector<1x16xf32>
        tpu.vector_store %arg15[%swap3A_506, %swap3A_507], %swap3A_510 {strides = array<i32>} : memref<80x16xf32, #tpu.memory_space<vmem>>, vector<1x16xf32>,
        %mul3A_511 = arith.constant 8 : i32
        %mul3A_512 = arith.muli %scan3A_402, %mul3A_511 : i32
        %add3A_513 = arith.constant 4 : i32
        %add3A_514 = arith.addi %mul3A_512, %add3A_513 : i32
        %mul3A_515 = arith.constant 16 : i32
        %mul3A_516 = arith.muli %add3A_514, %mul3A_515 : i32
        %get3A_517 = arith.index_cast %mul3A_516 : i32 to index
        %get3A_518 = tpu.vector_load %arg9[%get3A_517] {strides = array<i32>} : memref<1280xf32, #tpu.memory_space<vmem>>, vector<16xf32>,
        %get3A_519 = vector.shape_cast %get3A_518 : vector<16xf32> to vector<16xf32>
        %get3A_520 = arith.index_cast %add3A_514 : i32 to index
        %get3A_521 = arith.constant 0 : index
        %get3A_522 = tpu.vector_load %arg11[%get3A_520, %get3A_521] {strides = array<i32>} : memref<80x16xf32, #tpu.memory_space<vmem>>, vector<1x16xf32>,
        %get3A_523 = vector.shape_cast %get3A_522 : vector<1x16xf32> to vector<16xf32>
        %add3A_524 = arith.addf %get3A_519, %get3A_523 : vector<16xf32>
        %get3A_525 = arith.index_cast %add3A_514 : i32 to index
        %get3A_526 = arith.constant 0 : index
        %get3A_527 = tpu.vector_load %arg13[%get3A_525, %get3A_526] {strides = array<i32>} : memref<80x16xf32, #tpu.memory_space<vmem>>, vector<1x16xf32>,
        %get3A_528 = vector.shape_cast %get3A_527 : vector<1x16xf32> to vector<16xf32>
        %add3A_529 = arith.addf %add3A_524, %get3A_528 : vector<16xf32>
        %max3A_530 = arith.constant 0.000000e+00 : f32
        %max3A_531 = vector.broadcast %max3A_530 : f32 to vector<16xf32>
        %max3A_532 = arith.maximumf %add3A_529, %max3A_531 : vector<16xf32>
        %swap3A_533 = arith.index_cast %add3A_514 : i32 to index
        %swap3A_534 = arith.constant 0 : index
        %swap3A_535 = tpu.vector_load %arg15[%swap3A_533, %swap3A_534] {strides = array<i32>} : memref<80x16xf32, #tpu.memory_space<vmem>>, vector<1x16xf32>,
        %swap3A_536 = vector.shape_cast %swap3A_535 : vector<1x16xf32> to vector<16xf32>
        %swap3A_537 = vector.shape_cast %max3A_532 : vector<16xf32> to vector<1x16xf32>
        tpu.vector_store %arg15[%swap3A_533, %swap3A_534], %swap3A_537 {strides = array<i32>} : memref<80x16xf32, #tpu.memory_space<vmem>>, vector<1x16xf32>,
        %mul3A_538 = arith.constant 8 : i32
        %mul3A_539 = arith.muli %scan3A_402, %mul3A_538 : i32
        %add3A_540 = arith.constant 5 : i32
        %add3A_541 = arith.addi %mul3A_539, %add3A_540 : i32
        %mul3A_542 = arith.constant 16 : i32
        %mul3A_543 = arith.muli %add3A_541, %mul3A_542 : i32
        %get3A_544 = arith.index_cast %mul3A_543 : i32 to index
        %get3A_545 = tpu.vector_load %arg9[%get3A_544] {strides = array<i32>} : memref<1280xf32, #tpu.memory_space<vmem>>, vector<16xf32>,
        %get3A_546 = vector.shape_cast %get3A_545 : vector<16xf32> to vector<16xf32>
        %get3A_547 = arith.index_cast %add3A_541 : i32 to index
        %get3A_548 = arith.constant 0 : index
        %get3A_549 = tpu.vector_load %arg11[%get3A_547, %get3A_548] {strides = array<i32>} : memref<80x16xf32, #tpu.memory_space<vmem>>, vector<1x16xf32>,
        %get3A_550 = vector.shape_cast %get3A_549 : vector<1x16xf32> to vector<16xf32>
        %add3A_551 = arith.addf %get3A_546, %get3A_550 : vector<16xf32>
        %get3A_552 = arith.index_cast %add3A_541 : i32 to index
        %get3A_553 = arith.constant 0 : index
        %get3A_554 = tpu.vector_load %arg13[%get3A_552, %get3A_553] {strides = array<i32>} : memref<80x16xf32, #tpu.memory_space<vmem>>, vector<1x16xf32>,
        %get3A_555 = vector.shape_cast %get3A_554 : vector<1x16xf32> to vector<16xf32>
        %add3A_556 = arith.addf %add3A_551, %get3A_555 : vector<16xf32>
        %max3A_557 = arith.constant 0.000000e+00 : f32
        %max3A_558 = vector.broadcast %max3A_557 : f32 to vector<16xf32>
        %max3A_559 = arith.maximumf %add3A_556, %max3A_558 : vector<16xf32>
        %swap3A_560 = arith.index_cast %add3A_541 : i32 to index
        %swap3A_561 = arith.constant 0 : index
        %swap3A_562 = tpu.vector_load %arg15[%swap3A_560, %swap3A_561] {strides = array<i32>} : memref<80x16xf32, #tpu.memory_space<vmem>>, vector<1x16xf32>,
        %swap3A_563 = vector.shape_cast %swap3A_562 : vector<1x16xf32> to vector<16xf32>
        %swap3A_564 = vector.shape_cast %max3A_559 : vector<16xf32> to vector<1x16xf32>
        tpu.vector_store %arg15[%swap3A_560, %swap3A_561], %swap3A_564 {strides = array<i32>} : memref<80x16xf32, #tpu.memory_space<vmem>>, vector<1x16xf32>,
        %mul3A_565 = arith.constant 8 : i32
        %mul3A_566 = arith.muli %scan3A_402, %mul3A_565 : i32
        %add3A_567 = arith.constant 6 : i32
        %add3A_568 = arith.addi %mul3A_566, %add3A_567 : i32
        %mul3A_569 = arith.constant 16 : i32
        %mul3A_570 = arith.muli %add3A_568, %mul3A_569 : i32
        %get3A_571 = arith.index_cast %mul3A_570 : i32 to index
        %get3A_572 = tpu.vector_load %arg9[%get3A_571] {strides = array<i32>} : memref<1280xf32, #tpu.memory_space<vmem>>, vector<16xf32>,
        %get3A_573 = vector.shape_cast %get3A_572 : vector<16xf32> to vector<16xf32>
        %get3A_574 = arith.index_cast %add3A_568 : i32 to index
        %get3A_575 = arith.constant 0 : index
        %get3A_576 = tpu.vector_load %arg11[%get3A_574, %get3A_575] {strides = array<i32>} : memref<80x16xf32, #tpu.memory_space<vmem>>, vector<1x16xf32>,
        %get3A_577 = vector.shape_cast %get3A_576 : vector<1x16xf32> to vector<16xf32>
        %add3A_578 = arith.addf %get3A_573, %get3A_577 : vector<16xf32>
        %get3A_579 = arith.index_cast %add3A_568 : i32 to index
        %get3A_580 = arith.constant 0 : index
        %get3A_581 = tpu.vector_load %arg13[%get3A_579, %get3A_580] {strides = array<i32>} : memref<80x16xf32, #tpu.memory_space<vmem>>, vector<1x16xf32>,
        %get3A_582 = vector.shape_cast %get3A_581 : vector<1x16xf32> to vector<16xf32>
        %add3A_583 = arith.addf %add3A_578, %get3A_582 : vector<16xf32>
        %max3A_584 = arith.constant 0.000000e+00 : f32
        %max3A_585 = vector.broadcast %max3A_584 : f32 to vector<16xf32>
        %max3A_586 = arith.maximumf %add3A_583, %max3A_585 : vector<16xf32>
        %swap3A_587 = arith.index_cast %add3A_568 : i32 to index
        %swap3A_588 = arith.constant 0 : index
        %swap3A_589 = tpu.vector_load %arg15[%swap3A_587, %swap3A_588] {strides = array<i32>} : memref<80x16xf32, #tpu.memory_space<vmem>>, vector<1x16xf32>,
        %swap3A_590 = vector.shape_cast %swap3A_589 : vector<1x16xf32> to vector<16xf32>
        %swap3A_591 = vector.shape_cast %max3A_586 : vector<16xf32> to vector<1x16xf32>
        tpu.vector_store %arg15[%swap3A_587, %swap3A_588], %swap3A_591 {strides = array<i32>} : memref<80x16xf32, #tpu.memory_space<vmem>>, vector<1x16xf32>,
        %mul3A_592 = arith.constant 8 : i32
        %mul3A_593 = arith.muli %scan3A_402, %mul3A_592 : i32
        %add3A_594 = arith.constant 7 : i32
        %add3A_595 = arith.addi %mul3A_593, %add3A_594 : i32
        %mul3A_596 = arith.constant 16 : i32
        %mul3A_597 = arith.muli %add3A_595, %mul3A_596 : i32
        %get3A_598 = arith.index_cast %mul3A_597 : i32 to index
        %get3A_599 = tpu.vector_load %arg9[%get3A_598] {strides = array<i32>} : memref<1280xf32, #tpu.memory_space<vmem>>, vector<16xf32>,
        %get3A_600 = vector.shape_cast %get3A_599 : vector<16xf32> to vector<16xf32>
        %get3A_601 = arith.index_cast %add3A_595 : i32 to index
        %get3A_602 = arith.constant 0 : index
        %get3A_603 = tpu.vector_load %arg11[%get3A_601, %get3A_602] {strides = array<i32>} : memref<80x16xf32, #tpu.memory_space<vmem>>, vector<1x16xf32>,
        %get3A_604 = vector.shape_cast %get3A_603 : vector<1x16xf32> to vector<16xf32>
        %add3A_605 = arith.addf %get3A_600, %get3A_604 : vector<16xf32>
        %get3A_606 = arith.index_cast %add3A_595 : i32 to index
        %get3A_607 = arith.constant 0 : index
        %get3A_608 = tpu.vector_load %arg13[%get3A_606, %get3A_607] {strides = array<i32>} : memref<80x16xf32, #tpu.memory_space<vmem>>, vector<1x16xf32>,
        %get3A_609 = vector.shape_cast %get3A_608 : vector<1x16xf32> to vector<16xf32>
        %add3A_610 = arith.addf %add3A_605, %get3A_609 : vector<16xf32>
        %max3A_611 = arith.constant 0.000000e+00 : f32
        %max3A_612 = vector.broadcast %max3A_611 : f32 to vector<16xf32>
        %max3A_613 = arith.maximumf %add3A_610, %max3A_612 : vector<16xf32>
        %swap3A_614 = arith.index_cast %add3A_595 : i32 to index
        %swap3A_615 = arith.constant 0 : index
        %swap3A_616 = tpu.vector_load %arg15[%swap3A_614, %swap3A_615] {strides = array<i32>} : memref<80x16xf32, #tpu.memory_space<vmem>>, vector<1x16xf32>,
        %swap3A_617 = vector.shape_cast %swap3A_616 : vector<1x16xf32> to vector<16xf32>
        %swap3A_618 = vector.shape_cast %max3A_613 : vector<16xf32> to vector<1x16xf32>
        tpu.vector_store %arg15[%swap3A_614, %swap3A_615], %swap3A_618 {strides = array<i32>} : memref<80x16xf32, #tpu.memory_space<vmem>>, vector<1x16xf32>,
      }
      %scan3A_117 = arith.constant 10 : i32
      %mul3A_118 = arith.constant 80 : i32
      %mul3A_119 = arith.muli %mul3A_69, %mul3A_118 : i32
      %add3A_120 = arith.addi %mul3A_2, %mul3A_119 : i32
      %dma_start3A_121 = arith.constant 0 : i32
      %dma_start3A_122 = tpu.memref_slice %arg6[%add3A_120, %dma_start3A_121] : memref<320000x16xf32, #tpu.memory_space<hbm>> -> memref<80x16xf32, #tpu.memory_space<hbm>>
      %dma_start3A_123 = arith.constant 0 : i32
      %dma_start3A_124 = tpu.memref_slice %arg6[%add3A_120, %dma_start3A_123] : memref<320000x16xf32, #tpu.memory_space<hbm>> -> memref<80x16xf32, #tpu.memory_space<hbm>>
      tpu.enqueue_dma source(%arg15 : memref<80x16xf32, #tpu.memory_space<vmem>>) target(%dma_start3A_124 : memref<80x16xf32, #tpu.memory_space<hbm>>) target_semaphore(%arg23 : memref<!tpu.dma_semaphore, #tpu.memory_space<semaphore_mem>>)
      %mul3A_125 = arith.constant 2 : i32
      %mul3A_126 = arith.muli %mul3A_125, %scan3A_67 : i32
      %add3A_127 = arith.constant 1 : i32
      %add3A_128 = arith.addi %mul3A_126, %add3A_127 : i32
      %add3A_129 = arith.constant 1 : i32
      %add3A_130 = arith.addi %add3A_128, %add3A_129 : i32
      %mul3A_131 = arith.constant 80 : i32
      %mul3A_132 = arith.muli %add3A_130, %mul3A_131 : i32
      %dma_start3A_133 = tpu.memref_slice %arg7[%mul3A_132] : memref<10000xi32, #tpu.memory_space<vmem>> -> memref<80xi32, #tpu.memory_space<vmem>>
      %dma_start3A_134 = arith.constant 0 : i32
      %dma_start3A_135 = arith.constant 0 : i32
      %dma_start3A_136 = tpu.memref_slice %arg2[%dma_start3A_134, %dma_start3A_135] : memref<10000x16xf32, #tpu.memory_space<hbm>> -> memref<10000x16xf32, #tpu.memory_space<hbm>>
      tpu.enqueue_indirect_dma source(%dma_start3A_136 : memref<10000x16xf32, #tpu.memory_space<hbm>>) target(%arg11 : memref<80x16xf32, #tpu.memory_space<vmem>>) offsets(%dma_start3A_133 : memref<80xi32, #tpu.memory_space<vmem>>) semaphore(%arg19 : memref<!tpu.dma_semaphore, #tpu.memory_space<semaphore_mem>>)
      %mul3A_137 = arith.constant 80 : i32
      %mul3A_138 = arith.muli %add3A_130, %mul3A_137 : i32
      %dma_start3A_139 = tpu.memref_slice %arg8[%mul3A_138] : memref<10000xi32, #tpu.memory_space<vmem>> -> memref<80xi32, #tpu.memory_space<vmem>>
      %dma_start3A_140 = arith.constant 0 : i32
      %dma_start3A_141 = arith.constant 0 : i32
      %dma_start3A_142 = tpu.memref_slice %arg3[%dma_start3A_140, %dma_start3A_141] : memref<10000x16xf32, #tpu.memory_space<hbm>> -> memref<10000x16xf32, #tpu.memory_space<hbm>>
      tpu.enqueue_indirect_dma source(%dma_start3A_142 : memref<10000x16xf32, #tpu.memory_space<hbm>>) target(%arg13 : memref<80x16xf32, #tpu.memory_space<vmem>>) offsets(%dma_start3A_139 : memref<80xi32, #tpu.memory_space<vmem>>) semaphore(%arg21 : memref<!tpu.dma_semaphore, #tpu.memory_space<semaphore_mem>>)
      %mul3A_143 = arith.constant 80 : i32
      %mul3A_144 = arith.muli %add3A_130, %mul3A_143 : i32
      %mul3A_145 = arith.constant 16 : i32
      %mul3A_146 = arith.muli %mul3A_144, %mul3A_145 : i32
      %add3A_147 = arith.addi %mul3A_4, %mul3A_146 : i32
      %dma_start3A_148 = tpu.memref_slice %arg4[%add3A_147] : memref<5120000xf32, #tpu.memory_space<hbm>> -> memref<1280xf32, #tpu.memory_space<hbm>>
      %dma_start3A_149 = tpu.memref_slice %arg4[%add3A_147] : memref<5120000xf32, #tpu.memory_space<hbm>> -> memref<1280xf32, #tpu.memory_space<hbm>>
      tpu.enqueue_dma source(%dma_start3A_149 : memref<1280xf32, #tpu.memory_space<hbm>>) target(%arg9 : memref<1280xf32, #tpu.memory_space<vmem>>) target_semaphore(%arg17 : memref<!tpu.dma_semaphore, #tpu.memory_space<semaphore_mem>>)
      %mul3A_150 = arith.constant 80 : i32
      %mul3A_151 = arith.muli %add3A_128, %mul3A_150 : i32
      %dma_wait3A_152 = tpu.memref_slice %arg7[%mul3A_151] : memref<10000xi32, #tpu.memory_space<vmem>> -> memref<80xi32, #tpu.memory_space<vmem>>
      %dma_wait3A_153 = arith.constant 0 : i32
      %dma_wait3A_154 = arith.constant 0 : i32
      %dma_wait3A_155 = tpu.memref_slice %arg2[%dma_wait3A_153, %dma_wait3A_154] : memref<10000x16xf32, #tpu.memory_space<hbm>> -> memref<10000x16xf32, #tpu.memory_space<hbm>>
      tpu.wait_indirect_dma semaphore(%arg20 : memref<!tpu.dma_semaphore, #tpu.memory_space<semaphore_mem>>) src(%dma_wait3A_155 : memref<10000x16xf32, #tpu.memory_space<hbm>>) dst(%arg12 : memref<80x16xf32, #tpu.memory_space<vmem>>)
      %mul3A_156 = arith.constant 80 : i32
      %mul3A_157 = arith.muli %add3A_128, %mul3A_156 : i32
      %dma_wait3A_158 = tpu.memref_slice %arg8[%mul3A_157] : memref<10000xi32, #tpu.memory_space<vmem>> -> memref<80xi32, #tpu.memory_space<vmem>>
      %dma_wait3A_159 = arith.constant 0 : i32
      %dma_wait3A_160 = arith.constant 0 : i32
      %dma_wait3A_161 = tpu.memref_slice %arg3[%dma_wait3A_159, %dma_wait3A_160] : memref<10000x16xf32, #tpu.memory_space<hbm>> -> memref<10000x16xf32, #tpu.memory_space<hbm>>
      tpu.wait_indirect_dma semaphore(%arg22 : memref<!tpu.dma_semaphore, #tpu.memory_space<semaphore_mem>>) src(%dma_wait3A_161 : memref<10000x16xf32, #tpu.memory_space<hbm>>) dst(%arg14 : memref<80x16xf32, #tpu.memory_space<vmem>>)
      %mul3A_162 = arith.constant 80 : i32
      %mul3A_163 = arith.muli %add3A_128, %mul3A_162 : i32
      %mul3A_164 = arith.constant 16 : i32
      %mul3A_165 = arith.muli %mul3A_163, %mul3A_164 : i32
      %add3A_166 = arith.addi %mul3A_4, %mul3A_165 : i32
      %dma_wait3A_167 = tpu.memref_slice %arg4[%add3A_166] : memref<5120000xf32, #tpu.memory_space<hbm>> -> memref<1280xf32, #tpu.memory_space<hbm>>
      %dma_wait3A_168 = tpu.memref_slice %arg4[%add3A_166] : memref<5120000xf32, #tpu.memory_space<hbm>> -> memref<1280xf32, #tpu.memory_space<hbm>>
      tpu.wait_dma2 semaphore(%arg18 : memref<!tpu.dma_semaphore, #tpu.memory_space<semaphore_mem>>) src(%dma_wait3A_168 : memref<1280xf32, #tpu.memory_space<hbm>>) dst(%arg10 : memref<1280xf32, #tpu.memory_space<vmem>>)
      %ge3A_169 = arith.constant 2 : i32
      %ge3A_170 = arith.cmpi sge, %add3A_128, %ge3A_169 : i32
      %convert_element_type3A_171 = arith.extui %ge3A_170 : i1 to i32
      %cond3A_172 = arith.constant 0 : i32
      %cond3A_173 = arith.cmpi ne, %convert_element_type3A_171, %cond3A_172 : i32
      scf.if %cond3A_173 {
        %sub3A = arith.constant 2 : i32
        %sub3A_187 = arith.subi %add3A_128, %sub3A : i32
        %mul3A_188 = arith.constant 80 : i32
        %mul3A_189 = arith.muli %sub3A_187, %mul3A_188 : i32
        %add3A_190 = arith.addi %mul3A_2, %mul3A_189 : i32
        %dma_wait3A_191 = arith.constant 0 : i32
        %dma_wait3A_192 = tpu.memref_slice %arg6[%add3A_190, %dma_wait3A_191] : memref<320000x16xf32, #tpu.memory_space<hbm>> -> memref<80x16xf32, #tpu.memory_space<hbm>>
        %dma_wait3A_193 = arith.constant 0 : i32
        %dma_wait3A_194 = tpu.memref_slice %arg6[%add3A_190, %dma_wait3A_193] : memref<320000x16xf32, #tpu.memory_space<hbm>> -> memref<80x16xf32, #tpu.memory_space<hbm>>
        tpu.wait_dma2 semaphore(%arg24 : memref<!tpu.dma_semaphore, #tpu.memory_space<semaphore_mem>>) src(%arg16 : memref<80x16xf32, #tpu.memory_space<vmem>>) dst(%dma_wait3A_194 : memref<80x16xf32, #tpu.memory_space<hbm>>)
      } else {
      }
      %scan3A_174 = arith.constant 0 : i32
      %scan3A_175 = arith.constant 0 : i32
      %scan3A_176 = arith.constant 10 : i32
      %scan3A_177 = arith.addi %scan3A_175, %scan3A_176 : i32
      %scan3A_178 = arith.constant 2 : i32
      scf.for %scan3A_187 = %scan3A_175 to %scan3A_177 step %scan3A_178  : i32 {
        %mul3A_188 = arith.constant 8 : i32
        %mul3A_189 = arith.muli %scan3A_187, %mul3A_188 : i32
        %add3A_190 = arith.constant 0 : i32
        %add3A_191 = arith.addi %mul3A_189, %add3A_190 : i32
        %mul3A_192 = arith.constant 16 : i32
        %mul3A_193 = arith.muli %add3A_191, %mul3A_192 : i32
        %get3A = arith.index_cast %mul3A_193 : i32 to index
        %get3A_194 = tpu.vector_load %arg10[%get3A] {strides = array<i32>} : memref<1280xf32, #tpu.memory_space<vmem>>, vector<16xf32>,
        %get3A_195 = vector.shape_cast %get3A_194 : vector<16xf32> to vector<16xf32>
        %get3A_196 = arith.index_cast %add3A_191 : i32 to index
        %get3A_197 = arith.constant 0 : index
        %get3A_198 = tpu.vector_load %arg12[%get3A_196, %get3A_197] {strides = array<i32>} : memref<80x16xf32, #tpu.memory_space<vmem>>, vector<1x16xf32>,
        %get3A_199 = vector.shape_cast %get3A_198 : vector<1x16xf32> to vector<16xf32>
        %add3A_200 = arith.addf %get3A_195, %get3A_199 : vector<16xf32>
        %get3A_201 = arith.index_cast %add3A_191 : i32 to index
        %get3A_202 = arith.constant 0 : index
        %get3A_203 = tpu.vector_load %arg14[%get3A_201, %get3A_202] {strides = array<i32>} : memref<80x16xf32, #tpu.memory_space<vmem>>, vector<1x16xf32>,
        %get3A_204 = vector.shape_cast %get3A_203 : vector<1x16xf32> to vector<16xf32>
        %add3A_205 = arith.addf %add3A_200, %get3A_204 : vector<16xf32>
        %max3A = arith.constant 0.000000e+00 : f32
        %max3A_206 = vector.broadcast %max3A : f32 to vector<16xf32>
        %max3A_207 = arith.maximumf %add3A_205, %max3A_206 : vector<16xf32>
        %swap3A = arith.index_cast %add3A_191 : i32 to index
        %swap3A_208 = arith.constant 0 : index
        %swap3A_209 = tpu.vector_load %arg16[%swap3A, %swap3A_208] {strides = array<i32>} : memref<80x16xf32, #tpu.memory_space<vmem>>, vector<1x16xf32>,
        %swap3A_210 = vector.shape_cast %swap3A_209 : vector<1x16xf32> to vector<16xf32>
        %swap3A_211 = vector.shape_cast %max3A_207 : vector<16xf32> to vector<1x16xf32>
        tpu.vector_store %arg16[%swap3A, %swap3A_208], %swap3A_211 {strides = array<i32>} : memref<80x16xf32, #tpu.memory_space<vmem>>, vector<1x16xf32>,
        %mul3A_212 = arith.constant 8 : i32
        %mul3A_213 = arith.muli %scan3A_187, %mul3A_212 : i32
        %add3A_214 = arith.constant 1 : i32
        %add3A_215 = arith.addi %mul3A_213, %add3A_214 : i32
        %mul3A_216 = arith.constant 16 : i32
        %mul3A_217 = arith.muli %add3A_215, %mul3A_216 : i32
        %get3A_218 = arith.index_cast %mul3A_217 : i32 to index
        %get3A_219 = tpu.vector_load %arg10[%get3A_218] {strides = array<i32>} : memref<1280xf32, #tpu.memory_space<vmem>>, vector<16xf32>,
        %get3A_220 = vector.shape_cast %get3A_219 : vector<16xf32> to vector<16xf32>
        %get3A_221 = arith.index_cast %add3A_215 : i32 to index
        %get3A_222 = arith.constant 0 : index
        %get3A_223 = tpu.vector_load %arg12[%get3A_221, %get3A_222] {strides = array<i32>} : memref<80x16xf32, #tpu.memory_space<vmem>>, vector<1x16xf32>,
        %get3A_224 = vector.shape_cast %get3A_223 : vector<1x16xf32> to vector<16xf32>
        %add3A_225 = arith.addf %get3A_220, %get3A_224 : vector<16xf32>
        %get3A_226 = arith.index_cast %add3A_215 : i32 to index
        %get3A_227 = arith.constant 0 : index
        %get3A_228 = tpu.vector_load %arg14[%get3A_226, %get3A_227] {strides = array<i32>} : memref<80x16xf32, #tpu.memory_space<vmem>>, vector<1x16xf32>,
        %get3A_229 = vector.shape_cast %get3A_228 : vector<1x16xf32> to vector<16xf32>
        %add3A_230 = arith.addf %add3A_225, %get3A_229 : vector<16xf32>
        %max3A_231 = arith.constant 0.000000e+00 : f32
        %max3A_232 = vector.broadcast %max3A_231 : f32 to vector<16xf32>
        %max3A_233 = arith.maximumf %add3A_230, %max3A_232 : vector<16xf32>
        %swap3A_234 = arith.index_cast %add3A_215 : i32 to index
        %swap3A_235 = arith.constant 0 : index
        %swap3A_236 = tpu.vector_load %arg16[%swap3A_234, %swap3A_235] {strides = array<i32>} : memref<80x16xf32, #tpu.memory_space<vmem>>, vector<1x16xf32>,
        %swap3A_237 = vector.shape_cast %swap3A_236 : vector<1x16xf32> to vector<16xf32>
        %swap3A_238 = vector.shape_cast %max3A_233 : vector<16xf32> to vector<1x16xf32>
        tpu.vector_store %arg16[%swap3A_234, %swap3A_235], %swap3A_238 {strides = array<i32>} : memref<80x16xf32, #tpu.memory_space<vmem>>, vector<1x16xf32>,
        %mul3A_239 = arith.constant 8 : i32
        %mul3A_240 = arith.muli %scan3A_187, %mul3A_239 : i32
        %add3A_241 = arith.constant 2 : i32
        %add3A_242 = arith.addi %mul3A_240, %add3A_241 : i32
        %mul3A_243 = arith.constant 16 : i32
        %mul3A_244 = arith.muli %add3A_242, %mul3A_243 : i32
        %get3A_245 = arith.index_cast %mul3A_244 : i32 to index
        %get3A_246 = tpu.vector_load %arg10[%get3A_245] {strides = array<i32>} : memref<1280xf32, #tpu.memory_space<vmem>>, vector<16xf32>,
        %get3A_247 = vector.shape_cast %get3A_246 : vector<16xf32> to vector<16xf32>
        %get3A_248 = arith.index_cast %add3A_242 : i32 to index
        %get3A_249 = arith.constant 0 : index
        %get3A_250 = tpu.vector_load %arg12[%get3A_248, %get3A_249] {strides = array<i32>} : memref<80x16xf32, #tpu.memory_space<vmem>>, vector<1x16xf32>,
        %get3A_251 = vector.shape_cast %get3A_250 : vector<1x16xf32> to vector<16xf32>
        %add3A_252 = arith.addf %get3A_247, %get3A_251 : vector<16xf32>
        %get3A_253 = arith.index_cast %add3A_242 : i32 to index
        %get3A_254 = arith.constant 0 : index
        %get3A_255 = tpu.vector_load %arg14[%get3A_253, %get3A_254] {strides = array<i32>} : memref<80x16xf32, #tpu.memory_space<vmem>>, vector<1x16xf32>,
        %get3A_256 = vector.shape_cast %get3A_255 : vector<1x16xf32> to vector<16xf32>
        %add3A_257 = arith.addf %add3A_252, %get3A_256 : vector<16xf32>
        %max3A_258 = arith.constant 0.000000e+00 : f32
        %max3A_259 = vector.broadcast %max3A_258 : f32 to vector<16xf32>
        %max3A_260 = arith.maximumf %add3A_257, %max3A_259 : vector<16xf32>
        %swap3A_261 = arith.index_cast %add3A_242 : i32 to index
        %swap3A_262 = arith.constant 0 : index
        %swap3A_263 = tpu.vector_load %arg16[%swap3A_261, %swap3A_262] {strides = array<i32>} : memref<80x16xf32, #tpu.memory_space<vmem>>, vector<1x16xf32>,
        %swap3A_264 = vector.shape_cast %swap3A_263 : vector<1x16xf32> to vector<16xf32>
        %swap3A_265 = vector.shape_cast %max3A_260 : vector<16xf32> to vector<1x16xf32>
        tpu.vector_store %arg16[%swap3A_261, %swap3A_262], %swap3A_265 {strides = array<i32>} : memref<80x16xf32, #tpu.memory_space<vmem>>, vector<1x16xf32>,
        %mul3A_266 = arith.constant 8 : i32
        %mul3A_267 = arith.muli %scan3A_187, %mul3A_266 : i32
        %add3A_268 = arith.constant 3 : i32
        %add3A_269 = arith.addi %mul3A_267, %add3A_268 : i32
        %mul3A_270 = arith.constant 16 : i32
        %mul3A_271 = arith.muli %add3A_269, %mul3A_270 : i32
        %get3A_272 = arith.index_cast %mul3A_271 : i32 to index
        %get3A_273 = tpu.vector_load %arg10[%get3A_272] {strides = array<i32>} : memref<1280xf32, #tpu.memory_space<vmem>>, vector<16xf32>,
        %get3A_274 = vector.shape_cast %get3A_273 : vector<16xf32> to vector<16xf32>
        %get3A_275 = arith.index_cast %add3A_269 : i32 to index
        %get3A_276 = arith.constant 0 : index
        %get3A_277 = tpu.vector_load %arg12[%get3A_275, %get3A_276] {strides = array<i32>} : memref<80x16xf32, #tpu.memory_space<vmem>>, vector<1x16xf32>,
        %get3A_278 = vector.shape_cast %get3A_277 : vector<1x16xf32> to vector<16xf32>
        %add3A_279 = arith.addf %get3A_274, %get3A_278 : vector<16xf32>
        %get3A_280 = arith.index_cast %add3A_269 : i32 to index
        %get3A_281 = arith.constant 0 : index
        %get3A_282 = tpu.vector_load %arg14[%get3A_280, %get3A_281] {strides = array<i32>} : memref<80x16xf32, #tpu.memory_space<vmem>>, vector<1x16xf32>,
        %get3A_283 = vector.shape_cast %get3A_282 : vector<1x16xf32> to vector<16xf32>
        %add3A_284 = arith.addf %add3A_279, %get3A_283 : vector<16xf32>
        %max3A_285 = arith.constant 0.000000e+00 : f32
        %max3A_286 = vector.broadcast %max3A_285 : f32 to vector<16xf32>
        %max3A_287 = arith.maximumf %add3A_284, %max3A_286 : vector<16xf32>
        %swap3A_288 = arith.index_cast %add3A_269 : i32 to index
        %swap3A_289 = arith.constant 0 : index
        %swap3A_290 = tpu.vector_load %arg16[%swap3A_288, %swap3A_289] {strides = array<i32>} : memref<80x16xf32, #tpu.memory_space<vmem>>, vector<1x16xf32>,
        %swap3A_291 = vector.shape_cast %swap3A_290 : vector<1x16xf32> to vector<16xf32>
        %swap3A_292 = vector.shape_cast %max3A_287 : vector<16xf32> to vector<1x16xf32>
        tpu.vector_store %arg16[%swap3A_288, %swap3A_289], %swap3A_292 {strides = array<i32>} : memref<80x16xf32, #tpu.memory_space<vmem>>, vector<1x16xf32>,
        %mul3A_293 = arith.constant 8 : i32
        %mul3A_294 = arith.muli %scan3A_187, %mul3A_293 : i32
        %add3A_295 = arith.constant 4 : i32
        %add3A_296 = arith.addi %mul3A_294, %add3A_295 : i32
        %mul3A_297 = arith.constant 16 : i32
        %mul3A_298 = arith.muli %add3A_296, %mul3A_297 : i32
        %get3A_299 = arith.index_cast %mul3A_298 : i32 to index
        %get3A_300 = tpu.vector_load %arg10[%get3A_299] {strides = array<i32>} : memref<1280xf32, #tpu.memory_space<vmem>>, vector<16xf32>,
        %get3A_301 = vector.shape_cast %get3A_300 : vector<16xf32> to vector<16xf32>
        %get3A_302 = arith.index_cast %add3A_296 : i32 to index
        %get3A_303 = arith.constant 0 : index
        %get3A_304 = tpu.vector_load %arg12[%get3A_302, %get3A_303] {strides = array<i32>} : memref<80x16xf32, #tpu.memory_space<vmem>>, vector<1x16xf32>,
        %get3A_305 = vector.shape_cast %get3A_304 : vector<1x16xf32> to vector<16xf32>
        %add3A_306 = arith.addf %get3A_301, %get3A_305 : vector<16xf32>
        %get3A_307 = arith.index_cast %add3A_296 : i32 to index
        %get3A_308 = arith.constant 0 : index
        %get3A_309 = tpu.vector_load %arg14[%get3A_307, %get3A_308] {strides = array<i32>} : memref<80x16xf32, #tpu.memory_space<vmem>>, vector<1x16xf32>,
        %get3A_310 = vector.shape_cast %get3A_309 : vector<1x16xf32> to vector<16xf32>
        %add3A_311 = arith.addf %add3A_306, %get3A_310 : vector<16xf32>
        %max3A_312 = arith.constant 0.000000e+00 : f32
        %max3A_313 = vector.broadcast %max3A_312 : f32 to vector<16xf32>
        %max3A_314 = arith.maximumf %add3A_311, %max3A_313 : vector<16xf32>
        %swap3A_315 = arith.index_cast %add3A_296 : i32 to index
        %swap3A_316 = arith.constant 0 : index
        %swap3A_317 = tpu.vector_load %arg16[%swap3A_315, %swap3A_316] {strides = array<i32>} : memref<80x16xf32, #tpu.memory_space<vmem>>, vector<1x16xf32>,
        %swap3A_318 = vector.shape_cast %swap3A_317 : vector<1x16xf32> to vector<16xf32>
        %swap3A_319 = vector.shape_cast %max3A_314 : vector<16xf32> to vector<1x16xf32>
        tpu.vector_store %arg16[%swap3A_315, %swap3A_316], %swap3A_319 {strides = array<i32>} : memref<80x16xf32, #tpu.memory_space<vmem>>, vector<1x16xf32>,
        %mul3A_320 = arith.constant 8 : i32
        %mul3A_321 = arith.muli %scan3A_187, %mul3A_320 : i32
        %add3A_322 = arith.constant 5 : i32
        %add3A_323 = arith.addi %mul3A_321, %add3A_322 : i32
        %mul3A_324 = arith.constant 16 : i32
        %mul3A_325 = arith.muli %add3A_323, %mul3A_324 : i32
        %get3A_326 = arith.index_cast %mul3A_325 : i32 to index
        %get3A_327 = tpu.vector_load %arg10[%get3A_326] {strides = array<i32>} : memref<1280xf32, #tpu.memory_space<vmem>>, vector<16xf32>,
        %get3A_328 = vector.shape_cast %get3A_327 : vector<16xf32> to vector<16xf32>
        %get3A_329 = arith.index_cast %add3A_323 : i32 to index
        %get3A_330 = arith.constant 0 : index
        %get3A_331 = tpu.vector_load %arg12[%get3A_329, %get3A_330] {strides = array<i32>} : memref<80x16xf32, #tpu.memory_space<vmem>>, vector<1x16xf32>,
        %get3A_332 = vector.shape_cast %get3A_331 : vector<1x16xf32> to vector<16xf32>
        %add3A_333 = arith.addf %get3A_328, %get3A_332 : vector<16xf32>
        %get3A_334 = arith.index_cast %add3A_323 : i32 to index
        %get3A_335 = arith.constant 0 : index
        %get3A_336 = tpu.vector_load %arg14[%get3A_334, %get3A_335] {strides = array<i32>} : memref<80x16xf32, #tpu.memory_space<vmem>>, vector<1x16xf32>,
        %get3A_337 = vector.shape_cast %get3A_336 : vector<1x16xf32> to vector<16xf32>
        %add3A_338 = arith.addf %add3A_333, %get3A_337 : vector<16xf32>
        %max3A_339 = arith.constant 0.000000e+00 : f32
        %max3A_340 = vector.broadcast %max3A_339 : f32 to vector<16xf32>
        %max3A_341 = arith.maximumf %add3A_338, %max3A_340 : vector<16xf32>
        %swap3A_342 = arith.index_cast %add3A_323 : i32 to index
        %swap3A_343 = arith.constant 0 : index
        %swap3A_344 = tpu.vector_load %arg16[%swap3A_342, %swap3A_343] {strides = array<i32>} : memref<80x16xf32, #tpu.memory_space<vmem>>, vector<1x16xf32>,
        %swap3A_345 = vector.shape_cast %swap3A_344 : vector<1x16xf32> to vector<16xf32>
        %swap3A_346 = vector.shape_cast %max3A_341 : vector<16xf32> to vector<1x16xf32>
        tpu.vector_store %arg16[%swap3A_342, %swap3A_343], %swap3A_346 {strides = array<i32>} : memref<80x16xf32, #tpu.memory_space<vmem>>, vector<1x16xf32>,
        %mul3A_347 = arith.constant 8 : i32
        %mul3A_348 = arith.muli %scan3A_187, %mul3A_347 : i32
        %add3A_349 = arith.constant 6 : i32
        %add3A_350 = arith.addi %mul3A_348, %add3A_349 : i32
        %mul3A_351 = arith.constant 16 : i32
        %mul3A_352 = arith.muli %add3A_350, %mul3A_351 : i32
        %get3A_353 = arith.index_cast %mul3A_352 : i32 to index
        %get3A_354 = tpu.vector_load %arg10[%get3A_353] {strides = array<i32>} : memref<1280xf32, #tpu.memory_space<vmem>>, vector<16xf32>,
        %get3A_355 = vector.shape_cast %get3A_354 : vector<16xf32> to vector<16xf32>
        %get3A_356 = arith.index_cast %add3A_350 : i32 to index
        %get3A_357 = arith.constant 0 : index
        %get3A_358 = tpu.vector_load %arg12[%get3A_356, %get3A_357] {strides = array<i32>} : memref<80x16xf32, #tpu.memory_space<vmem>>, vector<1x16xf32>,
        %get3A_359 = vector.shape_cast %get3A_358 : vector<1x16xf32> to vector<16xf32>
        %add3A_360 = arith.addf %get3A_355, %get3A_359 : vector<16xf32>
        %get3A_361 = arith.index_cast %add3A_350 : i32 to index
        %get3A_362 = arith.constant 0 : index
        %get3A_363 = tpu.vector_load %arg14[%get3A_361, %get3A_362] {strides = array<i32>} : memref<80x16xf32, #tpu.memory_space<vmem>>, vector<1x16xf32>,
        %get3A_364 = vector.shape_cast %get3A_363 : vector<1x16xf32> to vector<16xf32>
        %add3A_365 = arith.addf %add3A_360, %get3A_364 : vector<16xf32>
        %max3A_366 = arith.constant 0.000000e+00 : f32
        %max3A_367 = vector.broadcast %max3A_366 : f32 to vector<16xf32>
        %max3A_368 = arith.maximumf %add3A_365, %max3A_367 : vector<16xf32>
        %swap3A_369 = arith.index_cast %add3A_350 : i32 to index
        %swap3A_370 = arith.constant 0 : index
        %swap3A_371 = tpu.vector_load %arg16[%swap3A_369, %swap3A_370] {strides = array<i32>} : memref<80x16xf32, #tpu.memory_space<vmem>>, vector<1x16xf32>,
        %swap3A_372 = vector.shape_cast %swap3A_371 : vector<1x16xf32> to vector<16xf32>
        %swap3A_373 = vector.shape_cast %max3A_368 : vector<16xf32> to vector<1x16xf32>
        tpu.vector_store %arg16[%swap3A_369, %swap3A_370], %swap3A_373 {strides = array<i32>} : memref<80x16xf32, #tpu.memory_space<vmem>>, vector<1x16xf32>,
        %mul3A_374 = arith.constant 8 : i32
        %mul3A_375 = arith.muli %scan3A_187, %mul3A_374 : i32
        %add3A_376 = arith.constant 7 : i32
        %add3A_377 = arith.addi %mul3A_375, %add3A_376 : i32
        %mul3A_378 = arith.constant 16 : i32
        %mul3A_379 = arith.muli %add3A_377, %mul3A_378 : i32
        %get3A_380 = arith.index_cast %mul3A_379 : i32 to index
        %get3A_381 = tpu.vector_load %arg10[%get3A_380] {strides = array<i32>} : memref<1280xf32, #tpu.memory_space<vmem>>, vector<16xf32>,
        %get3A_382 = vector.shape_cast %get3A_381 : vector<16xf32> to vector<16xf32>
        %get3A_383 = arith.index_cast %add3A_377 : i32 to index
        %get3A_384 = arith.constant 0 : index
        %get3A_385 = tpu.vector_load %arg12[%get3A_383, %get3A_384] {strides = array<i32>} : memref<80x16xf32, #tpu.memory_space<vmem>>, vector<1x16xf32>,
        %get3A_386 = vector.shape_cast %get3A_385 : vector<1x16xf32> to vector<16xf32>
        %add3A_387 = arith.addf %get3A_382, %get3A_386 : vector<16xf32>
        %get3A_388 = arith.index_cast %add3A_377 : i32 to index
        %get3A_389 = arith.constant 0 : index
        %get3A_390 = tpu.vector_load %arg14[%get3A_388, %get3A_389] {strides = array<i32>} : memref<80x16xf32, #tpu.memory_space<vmem>>, vector<1x16xf32>,
        %get3A_391 = vector.shape_cast %get3A_390 : vector<1x16xf32> to vector<16xf32>
        %add3A_392 = arith.addf %add3A_387, %get3A_391 : vector<16xf32>
        %max3A_393 = arith.constant 0.000000e+00 : f32
        %max3A_394 = vector.broadcast %max3A_393 : f32 to vector<16xf32>
        %max3A_395 = arith.maximumf %add3A_392, %max3A_394 : vector<16xf32>
        %swap3A_396 = arith.index_cast %add3A_377 : i32 to index
        %swap3A_397 = arith.constant 0 : index
        %swap3A_398 = tpu.vector_load %arg16[%swap3A_396, %swap3A_397] {strides = array<i32>} : memref<80x16xf32, #tpu.memory_space<vmem>>, vector<1x16xf32>,
        %swap3A_399 = vector.shape_cast %swap3A_398 : vector<1x16xf32> to vector<16xf32>
        %swap3A_400 = vector.shape_cast %max3A_395 : vector<16xf32> to vector<1x16xf32>
        tpu.vector_store %arg16[%swap3A_396, %swap3A_397], %swap3A_400 {strides = array<i32>} : memref<80x16xf32, #tpu.memory_space<vmem>>, vector<1x16xf32>,
        %scan3A_401 = arith.constant 1 : i32
        %scan3A_402 = arith.addi %scan3A_187, %scan3A_401 : i32
        %mul3A_403 = arith.constant 8 : i32
        %mul3A_404 = arith.muli %scan3A_402, %mul3A_403 : i32
        %add3A_405 = arith.constant 0 : i32
        %add3A_406 = arith.addi %mul3A_404, %add3A_405 : i32
        %mul3A_407 = arith.constant 16 : i32
        %mul3A_408 = arith.muli %add3A_406, %mul3A_407 : i32
        %get3A_409 = arith.index_cast %mul3A_408 : i32 to index
        %get3A_410 = tpu.vector_load %arg10[%get3A_409] {strides = array<i32>} : memref<1280xf32, #tpu.memory_space<vmem>>, vector<16xf32>,
        %get3A_411 = vector.shape_cast %get3A_410 : vector<16xf32> to vector<16xf32>
        %get3A_412 = arith.index_cast %add3A_406 : i32 to index
        %get3A_413 = arith.constant 0 : index
        %get3A_414 = tpu.vector_load %arg12[%get3A_412, %get3A_413] {strides = array<i32>} : memref<80x16xf32, #tpu.memory_space<vmem>>, vector<1x16xf32>,
        %get3A_415 = vector.shape_cast %get3A_414 : vector<1x16xf32> to vector<16xf32>
        %add3A_416 = arith.addf %get3A_411, %get3A_415 : vector<16xf32>
        %get3A_417 = arith.index_cast %add3A_406 : i32 to index
        %get3A_418 = arith.constant 0 : index
        %get3A_419 = tpu.vector_load %arg14[%get3A_417, %get3A_418] {strides = array<i32>} : memref<80x16xf32, #tpu.memory_space<vmem>>, vector<1x16xf32>,
        %get3A_420 = vector.shape_cast %get3A_419 : vector<1x16xf32> to vector<16xf32>
        %add3A_421 = arith.addf %add3A_416, %get3A_420 : vector<16xf32>
        %max3A_422 = arith.constant 0.000000e+00 : f32
        %max3A_423 = vector.broadcast %max3A_422 : f32 to vector<16xf32>
        %max3A_424 = arith.maximumf %add3A_421, %max3A_423 : vector<16xf32>
        %swap3A_425 = arith.index_cast %add3A_406 : i32 to index
        %swap3A_426 = arith.constant 0 : index
        %swap3A_427 = tpu.vector_load %arg16[%swap3A_425, %swap3A_426] {strides = array<i32>} : memref<80x16xf32, #tpu.memory_space<vmem>>, vector<1x16xf32>,
        %swap3A_428 = vector.shape_cast %swap3A_427 : vector<1x16xf32> to vector<16xf32>
        %swap3A_429 = vector.shape_cast %max3A_424 : vector<16xf32> to vector<1x16xf32>
        tpu.vector_store %arg16[%swap3A_425, %swap3A_426], %swap3A_429 {strides = array<i32>} : memref<80x16xf32, #tpu.memory_space<vmem>>, vector<1x16xf32>,
        %mul3A_430 = arith.constant 8 : i32
        %mul3A_431 = arith.muli %scan3A_402, %mul3A_430 : i32
        %add3A_432 = arith.constant 1 : i32
        %add3A_433 = arith.addi %mul3A_431, %add3A_432 : i32
        %mul3A_434 = arith.constant 16 : i32
        %mul3A_435 = arith.muli %add3A_433, %mul3A_434 : i32
        %get3A_436 = arith.index_cast %mul3A_435 : i32 to index
        %get3A_437 = tpu.vector_load %arg10[%get3A_436] {strides = array<i32>} : memref<1280xf32, #tpu.memory_space<vmem>>, vector<16xf32>,
        %get3A_438 = vector.shape_cast %get3A_437 : vector<16xf32> to vector<16xf32>
        %get3A_439 = arith.index_cast %add3A_433 : i32 to index
        %get3A_440 = arith.constant 0 : index
        %get3A_441 = tpu.vector_load %arg12[%get3A_439, %get3A_440] {strides = array<i32>} : memref<80x16xf32, #tpu.memory_space<vmem>>, vector<1x16xf32>,
        %get3A_442 = vector.shape_cast %get3A_441 : vector<1x16xf32> to vector<16xf32>
        %add3A_443 = arith.addf %get3A_438, %get3A_442 : vector<16xf32>
        %get3A_444 = arith.index_cast %add3A_433 : i32 to index
        %get3A_445 = arith.constant 0 : index
        %get3A_446 = tpu.vector_load %arg14[%get3A_444, %get3A_445] {strides = array<i32>} : memref<80x16xf32, #tpu.memory_space<vmem>>, vector<1x16xf32>,
        %get3A_447 = vector.shape_cast %get3A_446 : vector<1x16xf32> to vector<16xf32>
        %add3A_448 = arith.addf %add3A_443, %get3A_447 : vector<16xf32>
        %max3A_449 = arith.constant 0.000000e+00 : f32
        %max3A_450 = vector.broadcast %max3A_449 : f32 to vector<16xf32>
        %max3A_451 = arith.maximumf %add3A_448, %max3A_450 : vector<16xf32>
        %swap3A_452 = arith.index_cast %add3A_433 : i32 to index
        %swap3A_453 = arith.constant 0 : index
        %swap3A_454 = tpu.vector_load %arg16[%swap3A_452, %swap3A_453] {strides = array<i32>} : memref<80x16xf32, #tpu.memory_space<vmem>>, vector<1x16xf32>,
        %swap3A_455 = vector.shape_cast %swap3A_454 : vector<1x16xf32> to vector<16xf32>
        %swap3A_456 = vector.shape_cast %max3A_451 : vector<16xf32> to vector<1x16xf32>
        tpu.vector_store %arg16[%swap3A_452, %swap3A_453], %swap3A_456 {strides = array<i32>} : memref<80x16xf32, #tpu.memory_space<vmem>>, vector<1x16xf32>,
        %mul3A_457 = arith.constant 8 : i32
        %mul3A_458 = arith.muli %scan3A_402, %mul3A_457 : i32
        %add3A_459 = arith.constant 2 : i32
        %add3A_460 = arith.addi %mul3A_458, %add3A_459 : i32
        %mul3A_461 = arith.constant 16 : i32
        %mul3A_462 = arith.muli %add3A_460, %mul3A_461 : i32
        %get3A_463 = arith.index_cast %mul3A_462 : i32 to index
        %get3A_464 = tpu.vector_load %arg10[%get3A_463] {strides = array<i32>} : memref<1280xf32, #tpu.memory_space<vmem>>, vector<16xf32>,
        %get3A_465 = vector.shape_cast %get3A_464 : vector<16xf32> to vector<16xf32>
        %get3A_466 = arith.index_cast %add3A_460 : i32 to index
        %get3A_467 = arith.constant 0 : index
        %get3A_468 = tpu.vector_load %arg12[%get3A_466, %get3A_467] {strides = array<i32>} : memref<80x16xf32, #tpu.memory_space<vmem>>, vector<1x16xf32>,
        %get3A_469 = vector.shape_cast %get3A_468 : vector<1x16xf32> to vector<16xf32>
        %add3A_470 = arith.addf %get3A_465, %get3A_469 : vector<16xf32>
        %get3A_471 = arith.index_cast %add3A_460 : i32 to index
        %get3A_472 = arith.constant 0 : index
        %get3A_473 = tpu.vector_load %arg14[%get3A_471, %get3A_472] {strides = array<i32>} : memref<80x16xf32, #tpu.memory_space<vmem>>, vector<1x16xf32>,
        %get3A_474 = vector.shape_cast %get3A_473 : vector<1x16xf32> to vector<16xf32>
        %add3A_475 = arith.addf %add3A_470, %get3A_474 : vector<16xf32>
        %max3A_476 = arith.constant 0.000000e+00 : f32
        %max3A_477 = vector.broadcast %max3A_476 : f32 to vector<16xf32>
        %max3A_478 = arith.maximumf %add3A_475, %max3A_477 : vector<16xf32>
        %swap3A_479 = arith.index_cast %add3A_460 : i32 to index
        %swap3A_480 = arith.constant 0 : index
        %swap3A_481 = tpu.vector_load %arg16[%swap3A_479, %swap3A_480] {strides = array<i32>} : memref<80x16xf32, #tpu.memory_space<vmem>>, vector<1x16xf32>,
        %swap3A_482 = vector.shape_cast %swap3A_481 : vector<1x16xf32> to vector<16xf32>
        %swap3A_483 = vector.shape_cast %max3A_478 : vector<16xf32> to vector<1x16xf32>
        tpu.vector_store %arg16[%swap3A_479, %swap3A_480], %swap3A_483 {strides = array<i32>} : memref<80x16xf32, #tpu.memory_space<vmem>>, vector<1x16xf32>,
        %mul3A_484 = arith.constant 8 : i32
        %mul3A_485 = arith.muli %scan3A_402, %mul3A_484 : i32
        %add3A_486 = arith.constant 3 : i32
        %add3A_487 = arith.addi %mul3A_485, %add3A_486 : i32
        %mul3A_488 = arith.constant 16 : i32
        %mul3A_489 = arith.muli %add3A_487, %mul3A_488 : i32
        %get3A_490 = arith.index_cast %mul3A_489 : i32 to index
        %get3A_491 = tpu.vector_load %arg10[%get3A_490] {strides = array<i32>} : memref<1280xf32, #tpu.memory_space<vmem>>, vector<16xf32>,
        %get3A_492 = vector.shape_cast %get3A_491 : vector<16xf32> to vector<16xf32>
        %get3A_493 = arith.index_cast %add3A_487 : i32 to index
        %get3A_494 = arith.constant 0 : index
        %get3A_495 = tpu.vector_load %arg12[%get3A_493, %get3A_494] {strides = array<i32>} : memref<80x16xf32, #tpu.memory_space<vmem>>, vector<1x16xf32>,
        %get3A_496 = vector.shape_cast %get3A_495 : vector<1x16xf32> to vector<16xf32>
        %add3A_497 = arith.addf %get3A_492, %get3A_496 : vector<16xf32>
        %get3A_498 = arith.index_cast %add3A_487 : i32 to index
        %get3A_499 = arith.constant 0 : index
        %get3A_500 = tpu.vector_load %arg14[%get3A_498, %get3A_499] {strides = array<i32>} : memref<80x16xf32, #tpu.memory_space<vmem>>, vector<1x16xf32>,
        %get3A_501 = vector.shape_cast %get3A_500 : vector<1x16xf32> to vector<16xf32>
        %add3A_502 = arith.addf %add3A_497, %get3A_501 : vector<16xf32>
        %max3A_503 = arith.constant 0.000000e+00 : f32
        %max3A_504 = vector.broadcast %max3A_503 : f32 to vector<16xf32>
        %max3A_505 = arith.maximumf %add3A_502, %max3A_504 : vector<16xf32>
        %swap3A_506 = arith.index_cast %add3A_487 : i32 to index
        %swap3A_507 = arith.constant 0 : index
        %swap3A_508 = tpu.vector_load %arg16[%swap3A_506, %swap3A_507] {strides = array<i32>} : memref<80x16xf32, #tpu.memory_space<vmem>>, vector<1x16xf32>,
        %swap3A_509 = vector.shape_cast %swap3A_508 : vector<1x16xf32> to vector<16xf32>
        %swap3A_510 = vector.shape_cast %max3A_505 : vector<16xf32> to vector<1x16xf32>
        tpu.vector_store %arg16[%swap3A_506, %swap3A_507], %swap3A_510 {strides = array<i32>} : memref<80x16xf32, #tpu.memory_space<vmem>>, vector<1x16xf32>,
        %mul3A_511 = arith.constant 8 : i32
        %mul3A_512 = arith.muli %scan3A_402, %mul3A_511 : i32
        %add3A_513 = arith.constant 4 : i32
        %add3A_514 = arith.addi %mul3A_512, %add3A_513 : i32
        %mul3A_515 = arith.constant 16 : i32
        %mul3A_516 = arith.muli %add3A_514, %mul3A_515 : i32
        %get3A_517 = arith.index_cast %mul3A_516 : i32 to index
        %get3A_518 = tpu.vector_load %arg10[%get3A_517] {strides = array<i32>} : memref<1280xf32, #tpu.memory_space<vmem>>, vector<16xf32>,
        %get3A_519 = vector.shape_cast %get3A_518 : vector<16xf32> to vector<16xf32>
        %get3A_520 = arith.index_cast %add3A_514 : i32 to index
        %get3A_521 = arith.constant 0 : index
        %get3A_522 = tpu.vector_load %arg12[%get3A_520, %get3A_521] {strides = array<i32>} : memref<80x16xf32, #tpu.memory_space<vmem>>, vector<1x16xf32>,
        %get3A_523 = vector.shape_cast %get3A_522 : vector<1x16xf32> to vector<16xf32>
        %add3A_524 = arith.addf %get3A_519, %get3A_523 : vector<16xf32>
        %get3A_525 = arith.index_cast %add3A_514 : i32 to index
        %get3A_526 = arith.constant 0 : index
        %get3A_527 = tpu.vector_load %arg14[%get3A_525, %get3A_526] {strides = array<i32>} : memref<80x16xf32, #tpu.memory_space<vmem>>, vector<1x16xf32>,
        %get3A_528 = vector.shape_cast %get3A_527 : vector<1x16xf32> to vector<16xf32>
        %add3A_529 = arith.addf %add3A_524, %get3A_528 : vector<16xf32>
        %max3A_530 = arith.constant 0.000000e+00 : f32
        %max3A_531 = vector.broadcast %max3A_530 : f32 to vector<16xf32>
        %max3A_532 = arith.maximumf %add3A_529, %max3A_531 : vector<16xf32>
        %swap3A_533 = arith.index_cast %add3A_514 : i32 to index
        %swap3A_534 = arith.constant 0 : index
        %swap3A_535 = tpu.vector_load %arg16[%swap3A_533, %swap3A_534] {strides = array<i32>} : memref<80x16xf32, #tpu.memory_space<vmem>>, vector<1x16xf32>,
        %swap3A_536 = vector.shape_cast %swap3A_535 : vector<1x16xf32> to vector<16xf32>
        %swap3A_537 = vector.shape_cast %max3A_532 : vector<16xf32> to vector<1x16xf32>
        tpu.vector_store %arg16[%swap3A_533, %swap3A_534], %swap3A_537 {strides = array<i32>} : memref<80x16xf32, #tpu.memory_space<vmem>>, vector<1x16xf32>,
        %mul3A_538 = arith.constant 8 : i32
        %mul3A_539 = arith.muli %scan3A_402, %mul3A_538 : i32
        %add3A_540 = arith.constant 5 : i32
        %add3A_541 = arith.addi %mul3A_539, %add3A_540 : i32
        %mul3A_542 = arith.constant 16 : i32
        %mul3A_543 = arith.muli %add3A_541, %mul3A_542 : i32
        %get3A_544 = arith.index_cast %mul3A_543 : i32 to index
        %get3A_545 = tpu.vector_load %arg10[%get3A_544] {strides = array<i32>} : memref<1280xf32, #tpu.memory_space<vmem>>, vector<16xf32>,
        %get3A_546 = vector.shape_cast %get3A_545 : vector<16xf32> to vector<16xf32>
        %get3A_547 = arith.index_cast %add3A_541 : i32 to index
        %get3A_548 = arith.constant 0 : index
        %get3A_549 = tpu.vector_load %arg12[%get3A_547, %get3A_548] {strides = array<i32>} : memref<80x16xf32, #tpu.memory_space<vmem>>, vector<1x16xf32>,
        %get3A_550 = vector.shape_cast %get3A_549 : vector<1x16xf32> to vector<16xf32>
        %add3A_551 = arith.addf %get3A_546, %get3A_550 : vector<16xf32>
        %get3A_552 = arith.index_cast %add3A_541 : i32 to index
        %get3A_553 = arith.constant 0 : index
        %get3A_554 = tpu.vector_load %arg14[%get3A_552, %get3A_553] {strides = array<i32>} : memref<80x16xf32, #tpu.memory_space<vmem>>, vector<1x16xf32>,
        %get3A_555 = vector.shape_cast %get3A_554 : vector<1x16xf32> to vector<16xf32>
        %add3A_556 = arith.addf %add3A_551, %get3A_555 : vector<16xf32>
        %max3A_557 = arith.constant 0.000000e+00 : f32
        %max3A_558 = vector.broadcast %max3A_557 : f32 to vector<16xf32>
        %max3A_559 = arith.maximumf %add3A_556, %max3A_558 : vector<16xf32>
        %swap3A_560 = arith.index_cast %add3A_541 : i32 to index
        %swap3A_561 = arith.constant 0 : index
        %swap3A_562 = tpu.vector_load %arg16[%swap3A_560, %swap3A_561] {strides = array<i32>} : memref<80x16xf32, #tpu.memory_space<vmem>>, vector<1x16xf32>,
        %swap3A_563 = vector.shape_cast %swap3A_562 : vector<1x16xf32> to vector<16xf32>
        %swap3A_564 = vector.shape_cast %max3A_559 : vector<16xf32> to vector<1x16xf32>
        tpu.vector_store %arg16[%swap3A_560, %swap3A_561], %swap3A_564 {strides = array<i32>} : memref<80x16xf32, #tpu.memory_space<vmem>>, vector<1x16xf32>,
        %mul3A_565 = arith.constant 8 : i32
        %mul3A_566 = arith.muli %scan3A_402, %mul3A_565 : i32
        %add3A_567 = arith.constant 6 : i32
        %add3A_568 = arith.addi %mul3A_566, %add3A_567 : i32
        %mul3A_569 = arith.constant 16 : i32
        %mul3A_570 = arith.muli %add3A_568, %mul3A_569 : i32
        %get3A_571 = arith.index_cast %mul3A_570 : i32 to index
        %get3A_572 = tpu.vector_load %arg10[%get3A_571] {strides = array<i32>} : memref<1280xf32, #tpu.memory_space<vmem>>, vector<16xf32>,
        %get3A_573 = vector.shape_cast %get3A_572 : vector<16xf32> to vector<16xf32>
        %get3A_574 = arith.index_cast %add3A_568 : i32 to index
        %get3A_575 = arith.constant 0 : index
        %get3A_576 = tpu.vector_load %arg12[%get3A_574, %get3A_575] {strides = array<i32>} : memref<80x16xf32, #tpu.memory_space<vmem>>, vector<1x16xf32>,
        %get3A_577 = vector.shape_cast %get3A_576 : vector<1x16xf32> to vector<16xf32>
        %add3A_578 = arith.addf %get3A_573, %get3A_577 : vector<16xf32>
        %get3A_579 = arith.index_cast %add3A_568 : i32 to index
        %get3A_580 = arith.constant 0 : index
        %get3A_581 = tpu.vector_load %arg14[%get3A_579, %get3A_580] {strides = array<i32>} : memref<80x16xf32, #tpu.memory_space<vmem>>, vector<1x16xf32>,
        %get3A_582 = vector.shape_cast %get3A_581 : vector<1x16xf32> to vector<16xf32>
        %add3A_583 = arith.addf %add3A_578, %get3A_582 : vector<16xf32>
        %max3A_584 = arith.constant 0.000000e+00 : f32
        %max3A_585 = vector.broadcast %max3A_584 : f32 to vector<16xf32>
        %max3A_586 = arith.maximumf %add3A_583, %max3A_585 : vector<16xf32>
        %swap3A_587 = arith.index_cast %add3A_568 : i32 to index
        %swap3A_588 = arith.constant 0 : index
        %swap3A_589 = tpu.vector_load %arg16[%swap3A_587, %swap3A_588] {strides = array<i32>} : memref<80x16xf32, #tpu.memory_space<vmem>>, vector<1x16xf32>,
        %swap3A_590 = vector.shape_cast %swap3A_589 : vector<1x16xf32> to vector<16xf32>
        %swap3A_591 = vector.shape_cast %max3A_586 : vector<16xf32> to vector<1x16xf32>
        tpu.vector_store %arg16[%swap3A_587, %swap3A_588], %swap3A_591 {strides = array<i32>} : memref<80x16xf32, #tpu.memory_space<vmem>>, vector<1x16xf32>,
        %mul3A_592 = arith.constant 8 : i32
        %mul3A_593 = arith.muli %scan3A_402, %mul3A_592 : i32
        %add3A_594 = arith.constant 7 : i32
        %add3A_595 = arith.addi %mul3A_593, %add3A_594 : i32
        %mul3A_596 = arith.constant 16 : i32
        %mul3A_597 = arith.muli %add3A_595, %mul3A_596 : i32
        %get3A_598 = arith.index_cast %mul3A_597 : i32 to index
        %get3A_599 = tpu.vector_load %arg10[%get3A_598] {strides = array<i32>} : memref<1280xf32, #tpu.memory_space<vmem>>, vector<16xf32>,
        %get3A_600 = vector.shape_cast %get3A_599 : vector<16xf32> to vector<16xf32>
        %get3A_601 = arith.index_cast %add3A_595 : i32 to index
        %get3A_602 = arith.constant 0 : index
        %get3A_603 = tpu.vector_load %arg12[%get3A_601, %get3A_602] {strides = array<i32>} : memref<80x16xf32, #tpu.memory_space<vmem>>, vector<1x16xf32>,
        %get3A_604 = vector.shape_cast %get3A_603 : vector<1x16xf32> to vector<16xf32>
        %add3A_605 = arith.addf %get3A_600, %get3A_604 : vector<16xf32>
        %get3A_606 = arith.index_cast %add3A_595 : i32 to index
        %get3A_607 = arith.constant 0 : index
        %get3A_608 = tpu.vector_load %arg14[%get3A_606, %get3A_607] {strides = array<i32>} : memref<80x16xf32, #tpu.memory_space<vmem>>, vector<1x16xf32>,
        %get3A_609 = vector.shape_cast %get3A_608 : vector<1x16xf32> to vector<16xf32>
        %add3A_610 = arith.addf %add3A_605, %get3A_609 : vector<16xf32>
        %max3A_611 = arith.constant 0.000000e+00 : f32
        %max3A_612 = vector.broadcast %max3A_611 : f32 to vector<16xf32>
        %max3A_613 = arith.maximumf %add3A_610, %max3A_612 : vector<16xf32>
        %swap3A_614 = arith.index_cast %add3A_595 : i32 to index
        %swap3A_615 = arith.constant 0 : index
        %swap3A_616 = tpu.vector_load %arg16[%swap3A_614, %swap3A_615] {strides = array<i32>} : memref<80x16xf32, #tpu.memory_space<vmem>>, vector<1x16xf32>,
        %swap3A_617 = vector.shape_cast %swap3A_616 : vector<1x16xf32> to vector<16xf32>
        %swap3A_618 = vector.shape_cast %max3A_613 : vector<16xf32> to vector<1x16xf32>
        tpu.vector_store %arg16[%swap3A_614, %swap3A_615], %swap3A_618 {strides = array<i32>} : memref<80x16xf32, #tpu.memory_space<vmem>>, vector<1x16xf32>,
      }
      %scan3A_179 = arith.constant 10 : i32
      %mul3A_180 = arith.constant 80 : i32
      %mul3A_181 = arith.muli %add3A_128, %mul3A_180 : i32
      %add3A_182 = arith.addi %mul3A_2, %mul3A_181 : i32
      %dma_start3A_183 = arith.constant 0 : i32
      %dma_start3A_184 = tpu.memref_slice %arg6[%add3A_182, %dma_start3A_183] : memref<320000x16xf32, #tpu.memory_space<hbm>> -> memref<80x16xf32, #tpu.memory_space<hbm>>
      %dma_start3A_185 = arith.constant 0 : i32
      %dma_start3A_186 = tpu.memref_slice %arg6[%add3A_182, %dma_start3A_185] : memref<320000x16xf32, #tpu.memory_space<hbm>> -> memref<80x16xf32, #tpu.memory_space<hbm>>
      tpu.enqueue_dma source(%arg16 : memref<80x16xf32, #tpu.memory_space<vmem>>) target(%dma_start3A_186 : memref<80x16xf32, #tpu.memory_space<hbm>>) target_semaphore(%arg24 : memref<!tpu.dma_semaphore, #tpu.memory_space<semaphore_mem>>)
    }
    %scan3A_23 = arith.constant 62 : i32
    %dma_wait3A = arith.constant 9920 : i32
    %dma_wait3A_24 = tpu.memref_slice %arg7[%dma_wait3A] : memref<10000xi32, #tpu.memory_space<vmem>> -> memref<80xi32, #tpu.memory_space<vmem>>
    %dma_wait3A_25 = arith.constant 0 : i32
    %dma_wait3A_26 = arith.constant 0 : i32
    %dma_wait3A_27 = tpu.memref_slice %arg2[%dma_wait3A_25, %dma_wait3A_26] : memref<10000x16xf32, #tpu.memory_space<hbm>> -> memref<10000x16xf32, #tpu.memory_space<hbm>>
    tpu.wait_indirect_dma semaphore(%arg19 : memref<!tpu.dma_semaphore, #tpu.memory_space<semaphore_mem>>) src(%dma_wait3A_27 : memref<10000x16xf32, #tpu.memory_space<hbm>>) dst(%arg11 : memref<80x16xf32, #tpu.memory_space<vmem>>)
    %dma_wait3A_28 = arith.constant 9920 : i32
    %dma_wait3A_29 = tpu.memref_slice %arg8[%dma_wait3A_28] : memref<10000xi32, #tpu.memory_space<vmem>> -> memref<80xi32, #tpu.memory_space<vmem>>
    %dma_wait3A_30 = arith.constant 0 : i32
    %dma_wait3A_31 = arith.constant 0 : i32
    %dma_wait3A_32 = tpu.memref_slice %arg3[%dma_wait3A_30, %dma_wait3A_31] : memref<10000x16xf32, #tpu.memory_space<hbm>> -> memref<10000x16xf32, #tpu.memory_space<hbm>>
    tpu.wait_indirect_dma semaphore(%arg21 : memref<!tpu.dma_semaphore, #tpu.memory_space<semaphore_mem>>) src(%dma_wait3A_32 : memref<10000x16xf32, #tpu.memory_space<hbm>>) dst(%arg13 : memref<80x16xf32, #tpu.memory_space<vmem>>)
    %add3A_33 = arith.constant 158720 : i32
    %add3A_34 = arith.addi %mul3A_4, %add3A_33 : i32
    %dma_wait3A_35 = tpu.memref_slice %arg4[%add3A_34] : memref<5120000xf32, #tpu.memory_space<hbm>> -> memref<1280xf32, #tpu.memory_space<hbm>>
    %dma_wait3A_36 = tpu.memref_slice %arg4[%add3A_34] : memref<5120000xf32, #tpu.memory_space<hbm>> -> memref<1280xf32, #tpu.memory_space<hbm>>
    tpu.wait_dma2 semaphore(%arg17 : memref<!tpu.dma_semaphore, #tpu.memory_space<semaphore_mem>>) src(%dma_wait3A_36 : memref<1280xf32, #tpu.memory_space<hbm>>) dst(%arg9 : memref<1280xf32, #tpu.memory_space<vmem>>)
    %add3A_37 = arith.constant 9760 : i32
    %add3A_38 = arith.addi %mul3A_2, %add3A_37 : i32
    %dma_wait3A_39 = arith.constant 0 : i32
    %dma_wait3A_40 = tpu.memref_slice %arg6[%add3A_38, %dma_wait3A_39] : memref<320000x16xf32, #tpu.memory_space<hbm>> -> memref<80x16xf32, #tpu.memory_space<hbm>>
    %dma_wait3A_41 = arith.constant 0 : i32
    %dma_wait3A_42 = tpu.memref_slice %arg6[%add3A_38, %dma_wait3A_41] : memref<320000x16xf32, #tpu.memory_space<hbm>> -> memref<80x16xf32, #tpu.memory_space<hbm>>
    tpu.wait_dma2 semaphore(%arg23 : memref<!tpu.dma_semaphore, #tpu.memory_space<semaphore_mem>>) src(%arg15 : memref<80x16xf32, #tpu.memory_space<vmem>>) dst(%dma_wait3A_42 : memref<80x16xf32, #tpu.memory_space<hbm>>)
    %scan3A_43 = arith.constant 0 : i32
    %scan3A_44 = arith.constant 0 : i32
    %scan3A_45 = arith.constant 10 : i32
    %scan3A_46 = arith.addi %scan3A_44, %scan3A_45 : i32
    %scan3A_47 = arith.constant 2 : i32
    scf.for %scan3A_67 = %scan3A_44 to %scan3A_46 step %scan3A_47  : i32 {
      %mul3A_68 = arith.constant 8 : i32
      %mul3A_69 = arith.muli %scan3A_67, %mul3A_68 : i32
      %add3A_70 = arith.constant 0 : i32
      %add3A_71 = arith.addi %mul3A_69, %add3A_70 : i32
      %mul3A_72 = arith.constant 16 : i32
      %mul3A_73 = arith.muli %add3A_71, %mul3A_72 : i32
      %get3A = arith.index_cast %mul3A_73 : i32 to index
      %get3A_74 = tpu.vector_load %arg9[%get3A] {strides = array<i32>} : memref<1280xf32, #tpu.memory_space<vmem>>, vector<16xf32>,
      %get3A_75 = vector.shape_cast %get3A_74 : vector<16xf32> to vector<16xf32>
      %get3A_76 = arith.index_cast %add3A_71 : i32 to index
      %get3A_77 = arith.constant 0 : index
      %get3A_78 = tpu.vector_load %arg11[%get3A_76, %get3A_77] {strides = array<i32>} : memref<80x16xf32, #tpu.memory_space<vmem>>, vector<1x16xf32>,
      %get3A_79 = vector.shape_cast %get3A_78 : vector<1x16xf32> to vector<16xf32>
      %add3A_80 = arith.addf %get3A_75, %get3A_79 : vector<16xf32>
      %get3A_81 = arith.index_cast %add3A_71 : i32 to index
      %get3A_82 = arith.constant 0 : index
      %get3A_83 = tpu.vector_load %arg13[%get3A_81, %get3A_82] {strides = array<i32>} : memref<80x16xf32, #tpu.memory_space<vmem>>, vector<1x16xf32>,
      %get3A_84 = vector.shape_cast %get3A_83 : vector<1x16xf32> to vector<16xf32>
      %add3A_85 = arith.addf %add3A_80, %get3A_84 : vector<16xf32>
      %max3A = arith.constant 0.000000e+00 : f32
      %max3A_86 = vector.broadcast %max3A : f32 to vector<16xf32>
      %max3A_87 = arith.maximumf %add3A_85, %max3A_86 : vector<16xf32>
      %swap3A = arith.index_cast %add3A_71 : i32 to index
      %swap3A_88 = arith.constant 0 : index
      %swap3A_89 = tpu.vector_load %arg15[%swap3A, %swap3A_88] {strides = array<i32>} : memref<80x16xf32, #tpu.memory_space<vmem>>, vector<1x16xf32>,
      %swap3A_90 = vector.shape_cast %swap3A_89 : vector<1x16xf32> to vector<16xf32>
      %swap3A_91 = vector.shape_cast %max3A_87 : vector<16xf32> to vector<1x16xf32>
      tpu.vector_store %arg15[%swap3A, %swap3A_88], %swap3A_91 {strides = array<i32>} : memref<80x16xf32, #tpu.memory_space<vmem>>, vector<1x16xf32>,
      %mul3A_92 = arith.constant 8 : i32
      %mul3A_93 = arith.muli %scan3A_67, %mul3A_92 : i32
      %add3A_94 = arith.constant 1 : i32
      %add3A_95 = arith.addi %mul3A_93, %add3A_94 : i32
      %mul3A_96 = arith.constant 16 : i32
      %mul3A_97 = arith.muli %add3A_95, %mul3A_96 : i32
      %get3A_98 = arith.index_cast %mul3A_97 : i32 to index
      %get3A_99 = tpu.vector_load %arg9[%get3A_98] {strides = array<i32>} : memref<1280xf32, #tpu.memory_space<vmem>>, vector<16xf32>,
      %get3A_100 = vector.shape_cast %get3A_99 : vector<16xf32> to vector<16xf32>
      %get3A_101 = arith.index_cast %add3A_95 : i32 to index
      %get3A_102 = arith.constant 0 : index
      %get3A_103 = tpu.vector_load %arg11[%get3A_101, %get3A_102] {strides = array<i32>} : memref<80x16xf32, #tpu.memory_space<vmem>>, vector<1x16xf32>,
      %get3A_104 = vector.shape_cast %get3A_103 : vector<1x16xf32> to vector<16xf32>
      %add3A_105 = arith.addf %get3A_100, %get3A_104 : vector<16xf32>
      %get3A_106 = arith.index_cast %add3A_95 : i32 to index
      %get3A_107 = arith.constant 0 : index
      %get3A_108 = tpu.vector_load %arg13[%get3A_106, %get3A_107] {strides = array<i32>} : memref<80x16xf32, #tpu.memory_space<vmem>>, vector<1x16xf32>,
      %get3A_109 = vector.shape_cast %get3A_108 : vector<1x16xf32> to vector<16xf32>
      %add3A_110 = arith.addf %add3A_105, %get3A_109 : vector<16xf32>
      %max3A_111 = arith.constant 0.000000e+00 : f32
      %max3A_112 = vector.broadcast %max3A_111 : f32 to vector<16xf32>
      %max3A_113 = arith.maximumf %add3A_110, %max3A_112 : vector<16xf32>
      %swap3A_114 = arith.index_cast %add3A_95 : i32 to index
      %swap3A_115 = arith.constant 0 : index
      %swap3A_116 = tpu.vector_load %arg15[%swap3A_114, %swap3A_115] {strides = array<i32>} : memref<80x16xf32, #tpu.memory_space<vmem>>, vector<1x16xf32>,
      %swap3A_117 = vector.shape_cast %swap3A_116 : vector<1x16xf32> to vector<16xf32>
      %swap3A_118 = vector.shape_cast %max3A_113 : vector<16xf32> to vector<1x16xf32>
      tpu.vector_store %arg15[%swap3A_114, %swap3A_115], %swap3A_118 {strides = array<i32>} : memref<80x16xf32, #tpu.memory_space<vmem>>, vector<1x16xf32>,
      %mul3A_119 = arith.constant 8 : i32
      %mul3A_120 = arith.muli %scan3A_67, %mul3A_119 : i32
      %add3A_121 = arith.constant 2 : i32
      %add3A_122 = arith.addi %mul3A_120, %add3A_121 : i32
      %mul3A_123 = arith.constant 16 : i32
      %mul3A_124 = arith.muli %add3A_122, %mul3A_123 : i32
      %get3A_125 = arith.index_cast %mul3A_124 : i32 to index
      %get3A_126 = tpu.vector_load %arg9[%get3A_125] {strides = array<i32>} : memref<1280xf32, #tpu.memory_space<vmem>>, vector<16xf32>,
      %get3A_127 = vector.shape_cast %get3A_126 : vector<16xf32> to vector<16xf32>
      %get3A_128 = arith.index_cast %add3A_122 : i32 to index
      %get3A_129 = arith.constant 0 : index
      %get3A_130 = tpu.vector_load %arg11[%get3A_128, %get3A_129] {strides = array<i32>} : memref<80x16xf32, #tpu.memory_space<vmem>>, vector<1x16xf32>,
      %get3A_131 = vector.shape_cast %get3A_130 : vector<1x16xf32> to vector<16xf32>
      %add3A_132 = arith.addf %get3A_127, %get3A_131 : vector<16xf32>
      %get3A_133 = arith.index_cast %add3A_122 : i32 to index
      %get3A_134 = arith.constant 0 : index
      %get3A_135 = tpu.vector_load %arg13[%get3A_133, %get3A_134] {strides = array<i32>} : memref<80x16xf32, #tpu.memory_space<vmem>>, vector<1x16xf32>,
      %get3A_136 = vector.shape_cast %get3A_135 : vector<1x16xf32> to vector<16xf32>
      %add3A_137 = arith.addf %add3A_132, %get3A_136 : vector<16xf32>
      %max3A_138 = arith.constant 0.000000e+00 : f32
      %max3A_139 = vector.broadcast %max3A_138 : f32 to vector<16xf32>
      %max3A_140 = arith.maximumf %add3A_137, %max3A_139 : vector<16xf32>
      %swap3A_141 = arith.index_cast %add3A_122 : i32 to index
      %swap3A_142 = arith.constant 0 : index
      %swap3A_143 = tpu.vector_load %arg15[%swap3A_141, %swap3A_142] {strides = array<i32>} : memref<80x16xf32, #tpu.memory_space<vmem>>, vector<1x16xf32>,
      %swap3A_144 = vector.shape_cast %swap3A_143 : vector<1x16xf32> to vector<16xf32>
      %swap3A_145 = vector.shape_cast %max3A_140 : vector<16xf32> to vector<1x16xf32>
      tpu.vector_store %arg15[%swap3A_141, %swap3A_142], %swap3A_145 {strides = array<i32>} : memref<80x16xf32, #tpu.memory_space<vmem>>, vector<1x16xf32>,
      %mul3A_146 = arith.constant 8 : i32
      %mul3A_147 = arith.muli %scan3A_67, %mul3A_146 : i32
      %add3A_148 = arith.constant 3 : i32
      %add3A_149 = arith.addi %mul3A_147, %add3A_148 : i32
      %mul3A_150 = arith.constant 16 : i32
      %mul3A_151 = arith.muli %add3A_149, %mul3A_150 : i32
      %get3A_152 = arith.index_cast %mul3A_151 : i32 to index
      %get3A_153 = tpu.vector_load %arg9[%get3A_152] {strides = array<i32>} : memref<1280xf32, #tpu.memory_space<vmem>>, vector<16xf32>,
      %get3A_154 = vector.shape_cast %get3A_153 : vector<16xf32> to vector<16xf32>
      %get3A_155 = arith.index_cast %add3A_149 : i32 to index
      %get3A_156 = arith.constant 0 : index
      %get3A_157 = tpu.vector_load %arg11[%get3A_155, %get3A_156] {strides = array<i32>} : memref<80x16xf32, #tpu.memory_space<vmem>>, vector<1x16xf32>,
      %get3A_158 = vector.shape_cast %get3A_157 : vector<1x16xf32> to vector<16xf32>
      %add3A_159 = arith.addf %get3A_154, %get3A_158 : vector<16xf32>
      %get3A_160 = arith.index_cast %add3A_149 : i32 to index
      %get3A_161 = arith.constant 0 : index
      %get3A_162 = tpu.vector_load %arg13[%get3A_160, %get3A_161] {strides = array<i32>} : memref<80x16xf32, #tpu.memory_space<vmem>>, vector<1x16xf32>,
      %get3A_163 = vector.shape_cast %get3A_162 : vector<1x16xf32> to vector<16xf32>
      %add3A_164 = arith.addf %add3A_159, %get3A_163 : vector<16xf32>
      %max3A_165 = arith.constant 0.000000e+00 : f32
      %max3A_166 = vector.broadcast %max3A_165 : f32 to vector<16xf32>
      %max3A_167 = arith.maximumf %add3A_164, %max3A_166 : vector<16xf32>
      %swap3A_168 = arith.index_cast %add3A_149 : i32 to index
      %swap3A_169 = arith.constant 0 : index
      %swap3A_170 = tpu.vector_load %arg15[%swap3A_168, %swap3A_169] {strides = array<i32>} : memref<80x16xf32, #tpu.memory_space<vmem>>, vector<1x16xf32>,
      %swap3A_171 = vector.shape_cast %swap3A_170 : vector<1x16xf32> to vector<16xf32>
      %swap3A_172 = vector.shape_cast %max3A_167 : vector<16xf32> to vector<1x16xf32>
      tpu.vector_store %arg15[%swap3A_168, %swap3A_169], %swap3A_172 {strides = array<i32>} : memref<80x16xf32, #tpu.memory_space<vmem>>, vector<1x16xf32>,
      %mul3A_173 = arith.constant 8 : i32
      %mul3A_174 = arith.muli %scan3A_67, %mul3A_173 : i32
      %add3A_175 = arith.constant 4 : i32
      %add3A_176 = arith.addi %mul3A_174, %add3A_175 : i32
      %mul3A_177 = arith.constant 16 : i32
      %mul3A_178 = arith.muli %add3A_176, %mul3A_177 : i32
      %get3A_179 = arith.index_cast %mul3A_178 : i32 to index
      %get3A_180 = tpu.vector_load %arg9[%get3A_179] {strides = array<i32>} : memref<1280xf32, #tpu.memory_space<vmem>>, vector<16xf32>,
      %get3A_181 = vector.shape_cast %get3A_180 : vector<16xf32> to vector<16xf32>
      %get3A_182 = arith.index_cast %add3A_176 : i32 to index
      %get3A_183 = arith.constant 0 : index
      %get3A_184 = tpu.vector_load %arg11[%get3A_182, %get3A_183] {strides = array<i32>} : memref<80x16xf32, #tpu.memory_space<vmem>>, vector<1x16xf32>,
      %get3A_185 = vector.shape_cast %get3A_184 : vector<1x16xf32> to vector<16xf32>
      %add3A_186 = arith.addf %get3A_181, %get3A_185 : vector<16xf32>
      %get3A_187 = arith.index_cast %add3A_176 : i32 to index
      %get3A_188 = arith.constant 0 : index
      %get3A_189 = tpu.vector_load %arg13[%get3A_187, %get3A_188] {strides = array<i32>} : memref<80x16xf32, #tpu.memory_space<vmem>>, vector<1x16xf32>,
      %get3A_190 = vector.shape_cast %get3A_189 : vector<1x16xf32> to vector<16xf32>
      %add3A_191 = arith.addf %add3A_186, %get3A_190 : vector<16xf32>
      %max3A_192 = arith.constant 0.000000e+00 : f32
      %max3A_193 = vector.broadcast %max3A_192 : f32 to vector<16xf32>
      %max3A_194 = arith.maximumf %add3A_191, %max3A_193 : vector<16xf32>
      %swap3A_195 = arith.index_cast %add3A_176 : i32 to index
      %swap3A_196 = arith.constant 0 : index
      %swap3A_197 = tpu.vector_load %arg15[%swap3A_195, %swap3A_196] {strides = array<i32>} : memref<80x16xf32, #tpu.memory_space<vmem>>, vector<1x16xf32>,
      %swap3A_198 = vector.shape_cast %swap3A_197 : vector<1x16xf32> to vector<16xf32>
      %swap3A_199 = vector.shape_cast %max3A_194 : vector<16xf32> to vector<1x16xf32>
      tpu.vector_store %arg15[%swap3A_195, %swap3A_196], %swap3A_199 {strides = array<i32>} : memref<80x16xf32, #tpu.memory_space<vmem>>, vector<1x16xf32>,
      %mul3A_200 = arith.constant 8 : i32
      %mul3A_201 = arith.muli %scan3A_67, %mul3A_200 : i32
      %add3A_202 = arith.constant 5 : i32
      %add3A_203 = arith.addi %mul3A_201, %add3A_202 : i32
      %mul3A_204 = arith.constant 16 : i32
      %mul3A_205 = arith.muli %add3A_203, %mul3A_204 : i32
      %get3A_206 = arith.index_cast %mul3A_205 : i32 to index
      %get3A_207 = tpu.vector_load %arg9[%get3A_206] {strides = array<i32>} : memref<1280xf32, #tpu.memory_space<vmem>>, vector<16xf32>,
      %get3A_208 = vector.shape_cast %get3A_207 : vector<16xf32> to vector<16xf32>
      %get3A_209 = arith.index_cast %add3A_203 : i32 to index
      %get3A_210 = arith.constant 0 : index
      %get3A_211 = tpu.vector_load %arg11[%get3A_209, %get3A_210] {strides = array<i32>} : memref<80x16xf32, #tpu.memory_space<vmem>>, vector<1x16xf32>,
      %get3A_212 = vector.shape_cast %get3A_211 : vector<1x16xf32> to vector<16xf32>
      %add3A_213 = arith.addf %get3A_208, %get3A_212 : vector<16xf32>
      %get3A_214 = arith.index_cast %add3A_203 : i32 to index
      %get3A_215 = arith.constant 0 : index
      %get3A_216 = tpu.vector_load %arg13[%get3A_214, %get3A_215] {strides = array<i32>} : memref<80x16xf32, #tpu.memory_space<vmem>>, vector<1x16xf32>,
      %get3A_217 = vector.shape_cast %get3A_216 : vector<1x16xf32> to vector<16xf32>
      %add3A_218 = arith.addf %add3A_213, %get3A_217 : vector<16xf32>
      %max3A_219 = arith.constant 0.000000e+00 : f32
      %max3A_220 = vector.broadcast %max3A_219 : f32 to vector<16xf32>
      %max3A_221 = arith.maximumf %add3A_218, %max3A_220 : vector<16xf32>
      %swap3A_222 = arith.index_cast %add3A_203 : i32 to index
      %swap3A_223 = arith.constant 0 : index
      %swap3A_224 = tpu.vector_load %arg15[%swap3A_222, %swap3A_223] {strides = array<i32>} : memref<80x16xf32, #tpu.memory_space<vmem>>, vector<1x16xf32>,
      %swap3A_225 = vector.shape_cast %swap3A_224 : vector<1x16xf32> to vector<16xf32>
      %swap3A_226 = vector.shape_cast %max3A_221 : vector<16xf32> to vector<1x16xf32>
      tpu.vector_store %arg15[%swap3A_222, %swap3A_223], %swap3A_226 {strides = array<i32>} : memref<80x16xf32, #tpu.memory_space<vmem>>, vector<1x16xf32>,
      %mul3A_227 = arith.constant 8 : i32
      %mul3A_228 = arith.muli %scan3A_67, %mul3A_227 : i32
      %add3A_229 = arith.constant 6 : i32
      %add3A_230 = arith.addi %mul3A_228, %add3A_229 : i32
      %mul3A_231 = arith.constant 16 : i32
      %mul3A_232 = arith.muli %add3A_230, %mul3A_231 : i32
      %get3A_233 = arith.index_cast %mul3A_232 : i32 to index
      %get3A_234 = tpu.vector_load %arg9[%get3A_233] {strides = array<i32>} : memref<1280xf32, #tpu.memory_space<vmem>>, vector<16xf32>,
      %get3A_235 = vector.shape_cast %get3A_234 : vector<16xf32> to vector<16xf32>
      %get3A_236 = arith.index_cast %add3A_230 : i32 to index
      %get3A_237 = arith.constant 0 : index
      %get3A_238 = tpu.vector_load %arg11[%get3A_236, %get3A_237] {strides = array<i32>} : memref<80x16xf32, #tpu.memory_space<vmem>>, vector<1x16xf32>,
      %get3A_239 = vector.shape_cast %get3A_238 : vector<1x16xf32> to vector<16xf32>
      %add3A_240 = arith.addf %get3A_235, %get3A_239 : vector<16xf32>
      %get3A_241 = arith.index_cast %add3A_230 : i32 to index
      %get3A_242 = arith.constant 0 : index
      %get3A_243 = tpu.vector_load %arg13[%get3A_241, %get3A_242] {strides = array<i32>} : memref<80x16xf32, #tpu.memory_space<vmem>>, vector<1x16xf32>,
      %get3A_244 = vector.shape_cast %get3A_243 : vector<1x16xf32> to vector<16xf32>
      %add3A_245 = arith.addf %add3A_240, %get3A_244 : vector<16xf32>
      %max3A_246 = arith.constant 0.000000e+00 : f32
      %max3A_247 = vector.broadcast %max3A_246 : f32 to vector<16xf32>
      %max3A_248 = arith.maximumf %add3A_245, %max3A_247 : vector<16xf32>
      %swap3A_249 = arith.index_cast %add3A_230 : i32 to index
      %swap3A_250 = arith.constant 0 : index
      %swap3A_251 = tpu.vector_load %arg15[%swap3A_249, %swap3A_250] {strides = array<i32>} : memref<80x16xf32, #tpu.memory_space<vmem>>, vector<1x16xf32>,
      %swap3A_252 = vector.shape_cast %swap3A_251 : vector<1x16xf32> to vector<16xf32>
      %swap3A_253 = vector.shape_cast %max3A_248 : vector<16xf32> to vector<1x16xf32>
      tpu.vector_store %arg15[%swap3A_249, %swap3A_250], %swap3A_253 {strides = array<i32>} : memref<80x16xf32, #tpu.memory_space<vmem>>, vector<1x16xf32>,
      %mul3A_254 = arith.constant 8 : i32
      %mul3A_255 = arith.muli %scan3A_67, %mul3A_254 : i32
      %add3A_256 = arith.constant 7 : i32
      %add3A_257 = arith.addi %mul3A_255, %add3A_256 : i32
      %mul3A_258 = arith.constant 16 : i32
      %mul3A_259 = arith.muli %add3A_257, %mul3A_258 : i32
      %get3A_260 = arith.index_cast %mul3A_259 : i32 to index
      %get3A_261 = tpu.vector_load %arg9[%get3A_260] {strides = array<i32>} : memref<1280xf32, #tpu.memory_space<vmem>>, vector<16xf32>,
      %get3A_262 = vector.shape_cast %get3A_261 : vector<16xf32> to vector<16xf32>
      %get3A_263 = arith.index_cast %add3A_257 : i32 to index
      %get3A_264 = arith.constant 0 : index
      %get3A_265 = tpu.vector_load %arg11[%get3A_263, %get3A_264] {strides = array<i32>} : memref<80x16xf32, #tpu.memory_space<vmem>>, vector<1x16xf32>,
      %get3A_266 = vector.shape_cast %get3A_265 : vector<1x16xf32> to vector<16xf32>
      %add3A_267 = arith.addf %get3A_262, %get3A_266 : vector<16xf32>
      %get3A_268 = arith.index_cast %add3A_257 : i32 to index
      %get3A_269 = arith.constant 0 : index
      %get3A_270 = tpu.vector_load %arg13[%get3A_268, %get3A_269] {strides = array<i32>} : memref<80x16xf32, #tpu.memory_space<vmem>>, vector<1x16xf32>,
      %get3A_271 = vector.shape_cast %get3A_270 : vector<1x16xf32> to vector<16xf32>
      %add3A_272 = arith.addf %add3A_267, %get3A_271 : vector<16xf32>
      %max3A_273 = arith.constant 0.000000e+00 : f32
      %max3A_274 = vector.broadcast %max3A_273 : f32 to vector<16xf32>
      %max3A_275 = arith.maximumf %add3A_272, %max3A_274 : vector<16xf32>
      %swap3A_276 = arith.index_cast %add3A_257 : i32 to index
      %swap3A_277 = arith.constant 0 : index
      %swap3A_278 = tpu.vector_load %arg15[%swap3A_276, %swap3A_277] {strides = array<i32>} : memref<80x16xf32, #tpu.memory_space<vmem>>, vector<1x16xf32>,
      %swap3A_279 = vector.shape_cast %swap3A_278 : vector<1x16xf32> to vector<16xf32>
      %swap3A_280 = vector.shape_cast %max3A_275 : vector<16xf32> to vector<1x16xf32>
      tpu.vector_store %arg15[%swap3A_276, %swap3A_277], %swap3A_280 {strides = array<i32>} : memref<80x16xf32, #tpu.memory_space<vmem>>, vector<1x16xf32>,
      %scan3A_281 = arith.constant 1 : i32
      %scan3A_282 = arith.addi %scan3A_67, %scan3A_281 : i32
      %mul3A_283 = arith.constant 8 : i32
      %mul3A_284 = arith.muli %scan3A_282, %mul3A_283 : i32
      %add3A_285 = arith.constant 0 : i32
      %add3A_286 = arith.addi %mul3A_284, %add3A_285 : i32
      %mul3A_287 = arith.constant 16 : i32
      %mul3A_288 = arith.muli %add3A_286, %mul3A_287 : i32
      %get3A_289 = arith.index_cast %mul3A_288 : i32 to index
      %get3A_290 = tpu.vector_load %arg9[%get3A_289] {strides = array<i32>} : memref<1280xf32, #tpu.memory_space<vmem>>, vector<16xf32>,
      %get3A_291 = vector.shape_cast %get3A_290 : vector<16xf32> to vector<16xf32>
      %get3A_292 = arith.index_cast %add3A_286 : i32 to index
      %get3A_293 = arith.constant 0 : index
      %get3A_294 = tpu.vector_load %arg11[%get3A_292, %get3A_293] {strides = array<i32>} : memref<80x16xf32, #tpu.memory_space<vmem>>, vector<1x16xf32>,
      %get3A_295 = vector.shape_cast %get3A_294 : vector<1x16xf32> to vector<16xf32>
      %add3A_296 = arith.addf %get3A_291, %get3A_295 : vector<16xf32>
      %get3A_297 = arith.index_cast %add3A_286 : i32 to index
      %get3A_298 = arith.constant 0 : index
      %get3A_299 = tpu.vector_load %arg13[%get3A_297, %get3A_298] {strides = array<i32>} : memref<80x16xf32, #tpu.memory_space<vmem>>, vector<1x16xf32>,
      %get3A_300 = vector.shape_cast %get3A_299 : vector<1x16xf32> to vector<16xf32>
      %add3A_301 = arith.addf %add3A_296, %get3A_300 : vector<16xf32>
      %max3A_302 = arith.constant 0.000000e+00 : f32
      %max3A_303 = vector.broadcast %max3A_302 : f32 to vector<16xf32>
      %max3A_304 = arith.maximumf %add3A_301, %max3A_303 : vector<16xf32>
      %swap3A_305 = arith.index_cast %add3A_286 : i32 to index
      %swap3A_306 = arith.constant 0 : index
      %swap3A_307 = tpu.vector_load %arg15[%swap3A_305, %swap3A_306] {strides = array<i32>} : memref<80x16xf32, #tpu.memory_space<vmem>>, vector<1x16xf32>,
      %swap3A_308 = vector.shape_cast %swap3A_307 : vector<1x16xf32> to vector<16xf32>
      %swap3A_309 = vector.shape_cast %max3A_304 : vector<16xf32> to vector<1x16xf32>
      tpu.vector_store %arg15[%swap3A_305, %swap3A_306], %swap3A_309 {strides = array<i32>} : memref<80x16xf32, #tpu.memory_space<vmem>>, vector<1x16xf32>,
      %mul3A_310 = arith.constant 8 : i32
      %mul3A_311 = arith.muli %scan3A_282, %mul3A_310 : i32
      %add3A_312 = arith.constant 1 : i32
      %add3A_313 = arith.addi %mul3A_311, %add3A_312 : i32
      %mul3A_314 = arith.constant 16 : i32
      %mul3A_315 = arith.muli %add3A_313, %mul3A_314 : i32
      %get3A_316 = arith.index_cast %mul3A_315 : i32 to index
      %get3A_317 = tpu.vector_load %arg9[%get3A_316] {strides = array<i32>} : memref<1280xf32, #tpu.memory_space<vmem>>, vector<16xf32>,
      %get3A_318 = vector.shape_cast %get3A_317 : vector<16xf32> to vector<16xf32>
      %get3A_319 = arith.index_cast %add3A_313 : i32 to index
      %get3A_320 = arith.constant 0 : index
      %get3A_321 = tpu.vector_load %arg11[%get3A_319, %get3A_320] {strides = array<i32>} : memref<80x16xf32, #tpu.memory_space<vmem>>, vector<1x16xf32>,
      %get3A_322 = vector.shape_cast %get3A_321 : vector<1x16xf32> to vector<16xf32>
      %add3A_323 = arith.addf %get3A_318, %get3A_322 : vector<16xf32>
      %get3A_324 = arith.index_cast %add3A_313 : i32 to index
      %get3A_325 = arith.constant 0 : index
      %get3A_326 = tpu.vector_load %arg13[%get3A_324, %get3A_325] {strides = array<i32>} : memref<80x16xf32, #tpu.memory_space<vmem>>, vector<1x16xf32>,
      %get3A_327 = vector.shape_cast %get3A_326 : vector<1x16xf32> to vector<16xf32>
      %add3A_328 = arith.addf %add3A_323, %get3A_327 : vector<16xf32>
      %max3A_329 = arith.constant 0.000000e+00 : f32
      %max3A_330 = vector.broadcast %max3A_329 : f32 to vector<16xf32>
      %max3A_331 = arith.maximumf %add3A_328, %max3A_330 : vector<16xf32>
      %swap3A_332 = arith.index_cast %add3A_313 : i32 to index
      %swap3A_333 = arith.constant 0 : index
      %swap3A_334 = tpu.vector_load %arg15[%swap3A_332, %swap3A_333] {strides = array<i32>} : memref<80x16xf32, #tpu.memory_space<vmem>>, vector<1x16xf32>,
      %swap3A_335 = vector.shape_cast %swap3A_334 : vector<1x16xf32> to vector<16xf32>
      %swap3A_336 = vector.shape_cast %max3A_331 : vector<16xf32> to vector<1x16xf32>
      tpu.vector_store %arg15[%swap3A_332, %swap3A_333], %swap3A_336 {strides = array<i32>} : memref<80x16xf32, #tpu.memory_space<vmem>>, vector<1x16xf32>,
      %mul3A_337 = arith.constant 8 : i32
      %mul3A_338 = arith.muli %scan3A_282, %mul3A_337 : i32
      %add3A_339 = arith.constant 2 : i32
      %add3A_340 = arith.addi %mul3A_338, %add3A_339 : i32
      %mul3A_341 = arith.constant 16 : i32
      %mul3A_342 = arith.muli %add3A_340, %mul3A_341 : i32
      %get3A_343 = arith.index_cast %mul3A_342 : i32 to index
      %get3A_344 = tpu.vector_load %arg9[%get3A_343] {strides = array<i32>} : memref<1280xf32, #tpu.memory_space<vmem>>, vector<16xf32>,
      %get3A_345 = vector.shape_cast %get3A_344 : vector<16xf32> to vector<16xf32>
      %get3A_346 = arith.index_cast %add3A_340 : i32 to index
      %get3A_347 = arith.constant 0 : index
      %get3A_348 = tpu.vector_load %arg11[%get3A_346, %get3A_347] {strides = array<i32>} : memref<80x16xf32, #tpu.memory_space<vmem>>, vector<1x16xf32>,
      %get3A_349 = vector.shape_cast %get3A_348 : vector<1x16xf32> to vector<16xf32>
      %add3A_350 = arith.addf %get3A_345, %get3A_349 : vector<16xf32>
      %get3A_351 = arith.index_cast %add3A_340 : i32 to index
      %get3A_352 = arith.constant 0 : index
      %get3A_353 = tpu.vector_load %arg13[%get3A_351, %get3A_352] {strides = array<i32>} : memref<80x16xf32, #tpu.memory_space<vmem>>, vector<1x16xf32>,
      %get3A_354 = vector.shape_cast %get3A_353 : vector<1x16xf32> to vector<16xf32>
      %add3A_355 = arith.addf %add3A_350, %get3A_354 : vector<16xf32>
      %max3A_356 = arith.constant 0.000000e+00 : f32
      %max3A_357 = vector.broadcast %max3A_356 : f32 to vector<16xf32>
      %max3A_358 = arith.maximumf %add3A_355, %max3A_357 : vector<16xf32>
      %swap3A_359 = arith.index_cast %add3A_340 : i32 to index
      %swap3A_360 = arith.constant 0 : index
      %swap3A_361 = tpu.vector_load %arg15[%swap3A_359, %swap3A_360] {strides = array<i32>} : memref<80x16xf32, #tpu.memory_space<vmem>>, vector<1x16xf32>,
      %swap3A_362 = vector.shape_cast %swap3A_361 : vector<1x16xf32> to vector<16xf32>
      %swap3A_363 = vector.shape_cast %max3A_358 : vector<16xf32> to vector<1x16xf32>
      tpu.vector_store %arg15[%swap3A_359, %swap3A_360], %swap3A_363 {strides = array<i32>} : memref<80x16xf32, #tpu.memory_space<vmem>>, vector<1x16xf32>,
      %mul3A_364 = arith.constant 8 : i32
      %mul3A_365 = arith.muli %scan3A_282, %mul3A_364 : i32
      %add3A_366 = arith.constant 3 : i32
      %add3A_367 = arith.addi %mul3A_365, %add3A_366 : i32
      %mul3A_368 = arith.constant 16 : i32
      %mul3A_369 = arith.muli %add3A_367, %mul3A_368 : i32
      %get3A_370 = arith.index_cast %mul3A_369 : i32 to index
      %get3A_371 = tpu.vector_load %arg9[%get3A_370] {strides = array<i32>} : memref<1280xf32, #tpu.memory_space<vmem>>, vector<16xf32>,
      %get3A_372 = vector.shape_cast %get3A_371 : vector<16xf32> to vector<16xf32>
      %get3A_373 = arith.index_cast %add3A_367 : i32 to index
      %get3A_374 = arith.constant 0 : index
      %get3A_375 = tpu.vector_load %arg11[%get3A_373, %get3A_374] {strides = array<i32>} : memref<80x16xf32, #tpu.memory_space<vmem>>, vector<1x16xf32>,
      %get3A_376 = vector.shape_cast %get3A_375 : vector<1x16xf32> to vector<16xf32>
      %add3A_377 = arith.addf %get3A_372, %get3A_376 : vector<16xf32>
      %get3A_378 = arith.index_cast %add3A_367 : i32 to index
      %get3A_379 = arith.constant 0 : index
      %get3A_380 = tpu.vector_load %arg13[%get3A_378, %get3A_379] {strides = array<i32>} : memref<80x16xf32, #tpu.memory_space<vmem>>, vector<1x16xf32>,
      %get3A_381 = vector.shape_cast %get3A_380 : vector<1x16xf32> to vector<16xf32>
      %add3A_382 = arith.addf %add3A_377, %get3A_381 : vector<16xf32>
      %max3A_383 = arith.constant 0.000000e+00 : f32
      %max3A_384 = vector.broadcast %max3A_383 : f32 to vector<16xf32>
      %max3A_385 = arith.maximumf %add3A_382, %max3A_384 : vector<16xf32>
      %swap3A_386 = arith.index_cast %add3A_367 : i32 to index
      %swap3A_387 = arith.constant 0 : index
      %swap3A_388 = tpu.vector_load %arg15[%swap3A_386, %swap3A_387] {strides = array<i32>} : memref<80x16xf32, #tpu.memory_space<vmem>>, vector<1x16xf32>,
      %swap3A_389 = vector.shape_cast %swap3A_388 : vector<1x16xf32> to vector<16xf32>
      %swap3A_390 = vector.shape_cast %max3A_385 : vector<16xf32> to vector<1x16xf32>
      tpu.vector_store %arg15[%swap3A_386, %swap3A_387], %swap3A_390 {strides = array<i32>} : memref<80x16xf32, #tpu.memory_space<vmem>>, vector<1x16xf32>,
      %mul3A_391 = arith.constant 8 : i32
      %mul3A_392 = arith.muli %scan3A_282, %mul3A_391 : i32
      %add3A_393 = arith.constant 4 : i32
      %add3A_394 = arith.addi %mul3A_392, %add3A_393 : i32
      %mul3A_395 = arith.constant 16 : i32
      %mul3A_396 = arith.muli %add3A_394, %mul3A_395 : i32
      %get3A_397 = arith.index_cast %mul3A_396 : i32 to index
      %get3A_398 = tpu.vector_load %arg9[%get3A_397] {strides = array<i32>} : memref<1280xf32, #tpu.memory_space<vmem>>, vector<16xf32>,
      %get3A_399 = vector.shape_cast %get3A_398 : vector<16xf32> to vector<16xf32>
      %get3A_400 = arith.index_cast %add3A_394 : i32 to index
      %get3A_401 = arith.constant 0 : index
      %get3A_402 = tpu.vector_load %arg11[%get3A_400, %get3A_401] {strides = array<i32>} : memref<80x16xf32, #tpu.memory_space<vmem>>, vector<1x16xf32>,
      %get3A_403 = vector.shape_cast %get3A_402 : vector<1x16xf32> to vector<16xf32>
      %add3A_404 = arith.addf %get3A_399, %get3A_403 : vector<16xf32>
      %get3A_405 = arith.index_cast %add3A_394 : i32 to index
      %get3A_406 = arith.constant 0 : index
      %get3A_407 = tpu.vector_load %arg13[%get3A_405, %get3A_406] {strides = array<i32>} : memref<80x16xf32, #tpu.memory_space<vmem>>, vector<1x16xf32>,
      %get3A_408 = vector.shape_cast %get3A_407 : vector<1x16xf32> to vector<16xf32>
      %add3A_409 = arith.addf %add3A_404, %get3A_408 : vector<16xf32>
      %max3A_410 = arith.constant 0.000000e+00 : f32
      %max3A_411 = vector.broadcast %max3A_410 : f32 to vector<16xf32>
      %max3A_412 = arith.maximumf %add3A_409, %max3A_411 : vector<16xf32>
      %swap3A_413 = arith.index_cast %add3A_394 : i32 to index
      %swap3A_414 = arith.constant 0 : index
      %swap3A_415 = tpu.vector_load %arg15[%swap3A_413, %swap3A_414] {strides = array<i32>} : memref<80x16xf32, #tpu.memory_space<vmem>>, vector<1x16xf32>,
      %swap3A_416 = vector.shape_cast %swap3A_415 : vector<1x16xf32> to vector<16xf32>
      %swap3A_417 = vector.shape_cast %max3A_412 : vector<16xf32> to vector<1x16xf32>
      tpu.vector_store %arg15[%swap3A_413, %swap3A_414], %swap3A_417 {strides = array<i32>} : memref<80x16xf32, #tpu.memory_space<vmem>>, vector<1x16xf32>,
      %mul3A_418 = arith.constant 8 : i32
      %mul3A_419 = arith.muli %scan3A_282, %mul3A_418 : i32
      %add3A_420 = arith.constant 5 : i32
      %add3A_421 = arith.addi %mul3A_419, %add3A_420 : i32
      %mul3A_422 = arith.constant 16 : i32
      %mul3A_423 = arith.muli %add3A_421, %mul3A_422 : i32
      %get3A_424 = arith.index_cast %mul3A_423 : i32 to index
      %get3A_425 = tpu.vector_load %arg9[%get3A_424] {strides = array<i32>} : memref<1280xf32, #tpu.memory_space<vmem>>, vector<16xf32>,
      %get3A_426 = vector.shape_cast %get3A_425 : vector<16xf32> to vector<16xf32>
      %get3A_427 = arith.index_cast %add3A_421 : i32 to index
      %get3A_428 = arith.constant 0 : index
      %get3A_429 = tpu.vector_load %arg11[%get3A_427, %get3A_428] {strides = array<i32>} : memref<80x16xf32, #tpu.memory_space<vmem>>, vector<1x16xf32>,
      %get3A_430 = vector.shape_cast %get3A_429 : vector<1x16xf32> to vector<16xf32>
      %add3A_431 = arith.addf %get3A_426, %get3A_430 : vector<16xf32>
      %get3A_432 = arith.index_cast %add3A_421 : i32 to index
      %get3A_433 = arith.constant 0 : index
      %get3A_434 = tpu.vector_load %arg13[%get3A_432, %get3A_433] {strides = array<i32>} : memref<80x16xf32, #tpu.memory_space<vmem>>, vector<1x16xf32>,
      %get3A_435 = vector.shape_cast %get3A_434 : vector<1x16xf32> to vector<16xf32>
      %add3A_436 = arith.addf %add3A_431, %get3A_435 : vector<16xf32>
      %max3A_437 = arith.constant 0.000000e+00 : f32
      %max3A_438 = vector.broadcast %max3A_437 : f32 to vector<16xf32>
      %max3A_439 = arith.maximumf %add3A_436, %max3A_438 : vector<16xf32>
      %swap3A_440 = arith.index_cast %add3A_421 : i32 to index
      %swap3A_441 = arith.constant 0 : index
      %swap3A_442 = tpu.vector_load %arg15[%swap3A_440, %swap3A_441] {strides = array<i32>} : memref<80x16xf32, #tpu.memory_space<vmem>>, vector<1x16xf32>,
      %swap3A_443 = vector.shape_cast %swap3A_442 : vector<1x16xf32> to vector<16xf32>
      %swap3A_444 = vector.shape_cast %max3A_439 : vector<16xf32> to vector<1x16xf32>
      tpu.vector_store %arg15[%swap3A_440, %swap3A_441], %swap3A_444 {strides = array<i32>} : memref<80x16xf32, #tpu.memory_space<vmem>>, vector<1x16xf32>,
      %mul3A_445 = arith.constant 8 : i32
      %mul3A_446 = arith.muli %scan3A_282, %mul3A_445 : i32
      %add3A_447 = arith.constant 6 : i32
      %add3A_448 = arith.addi %mul3A_446, %add3A_447 : i32
      %mul3A_449 = arith.constant 16 : i32
      %mul3A_450 = arith.muli %add3A_448, %mul3A_449 : i32
      %get3A_451 = arith.index_cast %mul3A_450 : i32 to index
      %get3A_452 = tpu.vector_load %arg9[%get3A_451] {strides = array<i32>} : memref<1280xf32, #tpu.memory_space<vmem>>, vector<16xf32>,
      %get3A_453 = vector.shape_cast %get3A_452 : vector<16xf32> to vector<16xf32>
      %get3A_454 = arith.index_cast %add3A_448 : i32 to index
      %get3A_455 = arith.constant 0 : index
      %get3A_456 = tpu.vector_load %arg11[%get3A_454, %get3A_455] {strides = array<i32>} : memref<80x16xf32, #tpu.memory_space<vmem>>, vector<1x16xf32>,
      %get3A_457 = vector.shape_cast %get3A_456 : vector<1x16xf32> to vector<16xf32>
      %add3A_458 = arith.addf %get3A_453, %get3A_457 : vector<16xf32>
      %get3A_459 = arith.index_cast %add3A_448 : i32 to index
      %get3A_460 = arith.constant 0 : index
      %get3A_461 = tpu.vector_load %arg13[%get3A_459, %get3A_460] {strides = array<i32>} : memref<80x16xf32, #tpu.memory_space<vmem>>, vector<1x16xf32>,
      %get3A_462 = vector.shape_cast %get3A_461 : vector<1x16xf32> to vector<16xf32>
      %add3A_463 = arith.addf %add3A_458, %get3A_462 : vector<16xf32>
      %max3A_464 = arith.constant 0.000000e+00 : f32
      %max3A_465 = vector.broadcast %max3A_464 : f32 to vector<16xf32>
      %max3A_466 = arith.maximumf %add3A_463, %max3A_465 : vector<16xf32>
      %swap3A_467 = arith.index_cast %add3A_448 : i32 to index
      %swap3A_468 = arith.constant 0 : index
      %swap3A_469 = tpu.vector_load %arg15[%swap3A_467, %swap3A_468] {strides = array<i32>} : memref<80x16xf32, #tpu.memory_space<vmem>>, vector<1x16xf32>,
      %swap3A_470 = vector.shape_cast %swap3A_469 : vector<1x16xf32> to vector<16xf32>
      %swap3A_471 = vector.shape_cast %max3A_466 : vector<16xf32> to vector<1x16xf32>
      tpu.vector_store %arg15[%swap3A_467, %swap3A_468], %swap3A_471 {strides = array<i32>} : memref<80x16xf32, #tpu.memory_space<vmem>>, vector<1x16xf32>,
      %mul3A_472 = arith.constant 8 : i32
      %mul3A_473 = arith.muli %scan3A_282, %mul3A_472 : i32
      %add3A_474 = arith.constant 7 : i32
      %add3A_475 = arith.addi %mul3A_473, %add3A_474 : i32
      %mul3A_476 = arith.constant 16 : i32
      %mul3A_477 = arith.muli %add3A_475, %mul3A_476 : i32
      %get3A_478 = arith.index_cast %mul3A_477 : i32 to index
      %get3A_479 = tpu.vector_load %arg9[%get3A_478] {strides = array<i32>} : memref<1280xf32, #tpu.memory_space<vmem>>, vector<16xf32>,
      %get3A_480 = vector.shape_cast %get3A_479 : vector<16xf32> to vector<16xf32>
      %get3A_481 = arith.index_cast %add3A_475 : i32 to index
      %get3A_482 = arith.constant 0 : index
      %get3A_483 = tpu.vector_load %arg11[%get3A_481, %get3A_482] {strides = array<i32>} : memref<80x16xf32, #tpu.memory_space<vmem>>, vector<1x16xf32>,
      %get3A_484 = vector.shape_cast %get3A_483 : vector<1x16xf32> to vector<16xf32>
      %add3A_485 = arith.addf %get3A_480, %get3A_484 : vector<16xf32>
      %get3A_486 = arith.index_cast %add3A_475 : i32 to index
      %get3A_487 = arith.constant 0 : index
      %get3A_488 = tpu.vector_load %arg13[%get3A_486, %get3A_487] {strides = array<i32>} : memref<80x16xf32, #tpu.memory_space<vmem>>, vector<1x16xf32>,
      %get3A_489 = vector.shape_cast %get3A_488 : vector<1x16xf32> to vector<16xf32>
      %add3A_490 = arith.addf %add3A_485, %get3A_489 : vector<16xf32>
      %max3A_491 = arith.constant 0.000000e+00 : f32
      %max3A_492 = vector.broadcast %max3A_491 : f32 to vector<16xf32>
      %max3A_493 = arith.maximumf %add3A_490, %max3A_492 : vector<16xf32>
      %swap3A_494 = arith.index_cast %add3A_475 : i32 to index
      %swap3A_495 = arith.constant 0 : index
      %swap3A_496 = tpu.vector_load %arg15[%swap3A_494, %swap3A_495] {strides = array<i32>} : memref<80x16xf32, #tpu.memory_space<vmem>>, vector<1x16xf32>,
      %swap3A_497 = vector.shape_cast %swap3A_496 : vector<1x16xf32> to vector<16xf32>
      %swap3A_498 = vector.shape_cast %max3A_493 : vector<16xf32> to vector<1x16xf32>
      tpu.vector_store %arg15[%swap3A_494, %swap3A_495], %swap3A_498 {strides = array<i32>} : memref<80x16xf32, #tpu.memory_space<vmem>>, vector<1x16xf32>,
    }
    %scan3A_48 = arith.constant 10 : i32
    %add3A_49 = arith.constant 9920 : i32
    %add3A_50 = arith.addi %mul3A_2, %add3A_49 : i32
    %dma_start3A_51 = arith.constant 0 : i32
    %dma_start3A_52 = tpu.memref_slice %arg6[%add3A_50, %dma_start3A_51] : memref<320000x16xf32, #tpu.memory_space<hbm>> -> memref<80x16xf32, #tpu.memory_space<hbm>>
    %dma_start3A_53 = arith.constant 0 : i32
    %dma_start3A_54 = tpu.memref_slice %arg6[%add3A_50, %dma_start3A_53] : memref<320000x16xf32, #tpu.memory_space<hbm>> -> memref<80x16xf32, #tpu.memory_space<hbm>>
    tpu.enqueue_dma source(%arg15 : memref<80x16xf32, #tpu.memory_space<vmem>>) target(%dma_start3A_54 : memref<80x16xf32, #tpu.memory_space<hbm>>) target_semaphore(%arg23 : memref<!tpu.dma_semaphore, #tpu.memory_space<semaphore_mem>>)
    %add3A_55 = arith.constant 9840 : i32
    %add3A_56 = arith.addi %mul3A_2, %add3A_55 : i32
    %dma_wait3A_57 = arith.constant 0 : i32
    %dma_wait3A_58 = tpu.memref_slice %arg6[%add3A_56, %dma_wait3A_57] : memref<320000x16xf32, #tpu.memory_space<hbm>> -> memref<80x16xf32, #tpu.memory_space<hbm>>
    %dma_wait3A_59 = arith.constant 0 : i32
    %dma_wait3A_60 = tpu.memref_slice %arg6[%add3A_56, %dma_wait3A_59] : memref<320000x16xf32, #tpu.memory_space<hbm>> -> memref<80x16xf32, #tpu.memory_space<hbm>>
    tpu.wait_dma2 semaphore(%arg24 : memref<!tpu.dma_semaphore, #tpu.memory_space<semaphore_mem>>) src(%arg16 : memref<80x16xf32, #tpu.memory_space<vmem>>) dst(%dma_wait3A_60 : memref<80x16xf32, #tpu.memory_space<hbm>>)
    %add3A_61 = arith.constant 9920 : i32
    %add3A_62 = arith.addi %mul3A_2, %add3A_61 : i32
    %dma_wait3A_63 = arith.constant 0 : i32
    %dma_wait3A_64 = tpu.memref_slice %arg6[%add3A_62, %dma_wait3A_63] : memref<320000x16xf32, #tpu.memory_space<hbm>> -> memref<80x16xf32, #tpu.memory_space<hbm>>
    %dma_wait3A_65 = arith.constant 0 : i32
    %dma_wait3A_66 = tpu.memref_slice %arg6[%add3A_62, %dma_wait3A_65] : memref<320000x16xf32, #tpu.memory_space<hbm>> -> memref<80x16xf32, #tpu.memory_space<hbm>>
    tpu.wait_dma2 semaphore(%arg23 : memref<!tpu.dma_semaphore, #tpu.memory_space<semaphore_mem>>) src(%arg15 : memref<80x16xf32, #tpu.memory_space<vmem>>) dst(%dma_wait3A_66 : memref<80x16xf32, #tpu.memory_space<hbm>>)
    return
  }
}

module attributes {stable_mosaic.version = 14 : i64} {
  func.func @_tc_body(%arg0: i32, %arg1: memref<1250x1024xf32, #tpu.memory_space<vmem>>, %arg2: memref<4000x128xf32, #tpu.memory_space<vmem>>, %arg3: memref<272x16xf32, #tpu.memory_space<vmem>>, %arg4: memref<1x16xf32, #tpu.memory_space<vmem>>, %arg5: memref<1250x128xf32, #tpu.memory_space<vmem>>, %arg6: memref<1250x128xf32, #tpu.memory_space<vmem>>, %arg7: memref<4000x128xf32, #tpu.memory_space<vmem>>, %arg8: memref<128x128xf32, #tpu.memory_space<vmem>>, %arg9: memref<1x128xf32, #tpu.memory_space<vmem>>) attributes {dimension_semantics = [#tpu.dimension_semantics<arbitrary>], iteration_bounds = array<i64: 11>, scalar_prefetch = 0 : i64, scratch_operands = 2 : i64, tpu.core_type = #tpu.core_type<tc>, window_params = [{pipeline_mode = #tpu.pipeline_mode<synchronous>, transform_indices = @transform_0, window_bounds = array<i64: 1250, 1024>}, {transform_indices = @transform_1, window_bounds = array<i64: 4000, 128>}, {pipeline_mode = #tpu.pipeline_mode<synchronous>, transform_indices = @transform_2, window_bounds = array<i64: 272, 16>}, {pipeline_mode = #tpu.pipeline_mode<synchronous>, transform_indices = @transform_3, window_bounds = array<i64: 1, 16>}, {pipeline_mode = #tpu.pipeline_mode<synchronous>, transform_indices = @transform_4, window_bounds = array<i64: 1250, 128>}, {pipeline_mode = #tpu.pipeline_mode<synchronous>, transform_indices = @transform_5, window_bounds = array<i64: 1250, 128>}, {transform_indices = @transform_6, window_bounds = array<i64: 4000, 128>}]} {
    %eq3A = arith.constant 0 : i32
    %eq3A_0 = arith.cmpi eq, %arg0, %eq3A : i32
    %convert_element_type3A = arith.extui %eq3A_0 : i1 to i32
    %cond3A = arith.constant 0 : i32
    %cond3A_1 = arith.cmpi ne, %convert_element_type3A, %cond3A : i32
    scf.if %cond3A_1 {
      %get3A_14 = arith.constant 0 : index
      %get3A_15 = arith.constant 0 : index
      %get3A_16 = vector.load %arg1[%get3A_14, %get3A_15] : memref<1250x1024xf32, #tpu.memory_space<vmem>>, vector<1250x1024xf32>
      %get3A_17 = arith.constant 16 : index
      %get3A_18 = arith.constant 0 : index
      %get3A_19 = vector.load %arg3[%get3A_17, %get3A_18] : memref<272x16xf32, #tpu.memory_space<vmem>>, vector<128x16xf32>
      %concatenate3A = tpu.concatenate %get3A_19, %get3A_19, %get3A_19, %get3A_19, %get3A_19, %get3A_19, %get3A_19, %get3A_19 in 0 : vector<128x16xf32>, vector<128x16xf32>, vector<128x16xf32>, vector<128x16xf32>, vector<128x16xf32>, vector<128x16xf32>, vector<128x16xf32>, vector<128x16xf32> -> vector<1024x16xf32>
      %concatenate3A_20 = tpu.concatenate %concatenate3A, %concatenate3A, %concatenate3A, %concatenate3A, %concatenate3A, %concatenate3A, %concatenate3A, %concatenate3A in 1 : vector<1024x16xf32>, vector<1024x16xf32>, vector<1024x16xf32>, vector<1024x16xf32>, vector<1024x16xf32>, vector<1024x16xf32>, vector<1024x16xf32>, vector<1024x16xf32> -> vector<1024x128xf32>
      %iota3A = tpu.iota {dimensions = array<i32: 0>} : vector<1024x128xi32>
      %jit3A = arith.constant 128 : i32
      %div3A = vector.broadcast %jit3A : i32 to vector<1024x128xi32>
      %div3A_21 = arith.divsi %iota3A, %div3A : vector<1024x128xi32>
      %sign3A = arith.constant 0 : i32
      %sign3A_22 = vector.broadcast %sign3A : i32 to vector<1024x128xi32>
      %sign3A_23 = arith.cmpi sgt, %iota3A, %sign3A_22 : vector<1024x128xi32>
      %sign3A_24 = arith.extui %sign3A_23 : vector<1024x128xi1> to vector<1024x128xi32>
      %sign3A_25 = arith.constant 0 : i32
      %sign3A_26 = vector.broadcast %sign3A_25 : i32 to vector<1024x128xi32>
      %sign3A_27 = arith.cmpi slt, %iota3A, %sign3A_26 : vector<1024x128xi32>
      %sign3A_28 = arith.extui %sign3A_27 : vector<1024x128xi1> to vector<1024x128xi32>
      %sign3A_29 = arith.subi %sign3A_24, %sign3A_28 : vector<1024x128xi32>
      %sign3A_30 = arith.constant 0 : i32
      %sign3A_31 = arith.cmpi sgt, %jit3A, %sign3A_30 : i32
      %sign3A_32 = arith.extui %sign3A_31 : i1 to i32
      %sign3A_33 = arith.constant 0 : i32
      %sign3A_34 = arith.cmpi slt, %jit3A, %sign3A_33 : i32
      %sign3A_35 = arith.extui %sign3A_34 : i1 to i32
      %sign3A_36 = arith.subi %sign3A_32, %sign3A_35 : i32
      %ne3A = vector.broadcast %sign3A_36 : i32 to vector<1024x128xi32>
      %ne3A_37 = arith.cmpi ne, %sign3A_29, %ne3A : vector<1024x128xi32>
      %rem3A = vector.broadcast %jit3A : i32 to vector<1024x128xi32>
      %rem3A_38 = arith.remsi %iota3A, %rem3A : vector<1024x128xi32>
      %ne3A_39 = arith.constant 0 : i32
      %ne3A_40 = vector.broadcast %ne3A_39 : i32 to vector<1024x128xi32>
      %ne3A_41 = arith.cmpi ne, %rem3A_38, %ne3A_40 : vector<1024x128xi32>
      %and3A = arith.andi %ne3A_37, %ne3A_41 : vector<1024x128xi1>
      %sub3A = arith.constant 1 : i32
      %sub3A_42 = vector.broadcast %sub3A : i32 to vector<1024x128xi32>
      %sub3A_43 = arith.subi %div3A_21, %sub3A_42 : vector<1024x128xi32>
      %select_n3A = arith.select %and3A, %sub3A_43, %div3A_21 : vector<1024x128xi1>, vector<1024x128xi32>
      %iota3A_44 = tpu.iota {dimensions = array<i32: 1>} : vector<1024x128xi32>
      %jit3A_45 = arith.constant 16 : i32
      %div3A_46 = vector.broadcast %jit3A_45 : i32 to vector<1024x128xi32>
      %div3A_47 = arith.divsi %iota3A_44, %div3A_46 : vector<1024x128xi32>
      %sign3A_48 = arith.constant 0 : i32
      %sign3A_49 = vector.broadcast %sign3A_48 : i32 to vector<1024x128xi32>
      %sign3A_50 = arith.cmpi sgt, %iota3A_44, %sign3A_49 : vector<1024x128xi32>
      %sign3A_51 = arith.extui %sign3A_50 : vector<1024x128xi1> to vector<1024x128xi32>
      %sign3A_52 = arith.constant 0 : i32
      %sign3A_53 = vector.broadcast %sign3A_52 : i32 to vector<1024x128xi32>
      %sign3A_54 = arith.cmpi slt, %iota3A_44, %sign3A_53 : vector<1024x128xi32>
      %sign3A_55 = arith.extui %sign3A_54 : vector<1024x128xi1> to vector<1024x128xi32>
      %sign3A_56 = arith.subi %sign3A_51, %sign3A_55 : vector<1024x128xi32>
      %sign3A_57 = arith.constant 0 : i32
      %sign3A_58 = arith.cmpi sgt, %jit3A_45, %sign3A_57 : i32
      %sign3A_59 = arith.extui %sign3A_58 : i1 to i32
      %sign3A_60 = arith.constant 0 : i32
      %sign3A_61 = arith.cmpi slt, %jit3A_45, %sign3A_60 : i32
      %sign3A_62 = arith.extui %sign3A_61 : i1 to i32
      %sign3A_63 = arith.subi %sign3A_59, %sign3A_62 : i32
      %ne3A_64 = vector.broadcast %sign3A_63 : i32 to vector<1024x128xi32>
      %ne3A_65 = arith.cmpi ne, %sign3A_56, %ne3A_64 : vector<1024x128xi32>
      %rem3A_66 = vector.broadcast %jit3A_45 : i32 to vector<1024x128xi32>
      %rem3A_67 = arith.remsi %iota3A_44, %rem3A_66 : vector<1024x128xi32>
      %ne3A_68 = arith.constant 0 : i32
      %ne3A_69 = vector.broadcast %ne3A_68 : i32 to vector<1024x128xi32>
      %ne3A_70 = arith.cmpi ne, %rem3A_67, %ne3A_69 : vector<1024x128xi32>
      %and3A_71 = arith.andi %ne3A_65, %ne3A_70 : vector<1024x128xi1>
      %sub3A_72 = arith.constant 1 : i32
      %sub3A_73 = vector.broadcast %sub3A_72 : i32 to vector<1024x128xi32>
      %sub3A_74 = arith.subi %div3A_47, %sub3A_73 : vector<1024x128xi32>
      %select_n3A_75 = arith.select %and3A_71, %sub3A_74, %div3A_47 : vector<1024x128xi1>, vector<1024x128xi32>
      %eq3A_76 = arith.cmpi eq, %select_n3A, %select_n3A_75 : vector<1024x128xi32>
      %jit3A_77 = arith.constant 0.000000e+00 : f32
      %broadcast_in_dim3A = vector.broadcast %jit3A_77 : f32 to vector<1024x128xf32>
      %select_n3A_78 = arith.select %eq3A_76, %concatenate3A_20, %broadcast_in_dim3A : vector<1024x128xi1>, vector<1024x128xf32>
      %dot_general3A_79 = arith.constant dense<0.000000e+00> : vector<1250x128xf32>
      %dot_general3A_80 = tpu.matmul %get3A_16, %select_n3A_78, %dot_general3A_79 {dimension_numbers = #tpu.dot_dimension_numbers<[1], [0], [0], [1], [0, 0, 1, 1], [], []>, transpose_lhs_hint = false} : vector<1250x1024xf32>, vector<1024x128xf32>, vector<1250x128xf32> -> vector<1250x128xf32>
      %swap3A_81 = arith.constant 0 : index
      %swap3A_82 = arith.constant 0 : index
      %swap3A_83 = vector.load %arg5[%swap3A_81, %swap3A_82] : memref<1250x128xf32, #tpu.memory_space<vmem>>, vector<1250x128xf32>
      tpu.vector_store %arg5[%swap3A_81, %swap3A_82], %dot_general3A_80 {strides = array<i32>} : memref<1250x128xf32, #tpu.memory_space<vmem>>, vector<1250x128xf32>,
      %get3A_84 = arith.constant 144 : index
      %get3A_85 = arith.constant 0 : index
      %get3A_86 = vector.load %arg3[%get3A_84, %get3A_85] : memref<272x16xf32, #tpu.memory_space<vmem>>, vector<128x16xf32>
      %concatenate3A_87 = tpu.concatenate %get3A_86, %get3A_86, %get3A_86, %get3A_86, %get3A_86, %get3A_86, %get3A_86, %get3A_86 in 0 : vector<128x16xf32>, vector<128x16xf32>, vector<128x16xf32>, vector<128x16xf32>, vector<128x16xf32>, vector<128x16xf32>, vector<128x16xf32>, vector<128x16xf32> -> vector<1024x16xf32>
      %concatenate3A_88 = tpu.concatenate %concatenate3A_87, %concatenate3A_87, %concatenate3A_87, %concatenate3A_87, %concatenate3A_87, %concatenate3A_87, %concatenate3A_87, %concatenate3A_87 in 1 : vector<1024x16xf32>, vector<1024x16xf32>, vector<1024x16xf32>, vector<1024x16xf32>, vector<1024x16xf32>, vector<1024x16xf32>, vector<1024x16xf32>, vector<1024x16xf32> -> vector<1024x128xf32>
      %iota3A_89 = tpu.iota {dimensions = array<i32: 0>} : vector<1024x128xi32>
      %jit3A_90 = arith.constant 128 : i32
      %div3A_91 = vector.broadcast %jit3A_90 : i32 to vector<1024x128xi32>
      %div3A_92 = arith.divsi %iota3A_89, %div3A_91 : vector<1024x128xi32>
      %sign3A_93 = arith.constant 0 : i32
      %sign3A_94 = vector.broadcast %sign3A_93 : i32 to vector<1024x128xi32>
      %sign3A_95 = arith.cmpi sgt, %iota3A_89, %sign3A_94 : vector<1024x128xi32>
      %sign3A_96 = arith.extui %sign3A_95 : vector<1024x128xi1> to vector<1024x128xi32>
      %sign3A_97 = arith.constant 0 : i32
      %sign3A_98 = vector.broadcast %sign3A_97 : i32 to vector<1024x128xi32>
      %sign3A_99 = arith.cmpi slt, %iota3A_89, %sign3A_98 : vector<1024x128xi32>
      %sign3A_100 = arith.extui %sign3A_99 : vector<1024x128xi1> to vector<1024x128xi32>
      %sign3A_101 = arith.subi %sign3A_96, %sign3A_100 : vector<1024x128xi32>
      %sign3A_102 = arith.constant 0 : i32
      %sign3A_103 = arith.cmpi sgt, %jit3A_90, %sign3A_102 : i32
      %sign3A_104 = arith.extui %sign3A_103 : i1 to i32
      %sign3A_105 = arith.constant 0 : i32
      %sign3A_106 = arith.cmpi slt, %jit3A_90, %sign3A_105 : i32
      %sign3A_107 = arith.extui %sign3A_106 : i1 to i32
      %sign3A_108 = arith.subi %sign3A_104, %sign3A_107 : i32
      %ne3A_109 = vector.broadcast %sign3A_108 : i32 to vector<1024x128xi32>
      %ne3A_110 = arith.cmpi ne, %sign3A_101, %ne3A_109 : vector<1024x128xi32>
      %rem3A_111 = vector.broadcast %jit3A_90 : i32 to vector<1024x128xi32>
      %rem3A_112 = arith.remsi %iota3A_89, %rem3A_111 : vector<1024x128xi32>
      %ne3A_113 = arith.constant 0 : i32
      %ne3A_114 = vector.broadcast %ne3A_113 : i32 to vector<1024x128xi32>
      %ne3A_115 = arith.cmpi ne, %rem3A_112, %ne3A_114 : vector<1024x128xi32>
      %and3A_116 = arith.andi %ne3A_110, %ne3A_115 : vector<1024x128xi1>
      %sub3A_117 = arith.constant 1 : i32
      %sub3A_118 = vector.broadcast %sub3A_117 : i32 to vector<1024x128xi32>
      %sub3A_119 = arith.subi %div3A_92, %sub3A_118 : vector<1024x128xi32>
      %select_n3A_120 = arith.select %and3A_116, %sub3A_119, %div3A_92 : vector<1024x128xi1>, vector<1024x128xi32>
      %iota3A_121 = tpu.iota {dimensions = array<i32: 1>} : vector<1024x128xi32>
      %jit3A_122 = arith.constant 16 : i32
      %div3A_123 = vector.broadcast %jit3A_122 : i32 to vector<1024x128xi32>
      %div3A_124 = arith.divsi %iota3A_121, %div3A_123 : vector<1024x128xi32>
      %sign3A_125 = arith.constant 0 : i32
      %sign3A_126 = vector.broadcast %sign3A_125 : i32 to vector<1024x128xi32>
      %sign3A_127 = arith.cmpi sgt, %iota3A_121, %sign3A_126 : vector<1024x128xi32>
      %sign3A_128 = arith.extui %sign3A_127 : vector<1024x128xi1> to vector<1024x128xi32>
      %sign3A_129 = arith.constant 0 : i32
      %sign3A_130 = vector.broadcast %sign3A_129 : i32 to vector<1024x128xi32>
      %sign3A_131 = arith.cmpi slt, %iota3A_121, %sign3A_130 : vector<1024x128xi32>
      %sign3A_132 = arith.extui %sign3A_131 : vector<1024x128xi1> to vector<1024x128xi32>
      %sign3A_133 = arith.subi %sign3A_128, %sign3A_132 : vector<1024x128xi32>
      %sign3A_134 = arith.constant 0 : i32
      %sign3A_135 = arith.cmpi sgt, %jit3A_122, %sign3A_134 : i32
      %sign3A_136 = arith.extui %sign3A_135 : i1 to i32
      %sign3A_137 = arith.constant 0 : i32
      %sign3A_138 = arith.cmpi slt, %jit3A_122, %sign3A_137 : i32
      %sign3A_139 = arith.extui %sign3A_138 : i1 to i32
      %sign3A_140 = arith.subi %sign3A_136, %sign3A_139 : i32
      %ne3A_141 = vector.broadcast %sign3A_140 : i32 to vector<1024x128xi32>
      %ne3A_142 = arith.cmpi ne, %sign3A_133, %ne3A_141 : vector<1024x128xi32>
      %rem3A_143 = vector.broadcast %jit3A_122 : i32 to vector<1024x128xi32>
      %rem3A_144 = arith.remsi %iota3A_121, %rem3A_143 : vector<1024x128xi32>
      %ne3A_145 = arith.constant 0 : i32
      %ne3A_146 = vector.broadcast %ne3A_145 : i32 to vector<1024x128xi32>
      %ne3A_147 = arith.cmpi ne, %rem3A_144, %ne3A_146 : vector<1024x128xi32>
      %and3A_148 = arith.andi %ne3A_142, %ne3A_147 : vector<1024x128xi1>
      %sub3A_149 = arith.constant 1 : i32
      %sub3A_150 = vector.broadcast %sub3A_149 : i32 to vector<1024x128xi32>
      %sub3A_151 = arith.subi %div3A_124, %sub3A_150 : vector<1024x128xi32>
      %select_n3A_152 = arith.select %and3A_148, %sub3A_151, %div3A_124 : vector<1024x128xi1>, vector<1024x128xi32>
      %eq3A_153 = arith.cmpi eq, %select_n3A_120, %select_n3A_152 : vector<1024x128xi32>
      %jit3A_154 = arith.constant 0.000000e+00 : f32
      %broadcast_in_dim3A_155 = vector.broadcast %jit3A_154 : f32 to vector<1024x128xf32>
      %select_n3A_156 = arith.select %eq3A_153, %concatenate3A_88, %broadcast_in_dim3A_155 : vector<1024x128xi1>, vector<1024x128xf32>
      %dot_general3A_157 = arith.constant dense<0.000000e+00> : vector<1250x128xf32>
      %dot_general3A_158 = tpu.matmul %get3A_16, %select_n3A_156, %dot_general3A_157 {dimension_numbers = #tpu.dot_dimension_numbers<[1], [0], [0], [1], [0, 0, 1, 1], [], []>, transpose_lhs_hint = false} : vector<1250x1024xf32>, vector<1024x128xf32>, vector<1250x128xf32> -> vector<1250x128xf32>
      %swap3A_159 = arith.constant 0 : index
      %swap3A_160 = arith.constant 0 : index
      %swap3A_161 = vector.load %arg6[%swap3A_159, %swap3A_160] : memref<1250x128xf32, #tpu.memory_space<vmem>>, vector<1250x128xf32>
      tpu.vector_store %arg6[%swap3A_159, %swap3A_160], %dot_general3A_158 {strides = array<i32>} : memref<1250x128xf32, #tpu.memory_space<vmem>>, vector<1250x128xf32>,
      %get3A_162 = arith.constant 0 : index
      %get3A_163 = arith.constant 0 : index
      %get3A_164 = vector.load %arg3[%get3A_162, %get3A_163] : memref<272x16xf32, #tpu.memory_space<vmem>>, vector<16x16xf32>
      %concatenate3A_165 = tpu.concatenate %get3A_164, %get3A_164, %get3A_164, %get3A_164, %get3A_164, %get3A_164, %get3A_164, %get3A_164 in 0 : vector<16x16xf32>, vector<16x16xf32>, vector<16x16xf32>, vector<16x16xf32>, vector<16x16xf32>, vector<16x16xf32>, vector<16x16xf32>, vector<16x16xf32> -> vector<128x16xf32>
      %concatenate3A_166 = tpu.concatenate %concatenate3A_165, %concatenate3A_165, %concatenate3A_165, %concatenate3A_165, %concatenate3A_165, %concatenate3A_165, %concatenate3A_165, %concatenate3A_165 in 1 : vector<128x16xf32>, vector<128x16xf32>, vector<128x16xf32>, vector<128x16xf32>, vector<128x16xf32>, vector<128x16xf32>, vector<128x16xf32>, vector<128x16xf32> -> vector<128x128xf32>
      %iota3A_167 = tpu.iota {dimensions = array<i32: 0>} : vector<128x128xi32>
      %jit3A_168 = arith.constant 16 : i32
      %div3A_169 = vector.broadcast %jit3A_168 : i32 to vector<128x128xi32>
      %div3A_170 = arith.divsi %iota3A_167, %div3A_169 : vector<128x128xi32>
      %sign3A_171 = arith.constant 0 : i32
      %sign3A_172 = vector.broadcast %sign3A_171 : i32 to vector<128x128xi32>
      %sign3A_173 = arith.cmpi sgt, %iota3A_167, %sign3A_172 : vector<128x128xi32>
      %sign3A_174 = arith.extui %sign3A_173 : vector<128x128xi1> to vector<128x128xi32>
      %sign3A_175 = arith.constant 0 : i32
      %sign3A_176 = vector.broadcast %sign3A_175 : i32 to vector<128x128xi32>
      %sign3A_177 = arith.cmpi slt, %iota3A_167, %sign3A_176 : vector<128x128xi32>
      %sign3A_178 = arith.extui %sign3A_177 : vector<128x128xi1> to vector<128x128xi32>
      %sign3A_179 = arith.subi %sign3A_174, %sign3A_178 : vector<128x128xi32>
      %sign3A_180 = arith.constant 0 : i32
      %sign3A_181 = arith.cmpi sgt, %jit3A_168, %sign3A_180 : i32
      %sign3A_182 = arith.extui %sign3A_181 : i1 to i32
      %sign3A_183 = arith.constant 0 : i32
      %sign3A_184 = arith.cmpi slt, %jit3A_168, %sign3A_183 : i32
      %sign3A_185 = arith.extui %sign3A_184 : i1 to i32
      %sign3A_186 = arith.subi %sign3A_182, %sign3A_185 : i32
      %ne3A_187 = vector.broadcast %sign3A_186 : i32 to vector<128x128xi32>
      %ne3A_188 = arith.cmpi ne, %sign3A_179, %ne3A_187 : vector<128x128xi32>
      %rem3A_189 = vector.broadcast %jit3A_168 : i32 to vector<128x128xi32>
      %rem3A_190 = arith.remsi %iota3A_167, %rem3A_189 : vector<128x128xi32>
      %ne3A_191 = arith.constant 0 : i32
      %ne3A_192 = vector.broadcast %ne3A_191 : i32 to vector<128x128xi32>
      %ne3A_193 = arith.cmpi ne, %rem3A_190, %ne3A_192 : vector<128x128xi32>
      %and3A_194 = arith.andi %ne3A_188, %ne3A_193 : vector<128x128xi1>
      %sub3A_195 = arith.constant 1 : i32
      %sub3A_196 = vector.broadcast %sub3A_195 : i32 to vector<128x128xi32>
      %sub3A_197 = arith.subi %div3A_170, %sub3A_196 : vector<128x128xi32>
      %select_n3A_198 = arith.select %and3A_194, %sub3A_197, %div3A_170 : vector<128x128xi1>, vector<128x128xi32>
      %iota3A_199 = tpu.iota {dimensions = array<i32: 1>} : vector<128x128xi32>
      %jit3A_200 = arith.constant 16 : i32
      %div3A_201 = vector.broadcast %jit3A_200 : i32 to vector<128x128xi32>
      %div3A_202 = arith.divsi %iota3A_199, %div3A_201 : vector<128x128xi32>
      %sign3A_203 = arith.constant 0 : i32
      %sign3A_204 = vector.broadcast %sign3A_203 : i32 to vector<128x128xi32>
      %sign3A_205 = arith.cmpi sgt, %iota3A_199, %sign3A_204 : vector<128x128xi32>
      %sign3A_206 = arith.extui %sign3A_205 : vector<128x128xi1> to vector<128x128xi32>
      %sign3A_207 = arith.constant 0 : i32
      %sign3A_208 = vector.broadcast %sign3A_207 : i32 to vector<128x128xi32>
      %sign3A_209 = arith.cmpi slt, %iota3A_199, %sign3A_208 : vector<128x128xi32>
      %sign3A_210 = arith.extui %sign3A_209 : vector<128x128xi1> to vector<128x128xi32>
      %sign3A_211 = arith.subi %sign3A_206, %sign3A_210 : vector<128x128xi32>
      %sign3A_212 = arith.constant 0 : i32
      %sign3A_213 = arith.cmpi sgt, %jit3A_200, %sign3A_212 : i32
      %sign3A_214 = arith.extui %sign3A_213 : i1 to i32
      %sign3A_215 = arith.constant 0 : i32
      %sign3A_216 = arith.cmpi slt, %jit3A_200, %sign3A_215 : i32
      %sign3A_217 = arith.extui %sign3A_216 : i1 to i32
      %sign3A_218 = arith.subi %sign3A_214, %sign3A_217 : i32
      %ne3A_219 = vector.broadcast %sign3A_218 : i32 to vector<128x128xi32>
      %ne3A_220 = arith.cmpi ne, %sign3A_211, %ne3A_219 : vector<128x128xi32>
      %rem3A_221 = vector.broadcast %jit3A_200 : i32 to vector<128x128xi32>
      %rem3A_222 = arith.remsi %iota3A_199, %rem3A_221 : vector<128x128xi32>
      %ne3A_223 = arith.constant 0 : i32
      %ne3A_224 = vector.broadcast %ne3A_223 : i32 to vector<128x128xi32>
      %ne3A_225 = arith.cmpi ne, %rem3A_222, %ne3A_224 : vector<128x128xi32>
      %and3A_226 = arith.andi %ne3A_220, %ne3A_225 : vector<128x128xi1>
      %sub3A_227 = arith.constant 1 : i32
      %sub3A_228 = vector.broadcast %sub3A_227 : i32 to vector<128x128xi32>
      %sub3A_229 = arith.subi %div3A_202, %sub3A_228 : vector<128x128xi32>
      %select_n3A_230 = arith.select %and3A_226, %sub3A_229, %div3A_202 : vector<128x128xi1>, vector<128x128xi32>
      %eq3A_231 = arith.cmpi eq, %select_n3A_198, %select_n3A_230 : vector<128x128xi32>
      %jit3A_232 = arith.constant 0.000000e+00 : f32
      %broadcast_in_dim3A_233 = vector.broadcast %jit3A_232 : f32 to vector<128x128xf32>
      %select_n3A_234 = arith.select %eq3A_231, %concatenate3A_166, %broadcast_in_dim3A_233 : vector<128x128xi1>, vector<128x128xf32>
      %swap3A_235 = arith.constant 0 : index
      %swap3A_236 = arith.constant 0 : index
      %swap3A_237 = vector.load %arg8[%swap3A_235, %swap3A_236] : memref<128x128xf32, #tpu.memory_space<vmem>>, vector<128x128xf32>
      tpu.vector_store %arg8[%swap3A_235, %swap3A_236], %select_n3A_234 {strides = array<i32>} : memref<128x128xf32, #tpu.memory_space<vmem>>, vector<128x128xf32>,
      %get3A_238 = arith.constant 0 : index
      %get3A_239 = arith.constant 0 : index
      %get3A_240 = vector.load %arg4[%get3A_238, %get3A_239] : memref<1x16xf32, #tpu.memory_space<vmem>>, vector<1x16xf32>
      %concatenate3A_241 = tpu.concatenate %get3A_240, %get3A_240, %get3A_240, %get3A_240, %get3A_240, %get3A_240, %get3A_240, %get3A_240 in 1 : vector<1x16xf32>, vector<1x16xf32>, vector<1x16xf32>, vector<1x16xf32>, vector<1x16xf32>, vector<1x16xf32>, vector<1x16xf32>, vector<1x16xf32> -> vector<1x128xf32>
      %swap3A_242 = arith.constant 0 : index
      %swap3A_243 = arith.constant 0 : index
      %swap3A_244 = vector.load %arg9[%swap3A_242, %swap3A_243] : memref<1x128xf32, #tpu.memory_space<vmem>>, vector<1x128xf32>
      tpu.vector_store %arg9[%swap3A_242, %swap3A_243], %concatenate3A_241 {strides = array<i32>} : memref<1x128xf32, #tpu.memory_space<vmem>>, vector<1x128xf32>,
    } else {
    }
    %get3A = arith.constant 0 : index
    %get3A_2 = arith.constant 0 : index
    %get3A_3 = vector.load %arg2[%get3A, %get3A_2] : memref<4000x128xf32, #tpu.memory_space<vmem>>, vector<4000x128xf32>
    %get3A_4 = arith.constant 0 : index
    %get3A_5 = arith.constant 0 : index
    %get3A_6 = vector.load %arg8[%get3A_4, %get3A_5] : memref<128x128xf32, #tpu.memory_space<vmem>>, vector<128x128xf32>
    %dot_general3A = arith.constant dense<0.000000e+00> : vector<4000x128xf32>
    %dot_general3A_7 = tpu.matmul %get3A_3, %get3A_6, %dot_general3A {dimension_numbers = #tpu.dot_dimension_numbers<[1], [0], [0], [1], [0, 0, 1, 1], [], []>, transpose_lhs_hint = false} : vector<4000x128xf32>, vector<128x128xf32>, vector<4000x128xf32> -> vector<4000x128xf32>
    %get3A_8 = arith.constant 0 : index
    %get3A_9 = arith.constant 0 : index
    %get3A_10 = vector.load %arg9[%get3A_8, %get3A_9] : memref<1x128xf32, #tpu.memory_space<vmem>>, vector<1x128xf32>
    %add3A = vector.broadcast %get3A_10 : vector<1x128xf32> to vector<4000x128xf32>
    %add3A_11 = arith.addf %dot_general3A_7, %add3A : vector<4000x128xf32>
    %swap3A = arith.constant 0 : index
    %swap3A_12 = arith.constant 0 : index
    %swap3A_13 = vector.load %arg7[%swap3A, %swap3A_12] : memref<4000x128xf32, #tpu.memory_space<vmem>>, vector<4000x128xf32>
    tpu.vector_store %arg7[%swap3A, %swap3A_12], %add3A_11 {strides = array<i32>} : memref<4000x128xf32, #tpu.memory_space<vmem>>, vector<4000x128xf32>,
    return
  }
  func.func @transform_0(%arg0: i32) -> (i32, i32) {
    %c0_i32 = arith.constant 0 : i32
    %c0_i32_0 = arith.constant 0 : i32
    %c0_i32_1 = arith.constant 0 : i32
    return %c0_i32, %c0_i32_0 : i32, i32
  }
  func.func @transform_1(%arg0: i32) -> (i32, i32) {
    %sub3A = arith.constant 1 : i32
    %sub3A_0 = arith.subi %arg0, %sub3A : i32
    %max3A = arith.constant 0 : i32
    %max3A_1 = arith.maxsi %sub3A_0, %max3A : i32
    %c0_i32 = arith.constant 0 : i32
    %c0_i32_2 = arith.constant 0 : i32
    return %max3A_1, %c0_i32 : i32, i32
  }
  func.func @transform_2(%arg0: i32) -> (i32, i32) {
    %c0_i32 = arith.constant 0 : i32
    %c0_i32_0 = arith.constant 0 : i32
    %c0_i32_1 = arith.constant 0 : i32
    return %c0_i32, %c0_i32_0 : i32, i32
  }
  func.func @transform_3(%arg0: i32) -> (i32, i32) {
    %c0_i32 = arith.constant 0 : i32
    %c0_i32_0 = arith.constant 0 : i32
    %c0_i32_1 = arith.constant 0 : i32
    return %c0_i32, %c0_i32_0 : i32, i32
  }
  func.func @transform_4(%arg0: i32) -> (i32, i32) {
    %c0_i32 = arith.constant 0 : i32
    %c0_i32_0 = arith.constant 0 : i32
    %c0_i32_1 = arith.constant 0 : i32
    return %c0_i32, %c0_i32_0 : i32, i32
  }
  func.func @transform_5(%arg0: i32) -> (i32, i32) {
    %c0_i32 = arith.constant 0 : i32
    %c0_i32_0 = arith.constant 0 : i32
    %c0_i32_1 = arith.constant 0 : i32
    return %c0_i32, %c0_i32_0 : i32, i32
  }
  func.func @transform_6(%arg0: i32) -> (i32, i32) {
    %sub3A = arith.constant 1 : i32
    %sub3A_0 = arith.subi %arg0, %sub3A : i32
    %max3A = arith.constant 0 : i32
    %max3A_1 = arith.maxsi %sub3A_0, %max3A : i32
    %c0_i32 = arith.constant 0 : i32
    %c0_i32_2 = arith.constant 0 : i32
    return %max3A_1, %c0_i32 : i32, i32
  }
}

</mosaic_0001>

<sc_bundles>
// kernel: kernel.4.cloned.1.call-start
scs
__scs_entry_jumppad:
0x0: {  	(pc) =	sbr.rel $0x88, $3  }
0x1: {  	(tag) =	ssettag $0x0;
	lr =	simm.s32 $0x1  }
0x2: {  	[smem:$0x3F9C] =	sst lr;
	_ =	strace $0xD0000000  }
0x3: {  	_ = 	snop  }
0x4: {  	_ = 	snop  }
0x5: {  	_ = 	snop  }
0x6: {  	_ = 	snop  }
0x7: {  	_ = 	snop  }
__scs_overlays_trampoline_lowered:
0x8: {  	[smem:$0x3FAB] =	sst s0  }
0x9: {  	[smem:$0x3FAC] =	sst s1  }
0xa: {  	[smem:$0x3FAD] =	sst s2  }
0xb: {  	[smem:$0x3FAE] =	sst s3  }
0xc: {  	[smem:$0x3FAF] =	sst s4  }
0xd: {  	[smem:$0x3FB0] =	sst s5  }
0xe: {  	[smem:$0x3FB1] =	sst s6  }
0xf: {  	[smem:$0x3FB2] =	sst s7  }
0x10: {  	[smem:$0x3FB3] =	sst s8  }
0x11: {  	[smem:$0x3FB4] =	sst s9;
	s0 =	simm.s32 @!p0 $0x0  }
0x12: {  	s1 =	sld [smem:$0x3F9A];
	s0 =	simm.s32 @p0 $0x1  }
0x13: {  	[smem:$0x3FB5] =	sst s0;
	s0 =	simm.s32 @!p1 $0x0  }
0x14: {  	s2 =	sld [smem:$0x3F99];
	s0 =	simm.s32 @p1 $0x1  }
0x15: {  	[smem:$0x3FB6] =	sst s0;
	s0 =	simm.s32 @!p2 $0x0  }
0x16: {  	s3 =	sld [smem:$0x3FDB];
	s0 =	simm.s32 @p2 $0x1  }
0x17: {  	s4 =	simm.s32 $0x1BF5;
	[smem:$0x3FB8] =	sst s0  }
0x18: {  	s0 =	sld [smem:$0x3F9B];
	_ =	swait.ge [sflag:s4], $0x0  }
0x19: {  	s7 =	sld [smem:$0x3F9C]  }
0x1a: {  	s8 =	sadd.s32 $0xFFFFE003, lr  }
0x1b: {  	s9 =	sadd.s32 $0xFFFFFEF7, lr;
	s5 =	simm.s32 $0xFFFFFFFF;
	p2 =	slt.u32 s8, $0xFFFFF086  }
0x1c: {  	p1 =	slt.u32 s9, $0xF7A;
	s5 =	simm.s32 @!p2 $0x0  }
0x1d: {  	s5 =	simm.s32 @p1 $0x1;
	p0 =	seq.s32 s7, s2  }
0x1e: {  	s7 =	smul.u32 @!p0 $0xF7A, s2;
	p2 =	seq.s32 @!p0 s5, $0x0  }
0x1f: {  	s9 =	smul.u32 $0xF7A, s1;
	s8 =	simm.s32 @!p0 $0x1BF5;
	p2 =	por !p2, p0  }
0x20: {  	[sflag:s8] =	ssyncset.s32 @!p0 $0xFFFFF086;
	s6 =	sadd.s32 @!p0 s3, s7;
	s7 =	simm.s32 @!p0 $0x108  }
0x21: {  	s3 =	sadd.s32 s3, s9;
	s6 =	sadd.s32 @!p0 $0x88, s6;
	s7 =	simm.s32 @p2 $0x1082  }
0x22: {  	[simem:s7], [sflag:s8] =	dma.local @!p0 [hbm:s6], $0xF7A  }
0x23: {  	s9 =	sor.u32 $0xD0000000, s2;
	s6 =	simm.s32 $0x108;
	_ =	swait.ge @!p0 [sflag:s8], $0x0  }
0x24: {  	s3 =	sadd.s32 $0x88, s3;
	s6 =	simm.s32 @!p1 $0x1082;
	[sflag:s4] =	ssyncset.s32 $0xFFFFF086  }
0x25: {  	[simem:s6], [sflag:s4] =	dma.local [hbm:s3], $0xF7A  }
0x26: {  	[smem:$0x3F9C] =	sst s1;
	(tag) =	ssettag s2;
	_ =	strace s9  }
0x27: {  	s1 =	sld [smem:$0x3FAC]  }
0x28: {  	s2 =	sld [smem:$0x3FAD]  }
0x29: {  	s4 =	sld [smem:$0x3FAF]  }
0x2a: {  	p0 =	seq.s32 s5, $0x0;
	s5 =	sld [smem:$0x3FB0]  }
0x2b: {  	s6 =	sld [smem:$0x3FB1]  }
0x2c: {  	s7 =	sld [smem:$0x3FB2]  }
0x2d: {  	s3 =	simm.s32 $0x108;
	s8 =	sld [smem:$0x3FB3]  }
0x2e: {  	s3 =	simm.s32 @!p0 $0x1082;
	s9 =	sld [smem:$0x3FB4]  }
0x2f: {  	lr =	sadd.s32 s0, s3;
	s0 =	sld [smem:$0x3FAB]  }
0x30: {  	s3 =	sld [smem:$0x3FAE]  }
0x31: {  	[smem:$0x3FB7] =	sst s10  }
0x32: {  	s10 =	sld [smem:$0x3FB5];
	_ =	sdelay $0x3  }
0x33: {  	p0 =	seq.s32 s10, $0x1;
	s10 =	sld [smem:$0x3FB7];
	_ =	sdelay $0x3  }
0x34: {  	[smem:$0x3FB7] =	sst s10  }
0x35: {  	s10 =	sld [smem:$0x3FB6];
	_ =	sdelay $0x3  }
0x36: {  	p1 =	seq.s32 s10, $0x1;
	s10 =	sld [smem:$0x3FB7];
	_ =	sdelay $0x3  }
0x37: {  	[smem:$0x3FB7] =	sst s10  }
0x38: {  	s10 =	sld [smem:$0x3FB8]  }
0x39: {  	_ = 	snop;
	(pc) =	sbr.ind lr, $3  }
0x3a: {  	_ = 	snop  }
0x3b: {  	_ = 	snop  }
0x3c: {  	p2 =	seq.s32 s10, $0x1;
	s10 =	sld [smem:$0x3FB7]  }
0x3d: {  	_ =	shalt  }
0x3e: {  	_ =	shalt  }
0x3f: {  	_ =	shalt  }
0x40: {  	_ =	shalt  }
0x41: {  	_ =	shalt  }
0x42: {  	_ =	shalt  }
0x43: {  	_ =	shalt  }
0x44: {  	_ =	shalt  }
0x45: {  	_ =	shalt  }
0x46: {  	_ =	shalt  }
0x47: {  	_ =	shalt  }
0x48: {  	_ =	shalt  }
0x49: {  	_ =	shalt  }
0x4a: {  	_ =	shalt  }
0x4b: {  	_ =	shalt  }
0x4c: {  	_ =	shalt  }
0x4d: {  	_ =	shalt  }
0x4e: {  	_ =	shalt  }
0x4f: {  	_ =	shalt  }
0x50: {  	_ =	shalt  }
0x51: {  	_ =	shalt  }
0x52: {  	_ =	shalt  }
0x53: {  	_ =	shalt  }
0x54: {  	_ =	shalt  }
0x55: {  	_ =	shalt  }
0x56: {  	_ =	shalt  }
0x57: {  	_ =	shalt  }
0x58: {  	_ =	shalt  }
0x59: {  	_ =	shalt  }
0x5a: {  	_ =	shalt  }
0x5b: {  	_ =	shalt  }
0x5c: {  	_ =	shalt  }
0x5d: {  	_ =	shalt  }
0x5e: {  	_ =	shalt  }
0x5f: {  	_ =	shalt  }
0x60: {  	_ =	shalt  }
0x61: {  	_ =	shalt  }
0x62: {  	_ =	shalt  }
0x63: {  	_ =	shalt  }
0x64: {  	_ =	shalt  }
0x65: {  	_ =	shalt  }
0x66: {  	_ =	shalt  }
0x67: {  	_ =	shalt  }
0x68: {  	_ =	shalt  }
0x69: {  	_ =	shalt  }
0x6a: {  	_ =	shalt  }
0x6b: {  	_ =	shalt  }
0x6c: {  	_ =	shalt  }
0x6d: {  	_ =	shalt  }
0x6e: {  	_ =	shalt  }
0x6f: {  	_ =	shalt  }
0x70: {  	_ =	shalt  }
0x71: {  	_ =	shalt  }
0x72: {  	_ =	shalt  }
0x73: {  	_ =	shalt  }
0x74: {  	_ =	shalt  }
0x75: {  	_ =	shalt  }
0x76: {  	_ =	shalt  }
0x77: {  	_ =	shalt  }
0x78: {  	_ =	shalt  }
0x79: {  	_ =	shalt  }
0x7a: {  	_ =	shalt  }
0x7b: {  	_ =	shalt  }
0x7c: {  	_ =	shalt  }
0x7d: {  	_ =	shalt  }
0x7e: {  	_ =	shalt  }
0x7f: {  	_ =	shalt  }
0x80: {  	_ =	shalt  }
0x81: {  	_ =	shalt  }
0x82: {  	_ =	shalt  }
0x83: {  	_ =	shalt  }
0x84: {  	_ =	shalt  }
0x85: {  	_ =	shalt  }
0x86: {  	_ =	shalt  }
0x87: {  	_ =	shalt  }
.Lfunc_end0:
.L_simem_size_0:
called_computation_lowered:
.L_overlay_start_0:
0x88: {  	s2 =	sld [smem:$0x3FD9]  }
0x89: {  	s3 =	sld [smem:$0x3FFE];
	_ =	sdelay $0x1  }
0x8a: {  	s1 =	srdreg.scid  }
0x8b: {  	s0 =	sand.u32 $0x1, s1  }
0x8c: {  	s17 =	sshll.u32 s0, $0xA;
	s2 =	sadd.s32 s3, s2  }
0x8d: {  	s2 =	sadd.s32 s2, s17  }
0x8e: {  	[smem:$0x3FC3] =	sst s2  }
0x8f: {  	_ = 	snop  }
0x90: {  	s2 =	sld [smem:$0x3FD0];
	(tm) =	ssettm $0x1  }
0x91: {  	s18 =	sld [smem:$0x3FFB];
	_ =	sdelay $0x3  }
0x92: {  	_ =	strace s18  }
0x93: {  	s3 =	sld [smem:$0x3FFC];
	_ =	sdelay $0x3  }
0x94: {  	_ =	strace s3  }
0x95: {  	s3 =	sld [smem:$0x3FFD];
	_ =	sdelay $0x3  }
0x96: {  	_ =	strace s3  }
0x97: {  	_ =	strace $0x8FFFFFFF  }
0x98: {  	s19 =	sld [smem:$0x3FDB];
	_ =	sdelay $0x1  }
0x99: {  	s4 =	simm.s32 $_scs_section_size  }
0x9a: {  	s5 =	simm.s32 $_size__tile_overlayer_lowered;
	s6 =	simm.s32 $_tile_overlayer_lowered  }
0x9b: {  	s22 =	simm.s32 $0x1BFF;
	s21 =	sshll.u32 s6, $0x1;
	s3 =	sadd.s32 s4, s19  }
0x9c: {  	s7 =	simm.s32 $0x0;
	s20 =	sshll.u32 s5, $0x1;
	s5 =	sadd.s32 s21, s3  }
0x9d: {  	[timem:s7], [sflag:s22] =	dma.local [hbm:s5], s20  }
0x9e: {  	_ =	swait.ge [sflag:s22], s20  }
0x9f: {  	s4 =	ssub.s32 $0x0, s20;
	[sflag:s22] =	ssyncset.done $0x0  }
0xa0: {  	[sflag:s22] =	ssyncadd.s32 s4;
	_ =	sdelay $0x1  }
0xa1: {  	s23 =	simm.s32 $0x1B8B  }
0xa2: {  	_ =	swait.ge [sflag:s23], $0x1  }
0xa3: {  	[sflag:s23] =	ssyncset.done $0x0  }
0xa4: {  	s25 =	simm.s32 $0x1B8E;
	s24 =	sld [smem:$0x3FFE];
	[sflag:s23] =	ssyncadd.s32 $0xFFFFFFFF  }
0xa5: {  	s26 =	simm.s32 $execute0_lowered;
	[smem:$0x3FD2] =	sst s25  }
0xa6: {  	s5 =	sshll.u32 s26, $0x1;
	_ =	strace $0x80000046;
	[dreg:$0x1] =	wrdreg $0xFFFFFFFF  }
0xa7: {  	s28 =	simm.s32 $_size_execute0_lowered;
	s3 =	sadd.s32 s3, s5;
	[dreg:$0x0] =	wrdreg $0x0  }
0xa8: {  	s5 =	sshll.u32 s28, $0x1;
	[dreg:$0x2] =	wrdreg s3  }
0xa9: {  	[dreg:$0x3] =	wrdreg s5  }
0xaa: {  	[dreg:$0x4] =	wrdreg $0xC0  }
0xab: {  	_ =	task [dreg:s7], $0x5FFFF  }
0xac: {  	[dreg:$0x1] =	wrdreg $0xFFFFFFFF  }
0xad: {  	[dreg:$0x0] =	wrdreg $0x60  }
0xae: {  	[dreg:$0x2] =	wrdreg s24  }
0xaf: {  	[dreg:$0x3] =	wrdreg s2  }
0xb0: {  	[dreg:$0x4] =	wrdreg $0x9  }
0xb1: {  	_ =	task.clear_ibuf [dreg:s7], $0x5FFFF;
	_ =	strace $0x90000046  }
0xb2: {  	s29 =	simm.s32 $0x9;
	_ =	strace $0x80000048  }
0xb3: {  	_ =	swait.ge [sflag:s29], $0x1  }
0xb4: {  	[sflag:s29] =	ssyncadd.s32 $0xFFFFFFFF  }
0xb5: {  	_ =	strace $0x90000048  }
0xb6: {  	_ =	sfence  }
0xb7: {  	s30 =	sld [smem:$0x0];
	_ =	sdelay $0x2  }
0xb8: {  	s31 =	sshll.u32 s1, $0xD;
	s1 =	sshrl.u32 s1, $0x2  }
0xb9: {  	s3 =	sand.u32 $0x4000, s31;
	s1 =	sadd.s32 s1, s30  }
0xba: {  	s0 =	sor.u32 s3, s0;
	s1 =	sshll.u32 s1, $0x11  }
0xbb: {  	s0 =	sor.u32 s1, s0  }
0xbc: {  	s0 =	sadd.s32 $0x8F2B, s0  }
0xbd: {  	[sflag:s0] =	ssyncadd.remote.s32 $0x1  }
0xbe: {  	_ =	sfence.sel $0xFFFF  }
0xbf: {  	[dreg:$0x0] =	wrdreg $0xFFFFFFFF;
	(pc) =	sbr.abs _section_cstart, $3  }
0xc0: {  	[dreg:$0x1] =	wrdreg $0xFFFFFFFF  }
0xc1: {  	_ =	task.clear_ibuf [dreg:s7], $0x2FFFF;
	_ =	strace $0x9FFFFFFF  }
0xc2: {  	(tm) =	ssettm $0x7FFFFFFF  }
0xc3: {  	_ =	shalt  }
tec
execute0_lowered:
.L_overlay_start_1:
0x0: {  	(tag) =	ssettag $0x1  }
0x1: {  	s0 =	rddreg [dreg:$0x0]  }
0x2: {  	s2 =	rddreg [dreg:$0x1];
	s1 =	srdreg.scid  }
0x3: {  	s4 =	stileid.u32;
	s3 =	simm.s32 $0x0;
	s16 =	simm.s32 $0x50  }
0x4: {  	s17 =	simm.s32 $0x5820;
	s18 =	simm.s32 $0x6220;
	s19 =	simm.s32 $0x4E20  }
0x5: {  	s28 =	simm.s32 $0x4;
	s29 =	simm.s32 $0x6;
	s30 =	simm.s32 $0x2  }
0x6: {  	s31 =	simm.s32 $0x7120;
	s1 =	sand.u32 $0x1, s1;
	s4 =	sshll.u32 s4, $0x1  }
0x7: {  	[smem:$0x7FF] =	sst s3;
	s5 =	sadd.s32 $0xB1600, s0;
	s7 =	sor.u32 s1, s4  }
0x8: {  	s6 =	sadd.s32 $0xB6600, s0;
	s1 =	ssub.s32 $0x2, s1;
	s4 =	smul.u32 $0x2710, s7  }
0x9: {  	s8 =	sadd.s32 $0x15200, s0;
	s7 =	smul.u32 $0x27100, s7;
	s21 =	sshrl.u32 s1, $0x1  }
0xa: {  	_ =	strace $0x80000047;
	s1 =	ssub.s32 s1, s21;
	s9 =	sshrl.u32 s4, $0x3  }
0xb: {  	s10 =	sshrl.u32 s7, $0x3;
	s26 =	smax.u32 s1, $0x1;
	s1 =	simm.s32 $0x0  }
0xc: {  	s0 =	sadd.s32 s9, s0;
	s24 =	sadd.s32 s8, s10;
	[dreg:$0x7] =	wrdreg s26  }
0xd: {  	s23 =	sadd.s32 s2, s10;
	s22 =	sadd.s32 $0x1800, s0;
	[dreg:$0x5] =	wrdreg s24  }
0xe: {  	s26 =	simm.s32 $0x6C20;
	s0 =	sadd.s32 $0xB440, s0;
	[dreg:$0x3] =	wrdreg s22  }
0xf: {  	s25 =	sadd.s32 $0x4D80, s23;
	s23 =	simm.s32 $0x3;
	[dreg:$0x4] =	wrdreg s0  }
0x10: {  	s24 =	simm.s32 $0x5;
	[dreg:$0x6] =	wrdreg s25;
	s25 =	simm.s32 $0x1  }
.LBB2_1:
0x11: {  	[dreg:$0x8] =	wrdreg s1  }
0x12: {  	s0 =	rddreg [dreg:$0x3];
	s20 =	simm.s32 $0x9  }
0x13: {  	[tilespmem:s3], [sflag:$0x9] =	stream.linear.gather [hbm4b:s0+s3], $0x2710, $0x38;
	[tilespmem:$0x7620] =	vst v63  }
0x14: {  	_ =	swait.ge [sflag:s20], $0x2710  }
0x15: {  	[sflag:s20] =	ssyncset.done $0x0  }
0x16: {  	s9 =	simm.s32 $0x2710;
	s21 =	rddreg [dreg:$0x4];
	[sflag:s20] =	ssyncadd.s32 $0xFFFFD8F0  }
0x17: {  	[tilespmem:s9], [sflag:$0x9] =	stream.linear.gather [hbm4b:s21+s3], $0x2710, $0x38;
	[tilespmem:$0x7620] =	vst v63  }
0x18: {  	_ =	swait.ge [sflag:s20], $0x2710  }
0x19: {  	[sflag:s20] =	ssyncset.done $0x0  }
0x1a: {  	[sflag:s20] =	ssyncadd.s32 $0xFFFFD8F0  }
0x1b: {  	[tilespmem:s17], [sflag:$0x3] =	stream.indirect.gather [hbm4b:s5+s16], $0x10, s3, s16, $0xb8;
	[tilespmem:$0x7620] =	vst v63  }
0x1c: {  	_ = 	snop  }
0x1d: {  	[tilespmem:s18], [sflag:$0x5] =	stream.indirect.gather [hbm4b:s6+s16], $0x10, s9, s16, $0xb8;
	[tilespmem:$0x7620] =	vst v63  }
0x1e: {  	s22 =	rddreg [dreg:$0x5];
	s9 =	simm.s32 $0x0  }
0x1f: {  	[tilespmem:s19], [sflag:$0x1] =	stream.linear.gather [hbm4b:s22+s3], $0x500, $0x38;
	[tilespmem:$0x7620] =	vst v63  }
.LBB2_2:
0x20: {  	s0 =	sshllo.u32 s9, $0x1  }
0x21: {  	s10 =	smul.u32 $0x50, s0  }
0x22: {  	s1 =	simm.s32 $0x5D20;
	s0 =	smul.u32 $0x500, s0  }
0x23: {  	[tilespmem:s1], [sflag:$0x4] =	stream.indirect.gather [hbm4b:s5+s16], $0x10, s10, s16, $0xb8;
	[tilespmem:$0x7620] =	vst v63  }
0x24: {  	s0 =	sadd.s32 s7, s0  }
0x25: {  	s11 =	simm.s32 $0x6720;
	s21 =	sadd.s32 $0x2710, s10;
	s0 =	sshrl.u32 s0, $0x3  }
0x26: {  	[tilespmem:s11], [sflag:$0x6] =	stream.indirect.gather [hbm4b:s6+s16], $0x10, s21, s16, $0xb8;
	[tilespmem:$0x7620] =	vst v63  }
0x27: {  	s22 =	simm.s32 $0x5320;
	s0 =	sadd.s32 s8, s0  }
0x28: {  	[tilespmem:s22], [sflag:$0x2] =	stream.linear.gather [hbm4b:s0+s3], $0x500, $0x38;
	[tilespmem:$0x7620] =	vst v63  }
0x29: {  	_ =	swait.ge [sflag:s23], $0x500  }
0x2a: {  	[sflag:s23] =	ssyncset.done $0x0  }
0x2b: {  	[sflag:s23] =	ssyncadd.s32 $0xFFFFFB00  }
0x2c: {  	_ =	swait.ge [sflag:s24], $0x500  }
0x2d: {  	[sflag:s24] =	ssyncset.done $0x0  }
0x2e: {  	[sflag:s24] =	ssyncadd.s32 $0xFFFFFB00  }
0x2f: {  	_ =	swait.ge [sflag:s25], $0x500  }
0x30: {  	p0 =	seq.s32 s9, $0x0;
	[sflag:s25] =	ssyncset.done $0x0  }
0x31: {  	s0 =	simm.s32 @!p0 $0x7;
	[sflag:s25] =	ssyncadd.s32 $0xFFFFFB00  }
0x32: {  	_ =	swait.ge @!p0 [sflag:s0], $0x500  }
0x33: {  	[sflag:s0] =	ssyncset.done @!p0 $0x0  }
0x34: {  	s11 =	simm.s32 $0x58A0;
	[sflag:s0] =	ssyncadd.s32 @!p0 $0xFFFFFB00  }
0x35: {  	s13 =	simm.s32 $0x4EA0;
	v0 =	vld [tilespmem:s11+$0xFFFFFF80]  }
0x36: {  	v1 =	vld [tilespmem:s13+$0xFFFFFF80]  }
0x37: {  	s12 =	simm.s32 $0x62A0  }
0x38: {  	v2 =	vld [tilespmem:s12+$0xFFFFFF80];
	_ =	sdelay $0x2  }
0x39: {  	v0 =	vadd.f32 v0, v1;
	_ =	sdelay $0x1  }
0x3a: {  	v0 =	vadd.f32 v2, v0;
	_ =	sdelay $0x1  }
0x3b: {  	s1 =	simm.s32 $0x6CA0;
	v0 =	vmax.f32 v0, $0.0e+00  }
0x3c: {  	[tilespmem:s1+$0xFFFFFF80] =	vst v0  }
0x3d: {  	v0 =	vld [tilespmem:s13+$0xFFFFFF90]  }
0x3e: {  	v1 =	vld [tilespmem:s11+$0xFFFFFF90];
	_ =	sdelay $0x1  }
0x3f: {  	v2 =	vld [tilespmem:s12+$0xFFFFFF90];
	_ =	sdelay $0x2  }
0x40: {  	v0 =	vadd.f32 v1, v0;
	_ =	sdelay $0x1  }
0x41: {  	v0 =	vadd.f32 v2, v0;
	_ =	sdelay $0x1  }
0x42: {  	v0 =	vmax.f32 v0, $0.0e+00  }
0x43: {  	[tilespmem:s1+$0xFFFFFF90] =	vst v0  }
0x44: {  	v0 =	vld [tilespmem:s13+$0xFFFFFFA0]  }
0x45: {  	v1 =	vld [tilespmem:s11+$0xFFFFFFA0];
	_ =	sdelay $0x1  }
0x46: {  	v2 =	vld [tilespmem:s12+$0xFFFFFFA0];
	_ =	sdelay $0x2  }
0x47: {  	v0 =	vadd.f32 v1, v0;
	_ =	sdelay $0x1  }
0x48: {  	v0 =	vadd.f32 v2, v0;
	_ =	sdelay $0x1  }
0x49: {  	v0 =	vmax.f32 v0, $0.0e+00  }
0x4a: {  	[tilespmem:s1+$0xFFFFFFA0] =	vst v0  }
0x4b: {  	v0 =	vld [tilespmem:s13+$0xFFFFFFB0]  }
0x4c: {  	v1 =	vld [tilespmem:s11+$0xFFFFFFB0];
	_ =	sdelay $0x1  }
0x4d: {  	v2 =	vld [tilespmem:s12+$0xFFFFFFB0];
	_ =	sdelay $0x2  }
0x4e: {  	v0 =	vadd.f32 v1, v0;
	_ =	sdelay $0x1  }
0x4f: {  	v0 =	vadd.f32 v2, v0;
	_ =	sdelay $0x1  }
0x50: {  	v0 =	vmax.f32 v0, $0.0e+00  }
0x51: {  	[tilespmem:s1+$0xFFFFFFB0] =	vst v0  }
0x52: {  	v0 =	vld [tilespmem:s13+$0xFFFFFFC0]  }
0x53: {  	v1 =	vld [tilespmem:s11+$0xFFFFFFC0];
	_ =	sdelay $0x1  }
0x54: {  	v2 =	vld [tilespmem:s12+$0xFFFFFFC0];
	_ =	sdelay $0x2  }
0x55: {  	v0 =	vadd.f32 v1, v0;
	_ =	sdelay $0x1  }
0x56: {  	v0 =	vadd.f32 v2, v0;
	_ =	sdelay $0x1  }
0x57: {  	v0 =	vmax.f32 v0, $0.0e+00  }
0x58: {  	[tilespmem:s1+$0xFFFFFFC0] =	vst v0  }
0x59: {  	v0 =	vld [tilespmem:s13+$0xFFFFFFD0]  }
0x5a: {  	v1 =	vld [tilespmem:s11+$0xFFFFFFD0];
	_ =	sdelay $0x1  }
0x5b: {  	v2 =	vld [tilespmem:s12+$0xFFFFFFD0];
	_ =	sdelay $0x2  }
0x5c: {  	v0 =	vadd.f32 v1, v0;
	_ =	sdelay $0x1  }
0x5d: {  	v0 =	vadd.f32 v2, v0;
	_ =	sdelay $0x1  }
0x5e: {  	v0 =	vmax.f32 v0, $0.0e+00  }
0x5f: {  	[tilespmem:s1+$0xFFFFFFD0] =	vst v0  }
0x60: {  	v0 =	vld [tilespmem:s13+$0xFFFFFFE0]  }
0x61: {  	v1 =	vld [tilespmem:s11+$0xFFFFFFE0];
	_ =	sdelay $0x1  }
0x62: {  	v2 =	vld [tilespmem:s12+$0xFFFFFFE0];
	_ =	sdelay $0x2  }
0x63: {  	v0 =	vadd.f32 v1, v0;
	_ =	sdelay $0x1  }
0x64: {  	v0 =	vadd.f32 v2, v0;
	_ =	sdelay $0x1  }
0x65: {  	v0 =	vmax.f32 v0, $0.0e+00  }
0x66: {  	[tilespmem:s1+$0xFFFFFFE0] =	vst v0  }
0x67: {  	v0 =	vld [tilespmem:s13+$0xFFFFFFF0]  }
0x68: {  	v1 =	vld [tilespmem:s11+$0xFFFFFFF0];
	_ =	sdelay $0x1  }
0x69: {  	v2 =	vld [tilespmem:s12+$0xFFFFFFF0];
	_ =	sdelay $0x2  }
0x6a: {  	v0 =	vadd.f32 v1, v0;
	_ =	sdelay $0x1  }
0x6b: {  	v0 =	vadd.f32 v2, v0;
	_ =	sdelay $0x1  }
0x6c: {  	v0 =	vmax.f32 v0, $0.0e+00  }
0x6d: {  	[tilespmem:s1+$0xFFFFFFF0] =	vst v0  }
0x6e: {  	v0 =	vld [tilespmem:s13+$0x0]  }
0x6f: {  	v1 =	vld [tilespmem:s11+$0x0];
	_ =	sdelay $0x1  }
0x70: {  	v2 =	vld [tilespmem:s12+$0x0];
	_ =	sdelay $0x2  }
0x71: {  	v0 =	vadd.f32 v1, v0;
	_ =	sdelay $0x1  }
0x72: {  	v0 =	vadd.f32 v2, v0;
	_ =	sdelay $0x1  }
0x73: {  	v0 =	vmax.f32 v0, $0.0e+00  }
0x74: {  	[tilespmem:s1+$0x0] =	vst v0  }
0x75: {  	v0 =	vld [tilespmem:s13+$0x10]  }
0x76: {  	v1 =	vld [tilespmem:s11+$0x10];
	_ =	sdelay $0x1  }
0x77: {  	v2 =	vld [tilespmem:s12+$0x10];
	_ =	sdelay $0x2  }
0x78: {  	v0 =	vadd.f32 v1, v0;
	_ =	sdelay $0x1  }
0x79: {  	v0 =	vadd.f32 v2, v0;
	_ =	sdelay $0x1  }
0x7a: {  	v0 =	vmax.f32 v0, $0.0e+00  }
0x7b: {  	[tilespmem:s1+$0x10] =	vst v0  }
0x7c: {  	v0 =	vld [tilespmem:s13+$0x20]  }
0x7d: {  	v1 =	vld [tilespmem:s11+$0x20];
	_ =	sdelay $0x1  }
0x7e: {  	v2 =	vld [tilespmem:s12+$0x20];
	_ =	sdelay $0x2  }
0x7f: {  	v0 =	vadd.f32 v1, v0;
	_ =	sdelay $0x1  }
0x80: {  	v0 =	vadd.f32 v2, v0;
	_ =	sdelay $0x1  }
0x81: {  	v0 =	vmax.f32 v0, $0.0e+00  }
0x82: {  	[tilespmem:s1+$0x20] =	vst v0  }
0x83: {  	v0 =	vld [tilespmem:s13+$0x30]  }
0x84: {  	v1 =	vld [tilespmem:s11+$0x30];
	_ =	sdelay $0x1  }
0x85: {  	v2 =	vld [tilespmem:s12+$0x30];
	_ =	sdelay $0x2  }
0x86: {  	v0 =	vadd.f32 v1, v0;
	_ =	sdelay $0x1  }
0x87: {  	v0 =	vadd.f32 v2, v0;
	_ =	sdelay $0x1  }
0x88: {  	v0 =	vmax.f32 v0, $0.0e+00  }
0x89: {  	[tilespmem:s1+$0x30] =	vst v0  }
0x8a: {  	v0 =	vld [tilespmem:s13+$0x40]  }
0x8b: {  	v1 =	vld [tilespmem:s11+$0x40];
	_ =	sdelay $0x1  }
0x8c: {  	v2 =	vld [tilespmem:s12+$0x40];
	_ =	sdelay $0x2  }
0x8d: {  	v0 =	vadd.f32 v1, v0;
	_ =	sdelay $0x1  }
0x8e: {  	v0 =	vadd.f32 v2, v0;
	_ =	sdelay $0x1  }
0x8f: {  	v0 =	vmax.f32 v0, $0.0e+00  }
0x90: {  	[tilespmem:s1+$0x40] =	vst v0  }
0x91: {  	v0 =	vld [tilespmem:s13+$0x50]  }
0x92: {  	v1 =	vld [tilespmem:s11+$0x50];
	_ =	sdelay $0x1  }
0x93: {  	v2 =	vld [tilespmem:s12+$0x50];
	_ =	sdelay $0x2  }
0x94: {  	v0 =	vadd.f32 v1, v0;
	_ =	sdelay $0x1  }
0x95: {  	v0 =	vadd.f32 v2, v0;
	_ =	sdelay $0x1  }
0x96: {  	v0 =	vmax.f32 v0, $0.0e+00  }
0x97: {  	[tilespmem:s1+$0x50] =	vst v0  }
0x98: {  	v1 =	vld [tilespmem:s13+$0x60]  }
0x99: {  	v2 =	vld [tilespmem:s11+$0x60];
	_ =	sdelay $0x1  }
0x9a: {  	v0 =	vld [tilespmem:s12+$0x60];
	_ =	sdelay $0x1  }
0x9b: {  	s14 =	sshll.u32 s9, $0x1;
	s15 =	simm.s32 $0x0;
	s20 =	simm.s32 $0x63A0  }
0x9c: {  	s21 =	simm.s32 $0x4EA0;
	s22 =	simm.s32 $0x59A0;
	s0 =	simm.s32 $0x6CA0;
	v1 =	vadd.f32 v2, v1  }
.LBB2_3:
0x9d: {  	s15 =	sadd.s32 $0x2, s15;
	s13 =	sadd.s32 $0x100, s13;
	s1 =	sadd.s32 $0x100, s1  }
0x9e: {  	p1 =	slt.u32 s15, $0x8;
	v0 =	vadd.f32 v0, v1;
	_ =	sdelay $0x1  }
0x9f: {  	v0 =	vmax.f32 v0, $0.0e+00  }
0xa0: {  	[tilespmem:s0+$0x60] =	vst v0  }
0xa1: {  	v0 =	vld [tilespmem:s21+$0x70];
	s21 =	smov.u32 s13  }
0xa2: {  	v1 =	vld [tilespmem:s11+$0x70];
	s11 =	smov.u32 s22  }
0xa3: {  	v2 =	vld [tilespmem:s12+$0x70];
	s12 =	smov.u32 s20;
	_ =	sdelay $0x3  }
0xa4: {  	v0 =	vadd.f32 v1, v0;
	_ =	sdelay $0x1  }
0xa5: {  	v0 =	vadd.f32 v2, v0;
	_ =	sdelay $0x1  }
0xa6: {  	v0 =	vmax.f32 v0, $0.0e+00  }
0xa7: {  	[tilespmem:s0+$0x70] =	vst v0;
	s0 =	smov.u32 s1  }
0xa8: {  	v0 =	vld [tilespmem:s22+$0xFFFFFF80]  }
0xa9: {  	v1 =	vld [tilespmem:s13+$0xFFFFFF80]  }
0xaa: {  	v2 =	vld [tilespmem:s20+$0xFFFFFF80];
	_ =	sdelay $0x3  }
0xab: {  	v0 =	vadd.f32 v0, v1;
	_ =	sdelay $0x1  }
0xac: {  	v0 =	vadd.f32 v2, v0;
	_ =	sdelay $0x1  }
0xad: {  	v0 =	vmax.f32 v0, $0.0e+00  }
0xae: {  	[tilespmem:s1+$0xFFFFFF80] =	vst v0  }
0xaf: {  	v0 =	vld [tilespmem:s13+$0xFFFFFF90]  }
0xb0: {  	v1 =	vld [tilespmem:s22+$0xFFFFFF90];
	_ =	sdelay $0x1  }
0xb1: {  	v2 =	vld [tilespmem:s20+$0xFFFFFF90];
	_ =	sdelay $0x2  }
0xb2: {  	v0 =	vadd.f32 v1, v0;
	_ =	sdelay $0x1  }
0xb3: {  	v0 =	vadd.f32 v2, v0;
	_ =	sdelay $0x1  }
0xb4: {  	v0 =	vmax.f32 v0, $0.0e+00  }
0xb5: {  	[tilespmem:s1+$0xFFFFFF90] =	vst v0  }
0xb6: {  	v0 =	vld [tilespmem:s13+$0xFFFFFFA0]  }
0xb7: {  	v1 =	vld [tilespmem:s22+$0xFFFFFFA0];
	_ =	sdelay $0x1  }
0xb8: {  	v2 =	vld [tilespmem:s20+$0xFFFFFFA0];
	_ =	sdelay $0x2  }
0xb9: {  	v0 =	vadd.f32 v1, v0;
	_ =	sdelay $0x1  }
0xba: {  	v0 =	vadd.f32 v2, v0;
	_ =	sdelay $0x1  }
0xbb: {  	v0 =	vmax.f32 v0, $0.0e+00  }
0xbc: {  	[tilespmem:s1+$0xFFFFFFA0] =	vst v0  }
0xbd: {  	v0 =	vld [tilespmem:s13+$0xFFFFFFB0]  }
0xbe: {  	v1 =	vld [tilespmem:s22+$0xFFFFFFB0];
	_ =	sdelay $0x1  }
0xbf: {  	v2 =	vld [tilespmem:s20+$0xFFFFFFB0];
	_ =	sdelay $0x2  }
0xc0: {  	v0 =	vadd.f32 v1, v0;
	_ =	sdelay $0x1  }
0xc1: {  	v0 =	vadd.f32 v2, v0;
	_ =	sdelay $0x1  }
0xc2: {  	v0 =	vmax.f32 v0, $0.0e+00  }
0xc3: {  	[tilespmem:s1+$0xFFFFFFB0] =	vst v0  }
0xc4: {  	v0 =	vld [tilespmem:s13+$0xFFFFFFC0]  }
0xc5: {  	v1 =	vld [tilespmem:s22+$0xFFFFFFC0];
	_ =	sdelay $0x1  }
0xc6: {  	v2 =	vld [tilespmem:s20+$0xFFFFFFC0];
	_ =	sdelay $0x2  }
0xc7: {  	v0 =	vadd.f32 v1, v0;
	_ =	sdelay $0x1  }
0xc8: {  	v0 =	vadd.f32 v2, v0;
	_ =	sdelay $0x1  }
0xc9: {  	v0 =	vmax.f32 v0, $0.0e+00  }
0xca: {  	[tilespmem:s1+$0xFFFFFFC0] =	vst v0  }
0xcb: {  	v0 =	vld [tilespmem:s13+$0xFFFFFFD0]  }
0xcc: {  	v1 =	vld [tilespmem:s22+$0xFFFFFFD0]  }
0xcd: {  	v2 =	vld [tilespmem:s20+$0xFFFFFFD0];
	_ =	sdelay $0x3  }
0xce: {  	v0 =	vadd.f32 v1, v0;
	_ =	sdelay $0x1  }
0xcf: {  	v0 =	vadd.f32 v2, v0;
	_ =	sdelay $0x1  }
0xd0: {  	v0 =	vmax.f32 v0, $0.0e+00  }
0xd1: {  	[tilespmem:s1+$0xFFFFFFD0] =	vst v0  }
0xd2: {  	v0 =	vld [tilespmem:s13+$0xFFFFFFE0]  }
0xd3: {  	v1 =	vld [tilespmem:s22+$0xFFFFFFE0]  }
0xd4: {  	v2 =	vld [tilespmem:s20+$0xFFFFFFE0];
	_ =	sdelay $0x3  }
0xd5: {  	v0 =	vadd.f32 v1, v0;
	_ =	sdelay $0x1  }
0xd6: {  	v0 =	vadd.f32 v2, v0;
	_ =	sdelay $0x1  }
0xd7: {  	v0 =	vmax.f32 v0, $0.0e+00  }
0xd8: {  	[tilespmem:s1+$0xFFFFFFE0] =	vst v0  }
0xd9: {  	v0 =	vld [tilespmem:s13+$0xFFFFFFF0]  }
0xda: {  	v1 =	vld [tilespmem:s22+$0xFFFFFFF0]  }
0xdb: {  	v2 =	vld [tilespmem:s20+$0xFFFFFFF0];
	_ =	sdelay $0x3  }
0xdc: {  	v0 =	vadd.f32 v1, v0;
	_ =	sdelay $0x1  }
0xdd: {  	v0 =	vadd.f32 v2, v0;
	_ =	sdelay $0x1  }
0xde: {  	v0 =	vmax.f32 v0, $0.0e+00  }
0xdf: {  	[tilespmem:s1+$0xFFFFFFF0] =	vst v0  }
0xe0: {  	v0 =	vld [tilespmem:s13+$0x0]  }
0xe1: {  	v1 =	vld [tilespmem:s22+$0x0];
	_ =	sdelay $0x1  }
0xe2: {  	v2 =	vld [tilespmem:s20+$0x0];
	_ =	sdelay $0x2  }
0xe3: {  	v0 =	vadd.f32 v1, v0;
	_ =	sdelay $0x1  }
0xe4: {  	v0 =	vadd.f32 v2, v0;
	_ =	sdelay $0x1  }
0xe5: {  	v0 =	vmax.f32 v0, $0.0e+00  }
0xe6: {  	[tilespmem:s1+$0x0] =	vst v0  }
0xe7: {  	v0 =	vld [tilespmem:s13+$0x10]  }
0xe8: {  	v1 =	vld [tilespmem:s22+$0x10]  }
0xe9: {  	v2 =	vld [tilespmem:s20+$0x10];
	_ =	sdelay $0x3  }
0xea: {  	v0 =	vadd.f32 v1, v0;
	_ =	sdelay $0x1  }
0xeb: {  	v0 =	vadd.f32 v2, v0;
	_ =	sdelay $0x1  }
0xec: {  	v0 =	vmax.f32 v0, $0.0e+00  }
0xed: {  	[tilespmem:s1+$0x10] =	vst v0  }
0xee: {  	v0 =	vld [tilespmem:s13+$0x20]  }
0xef: {  	v1 =	vld [tilespmem:s22+$0x20]  }
0xf0: {  	v2 =	vld [tilespmem:s20+$0x20];
	_ =	sdelay $0x3  }
0xf1: {  	v0 =	vadd.f32 v1, v0;
	_ =	sdelay $0x1  }
0xf2: {  	v0 =	vadd.f32 v2, v0;
	_ =	sdelay $0x1  }
0xf3: {  	v0 =	vmax.f32 v0, $0.0e+00  }
0xf4: {  	[tilespmem:s1+$0x20] =	vst v0  }
0xf5: {  	v0 =	vld [tilespmem:s13+$0x30]  }
0xf6: {  	v1 =	vld [tilespmem:s22+$0x30]  }
0xf7: {  	v2 =	vld [tilespmem:s20+$0x30];
	_ =	sdelay $0x3  }
0xf8: {  	v0 =	vadd.f32 v1, v0;
	_ =	sdelay $0x1  }
0xf9: {  	v0 =	vadd.f32 v2, v0;
	_ =	sdelay $0x1  }
0xfa: {  	v0 =	vmax.f32 v0, $0.0e+00  }
0xfb: {  	[tilespmem:s1+$0x30] =	vst v0  }
0xfc: {  	v0 =	vld [tilespmem:s13+$0x40]  }
0xfd: {  	v1 =	vld [tilespmem:s22+$0x40]  }
0xfe: {  	v2 =	vld [tilespmem:s20+$0x40];
	_ =	sdelay $0x3  }
0xff: {  	v0 =	vadd.f32 v1, v0;
	_ =	sdelay $0x1  }
0x100: {  	v0 =	vadd.f32 v2, v0;
	_ =	sdelay $0x1  }
0x101: {  	v0 =	vmax.f32 v0, $0.0e+00  }
0x102: {  	[tilespmem:s1+$0x40] =	vst v0  }
0x103: {  	v0 =	vld [tilespmem:s13+$0x50]  }
0x104: {  	v1 =	vld [tilespmem:s22+$0x50]  }
0x105: {  	v2 =	vld [tilespmem:s20+$0x50];
	_ =	sdelay $0x3  }
0x106: {  	v0 =	vadd.f32 v1, v0;
	_ =	sdelay $0x1  }
0x107: {  	v0 =	vadd.f32 v2, v0;
	_ =	sdelay $0x1  }
0x108: {  	v0 =	vmax.f32 v0, $0.0e+00  }
0x109: {  	[tilespmem:s1+$0x50] =	vst v0  }
0x10a: {  	v1 =	vld [tilespmem:s13+$0x60]  }
0x10b: {  	v2 =	vld [tilespmem:s22+$0x60]  }
.Ltmp0:
0x10c: {  	v0 =	vld [tilespmem:s20+$0x60];
	(pc) =	sbr.rel @p1 .LBB2_3-.Ltmp0, $2  }
0x10d: {  	_ =	sdelay $0x2  }
0x10e: {  	s22 =	sadd.s32 $0x100, s22;
	s20 =	sadd.s32 $0x100, s20;
	v1 =	vadd.f32 v2, v1  }
0x10f: {  	_ = 	snop  }
0x110: {  	v0 =	vadd.f32 v0, v1;
	_ =	sdelay $0x1  }
0x111: {  	v0 =	vmax.f32 v0, $0.0e+00  }
0x112: {  	[tilespmem:s0+$0x60] =	vst v0  }
0x113: {  	v0 =	vld [tilespmem:s21+$0x70]  }
0x114: {  	v1 =	vld [tilespmem:s11+$0x70];
	_ =	sdelay $0x1  }
0x115: {  	v2 =	vld [tilespmem:s12+$0x70];
	_ =	sdelay $0x2  }
0x116: {  	v0 =	vadd.f32 v1, v0  }
0x117: {  	s1 =	smul.u32 $0xA0, s9  }
0x118: {  	v0 =	vadd.f32 v2, v0  }
0x119: {  	s1 =	sadd.s32 s4, s1;
	s21 =	sadd.s32 $0x2, s14  }
0x11a: {  	s1 =	sshll.u32 s1, $0x1;
	s22 =	smul.u32 $0x50, s21;
	v0 =	vmax.f32 v0, $0.0e+00  }
0x11b: {  	s20 =	sadd.s32 s2, s1;
	[tilespmem:s0+$0x70] =	vst v0;
	s0 =	smul.u32 $0x500, s21  }
0x11c: {  	[hbm4b:s20+s3] =	stream.linear.scatter [tilespmem:s26], [sflag:$0x7], $0x500, $0x38;
	[tilespmem:$0x7620] =	vst v63  }
0x11d: {  	s0 =	sadd.s32 s7, s0  }
0x11e: {  	[tilespmem:s17], [sflag:$0x3] =	stream.indirect.gather [hbm4b:s5+s16], $0x10, s22, s16, $0xb8;
	[tilespmem:$0x7620] =	vst v63  }
0x11f: {  	s1 =	sadd.s32 $0x2710, s22;
	s0 =	sshrl.u32 s0, $0x3  }
0x120: {  	[tilespmem:s18], [sflag:$0x5] =	stream.indirect.gather [hbm4b:s6+s16], $0x10, s1, s16, $0xb8;
	[tilespmem:$0x7620] =	vst v63  }
0x121: {  	s0 =	sadd.s32 s8, s0  }
0x122: {  	[tilespmem:s19], [sflag:$0x1] =	stream.linear.gather [hbm4b:s0+s3], $0x500, $0x38;
	[tilespmem:$0x7620] =	vst v63  }
0x123: {  	_ =	swait.ge [sflag:s28], $0x500  }
0x124: {  	[sflag:s28] =	ssyncset.done $0x0  }
0x125: {  	[sflag:s28] =	ssyncadd.s32 $0xFFFFFB00  }
0x126: {  	_ =	swait.ge [sflag:s29], $0x500  }
0x127: {  	[sflag:s29] =	ssyncset.done $0x0  }
0x128: {  	[sflag:s29] =	ssyncadd.s32 $0xFFFFFB00  }
0x129: {  	_ =	swait.ge [sflag:s30], $0x500  }
0x12a: {  	[sflag:s30] =	ssyncset.done $0x0  }
0x12b: {  	s0 =	simm.s32 @!p0 $0x8;
	[sflag:s30] =	ssyncadd.s32 $0xFFFFFB00  }
0x12c: {  	_ =	swait.ge @!p0 [sflag:s0], $0x500  }
0x12d: {  	[sflag:s0] =	ssyncset.done @!p0 $0x0  }
0x12e: {  	s11 =	simm.s32 $0x5DA0;
	[sflag:s0] =	ssyncadd.s32 @!p0 $0xFFFFFB00  }
0x12f: {  	s13 =	simm.s32 $0x53A0;
	v0 =	vld [tilespmem:s11+$0xFFFFFF80]  }
0x130: {  	v1 =	vld [tilespmem:s13+$0xFFFFFF80]  }
0x131: {  	s12 =	simm.s32 $0x67A0  }
0x132: {  	v2 =	vld [tilespmem:s12+$0xFFFFFF80];
	_ =	sdelay $0x2  }
0x133: {  	v0 =	vadd.f32 v0, v1;
	_ =	sdelay $0x1  }
0x134: {  	v0 =	vadd.f32 v2, v0;
	_ =	sdelay $0x1  }
0x135: {  	s1 =	simm.s32 $0x71A0;
	v0 =	vmax.f32 v0, $0.0e+00  }
0x136: {  	[tilespmem:s1+$0xFFFFFF80] =	vst v0  }
0x137: {  	v0 =	vld [tilespmem:s13+$0xFFFFFF90]  }
0x138: {  	v1 =	vld [tilespmem:s11+$0xFFFFFF90];
	_ =	sdelay $0x1  }
0x139: {  	v2 =	vld [tilespmem:s12+$0xFFFFFF90];
	_ =	sdelay $0x2  }
0x13a: {  	v0 =	vadd.f32 v1, v0;
	_ =	sdelay $0x1  }
0x13b: {  	v0 =	vadd.f32 v2, v0;
	_ =	sdelay $0x1  }
0x13c: {  	v0 =	vmax.f32 v0, $0.0e+00  }
0x13d: {  	[tilespmem:s1+$0xFFFFFF90] =	vst v0  }
0x13e: {  	v0 =	vld [tilespmem:s13+$0xFFFFFFA0]  }
0x13f: {  	v1 =	vld [tilespmem:s11+$0xFFFFFFA0];
	_ =	sdelay $0x1  }
0x140: {  	v2 =	vld [tilespmem:s12+$0xFFFFFFA0];
	_ =	sdelay $0x2  }
0x141: {  	v0 =	vadd.f32 v1, v0;
	_ =	sdelay $0x1  }
0x142: {  	v0 =	vadd.f32 v2, v0;
	_ =	sdelay $0x1  }
0x143: {  	v0 =	vmax.f32 v0, $0.0e+00  }
0x144: {  	[tilespmem:s1+$0xFFFFFFA0] =	vst v0  }
0x145: {  	v0 =	vld [tilespmem:s13+$0xFFFFFFB0]  }
0x146: {  	v1 =	vld [tilespmem:s11+$0xFFFFFFB0];
	_ =	sdelay $0x1  }
0x147: {  	v2 =	vld [tilespmem:s12+$0xFFFFFFB0];
	_ =	sdelay $0x2  }
0x148: {  	v0 =	vadd.f32 v1, v0;
	_ =	sdelay $0x1  }
0x149: {  	v0 =	vadd.f32 v2, v0;
	_ =	sdelay $0x1  }
0x14a: {  	v0 =	vmax.f32 v0, $0.0e+00  }
0x14b: {  	[tilespmem:s1+$0xFFFFFFB0] =	vst v0  }
0x14c: {  	v0 =	vld [tilespmem:s13+$0xFFFFFFC0]  }
0x14d: {  	v1 =	vld [tilespmem:s11+$0xFFFFFFC0];
	_ =	sdelay $0x1  }
0x14e: {  	v2 =	vld [tilespmem:s12+$0xFFFFFFC0];
	_ =	sdelay $0x2  }
0x14f: {  	v0 =	vadd.f32 v1, v0;
	_ =	sdelay $0x1  }
0x150: {  	v0 =	vadd.f32 v2, v0;
	_ =	sdelay $0x1  }
0x151: {  	v0 =	vmax.f32 v0, $0.0e+00  }
0x152: {  	[tilespmem:s1+$0xFFFFFFC0] =	vst v0  }
0x153: {  	v0 =	vld [tilespmem:s13+$0xFFFFFFD0]  }
0x154: {  	v1 =	vld [tilespmem:s11+$0xFFFFFFD0];
	_ =	sdelay $0x1  }
0x155: {  	v2 =	vld [tilespmem:s12+$0xFFFFFFD0];
	_ =	sdelay $0x2  }
0x156: {  	v0 =	vadd.f32 v1, v0;
	_ =	sdelay $0x1  }
0x157: {  	v0 =	vadd.f32 v2, v0;
	_ =	sdelay $0x1  }
0x158: {  	v0 =	vmax.f32 v0, $0.0e+00  }
0x159: {  	[tilespmem:s1+$0xFFFFFFD0] =	vst v0  }
0x15a: {  	v0 =	vld [tilespmem:s13+$0xFFFFFFE0]  }
0x15b: {  	v1 =	vld [tilespmem:s11+$0xFFFFFFE0];
	_ =	sdelay $0x1  }
0x15c: {  	v2 =	vld [tilespmem:s12+$0xFFFFFFE0];
	_ =	sdelay $0x2  }
0x15d: {  	v0 =	vadd.f32 v1, v0;
	_ =	sdelay $0x1  }
0x15e: {  	v0 =	vadd.f32 v2, v0;
	_ =	sdelay $0x1  }
0x15f: {  	v0 =	vmax.f32 v0, $0.0e+00  }
0x160: {  	[tilespmem:s1+$0xFFFFFFE0] =	vst v0  }
0x161: {  	v0 =	vld [tilespmem:s13+$0xFFFFFFF0]  }
0x162: {  	v1 =	vld [tilespmem:s11+$0xFFFFFFF0];
	_ =	sdelay $0x1  }
0x163: {  	v2 =	vld [tilespmem:s12+$0xFFFFFFF0];
	_ =	sdelay $0x2  }
0x164: {  	v0 =	vadd.f32 v1, v0;
	_ =	sdelay $0x1  }
0x165: {  	v0 =	vadd.f32 v2, v0;
	_ =	sdelay $0x1  }
0x166: {  	v0 =	vmax.f32 v0, $0.0e+00  }
0x167: {  	[tilespmem:s1+$0xFFFFFFF0] =	vst v0  }
0x168: {  	v0 =	vld [tilespmem:s13+$0x0]  }
0x169: {  	v1 =	vld [tilespmem:s11+$0x0];
	_ =	sdelay $0x1  }
0x16a: {  	v2 =	vld [tilespmem:s12+$0x0];
	_ =	sdelay $0x2  }
0x16b: {  	v0 =	vadd.f32 v1, v0;
	_ =	sdelay $0x1  }
0x16c: {  	v0 =	vadd.f32 v2, v0;
	_ =	sdelay $0x1  }
0x16d: {  	v0 =	vmax.f32 v0, $0.0e+00  }
0x16e: {  	[tilespmem:s1+$0x0] =	vst v0  }
0x16f: {  	v0 =	vld [tilespmem:s13+$0x10]  }
0x170: {  	v1 =	vld [tilespmem:s11+$0x10];
	_ =	sdelay $0x1  }
0x171: {  	v2 =	vld [tilespmem:s12+$0x10];
	_ =	sdelay $0x2  }
0x172: {  	v0 =	vadd.f32 v1, v0;
	_ =	sdelay $0x1  }
0x173: {  	v0 =	vadd.f32 v2, v0;
	_ =	sdelay $0x1  }
0x174: {  	v0 =	vmax.f32 v0, $0.0e+00  }
0x175: {  	[tilespmem:s1+$0x10] =	vst v0  }
0x176: {  	v0 =	vld [tilespmem:s13+$0x20]  }
0x177: {  	v1 =	vld [tilespmem:s11+$0x20];
	_ =	sdelay $0x1  }
0x178: {  	v2 =	vld [tilespmem:s12+$0x20];
	_ =	sdelay $0x2  }
0x179: {  	v0 =	vadd.f32 v1, v0;
	_ =	sdelay $0x1  }
0x17a: {  	v0 =	vadd.f32 v2, v0;
	_ =	sdelay $0x1  }
0x17b: {  	v0 =	vmax.f32 v0, $0.0e+00  }
0x17c: {  	[tilespmem:s1+$0x20] =	vst v0  }
0x17d: {  	v0 =	vld [tilespmem:s13+$0x30]  }
0x17e: {  	v1 =	vld [tilespmem:s11+$0x30];
	_ =	sdelay $0x1  }
0x17f: {  	v2 =	vld [tilespmem:s12+$0x30];
	_ =	sdelay $0x2  }
0x180: {  	v0 =	vadd.f32 v1, v0;
	_ =	sdelay $0x1  }
0x181: {  	v0 =	vadd.f32 v2, v0;
	_ =	sdelay $0x1  }
0x182: {  	v0 =	vmax.f32 v0, $0.0e+00  }
0x183: {  	[tilespmem:s1+$0x30] =	vst v0  }
0x184: {  	v0 =	vld [tilespmem:s13+$0x40]  }
0x185: {  	v1 =	vld [tilespmem:s11+$0x40];
	_ =	sdelay $0x1  }
0x186: {  	v2 =	vld [tilespmem:s12+$0x40];
	_ =	sdelay $0x2  }
0x187: {  	v0 =	vadd.f32 v1, v0;
	_ =	sdelay $0x1  }
0x188: {  	v0 =	vadd.f32 v2, v0;
	_ =	sdelay $0x1  }
0x189: {  	v0 =	vmax.f32 v0, $0.0e+00  }
0x18a: {  	[tilespmem:s1+$0x40] =	vst v0  }
0x18b: {  	v0 =	vld [tilespmem:s13+$0x50]  }
0x18c: {  	v1 =	vld [tilespmem:s11+$0x50];
	_ =	sdelay $0x1  }
0x18d: {  	v2 =	vld [tilespmem:s12+$0x50];
	_ =	sdelay $0x2  }
0x18e: {  	v0 =	vadd.f32 v1, v0;
	_ =	sdelay $0x1  }
0x18f: {  	v0 =	vadd.f32 v2, v0;
	_ =	sdelay $0x1  }
0x190: {  	v0 =	vmax.f32 v0, $0.0e+00  }
0x191: {  	[tilespmem:s1+$0x50] =	vst v0  }
0x192: {  	v1 =	vld [tilespmem:s13+$0x60]  }
0x193: {  	v2 =	vld [tilespmem:s11+$0x60];
	_ =	sdelay $0x1  }
0x194: {  	v0 =	vld [tilespmem:s12+$0x60];
	_ =	sdelay $0x1  }
0x195: {  	s15 =	simm.s32 $0x68A0;
	s14 =	simm.s32 $0x0  }
0x196: {  	s21 =	simm.s32 $0x5EA0;
	s20 =	simm.s32 $0x53A0;
	s0 =	simm.s32 $0x71A0;
	v1 =	vadd.f32 v2, v1  }
.LBB2_5:
0x197: {  	s14 =	sadd.s32 $0x2, s14;
	s13 =	sadd.s32 $0x100, s13;
	s1 =	sadd.s32 $0x100, s1  }
0x198: {  	p0 =	slt.u32 s14, $0x8;
	v0 =	vadd.f32 v0, v1;
	_ =	sdelay $0x1  }
0x199: {  	v0 =	vmax.f32 v0, $0.0e+00  }
0x19a: {  	[tilespmem:s0+$0x60] =	vst v0  }
0x19b: {  	v0 =	vld [tilespmem:s20+$0x70];
	s20 =	smov.u32 s13  }
0x19c: {  	v1 =	vld [tilespmem:s11+$0x70];
	s11 =	smov.u32 s21  }
0x19d: {  	v2 =	vld [tilespmem:s12+$0x70];
	s12 =	smov.u32 s15;
	_ =	sdelay $0x3  }
0x19e: {  	v0 =	vadd.f32 v1, v0;
	_ =	sdelay $0x1  }
0x19f: {  	v0 =	vadd.f32 v2, v0;
	_ =	sdelay $0x1  }
0x1a0: {  	v0 =	vmax.f32 v0, $0.0e+00  }
0x1a1: {  	[tilespmem:s0+$0x70] =	vst v0;
	s0 =	smov.u32 s1  }
0x1a2: {  	v0 =	vld [tilespmem:s21+$0xFFFFFF80]  }
0x1a3: {  	v1 =	vld [tilespmem:s13+$0xFFFFFF80]  }
0x1a4: {  	v2 =	vld [tilespmem:s15+$0xFFFFFF80];
	_ =	sdelay $0x3  }
0x1a5: {  	v0 =	vadd.f32 v0, v1;
	_ =	sdelay $0x1  }
0x1a6: {  	v0 =	vadd.f32 v2, v0;
	_ =	sdelay $0x1  }
0x1a7: {  	v0 =	vmax.f32 v0, $0.0e+00  }
0x1a8: {  	[tilespmem:s1+$0xFFFFFF80] =	vst v0  }
0x1a9: {  	v0 =	vld [tilespmem:s13+$0xFFFFFF90]  }
0x1aa: {  	v1 =	vld [tilespmem:s21+$0xFFFFFF90];
	_ =	sdelay $0x1  }
0x1ab: {  	v2 =	vld [tilespmem:s15+$0xFFFFFF90];
	_ =	sdelay $0x2  }
0x1ac: {  	v0 =	vadd.f32 v1, v0;
	_ =	sdelay $0x1  }
0x1ad: {  	v0 =	vadd.f32 v2, v0;
	_ =	sdelay $0x1  }
0x1ae: {  	v0 =	vmax.f32 v0, $0.0e+00  }
0x1af: {  	[tilespmem:s1+$0xFFFFFF90] =	vst v0  }
0x1b0: {  	v0 =	vld [tilespmem:s13+$0xFFFFFFA0]  }
0x1b1: {  	v1 =	vld [tilespmem:s21+$0xFFFFFFA0];
	_ =	sdelay $0x1  }
0x1b2: {  	v2 =	vld [tilespmem:s15+$0xFFFFFFA0];
	_ =	sdelay $0x2  }
0x1b3: {  	v0 =	vadd.f32 v1, v0;
	_ =	sdelay $0x1  }
0x1b4: {  	v0 =	vadd.f32 v2, v0;
	_ =	sdelay $0x1  }
0x1b5: {  	v0 =	vmax.f32 v0, $0.0e+00  }
0x1b6: {  	[tilespmem:s1+$0xFFFFFFA0] =	vst v0  }
0x1b7: {  	v0 =	vld [tilespmem:s13+$0xFFFFFFB0]  }
0x1b8: {  	v1 =	vld [tilespmem:s21+$0xFFFFFFB0];
	_ =	sdelay $0x1  }
0x1b9: {  	v2 =	vld [tilespmem:s15+$0xFFFFFFB0];
	_ =	sdelay $0x2  }
0x1ba: {  	v0 =	vadd.f32 v1, v0;
	_ =	sdelay $0x1  }
0x1bb: {  	v0 =	vadd.f32 v2, v0;
	_ =	sdelay $0x1  }
0x1bc: {  	v0 =	vmax.f32 v0, $0.0e+00  }
0x1bd: {  	[tilespmem:s1+$0xFFFFFFB0] =	vst v0  }
0x1be: {  	v0 =	vld [tilespmem:s13+$0xFFFFFFC0]  }
0x1bf: {  	v1 =	vld [tilespmem:s21+$0xFFFFFFC0];
	_ =	sdelay $0x1  }
0x1c0: {  	v2 =	vld [tilespmem:s15+$0xFFFFFFC0];
	_ =	sdelay $0x2  }
0x1c1: {  	v0 =	vadd.f32 v1, v0;
	_ =	sdelay $0x1  }
0x1c2: {  	v0 =	vadd.f32 v2, v0;
	_ =	sdelay $0x1  }
0x1c3: {  	v0 =	vmax.f32 v0, $0.0e+00  }
0x1c4: {  	[tilespmem:s1+$0xFFFFFFC0] =	vst v0  }
0x1c5: {  	v0 =	vld [tilespmem:s13+$0xFFFFFFD0]  }
0x1c6: {  	v1 =	vld [tilespmem:s21+$0xFFFFFFD0]  }
0x1c7: {  	v2 =	vld [tilespmem:s15+$0xFFFFFFD0];
	_ =	sdelay $0x3  }
0x1c8: {  	v0 =	vadd.f32 v1, v0;
	_ =	sdelay $0x1  }
0x1c9: {  	v0 =	vadd.f32 v2, v0;
	_ =	sdelay $0x1  }
0x1ca: {  	v0 =	vmax.f32 v0, $0.0e+00  }
0x1cb: {  	[tilespmem:s1+$0xFFFFFFD0] =	vst v0  }
0x1cc: {  	v0 =	vld [tilespmem:s13+$0xFFFFFFE0]  }
0x1cd: {  	v1 =	vld [tilespmem:s21+$0xFFFFFFE0]  }
0x1ce: {  	v2 =	vld [tilespmem:s15+$0xFFFFFFE0];
	_ =	sdelay $0x3  }
0x1cf: {  	v0 =	vadd.f32 v1, v0;
	_ =	sdelay $0x1  }
0x1d0: {  	v0 =	vadd.f32 v2, v0;
	_ =	sdelay $0x1  }
0x1d1: {  	v0 =	vmax.f32 v0, $0.0e+00  }
0x1d2: {  	[tilespmem:s1+$0xFFFFFFE0] =	vst v0  }
0x1d3: {  	v0 =	vld [tilespmem:s13+$0xFFFFFFF0]  }
0x1d4: {  	v1 =	vld [tilespmem:s21+$0xFFFFFFF0]  }
0x1d5: {  	v2 =	vld [tilespmem:s15+$0xFFFFFFF0];
	_ =	sdelay $0x3  }
0x1d6: {  	v0 =	vadd.f32 v1, v0;
	_ =	sdelay $0x1  }
0x1d7: {  	v0 =	vadd.f32 v2, v0;
	_ =	sdelay $0x1  }
0x1d8: {  	v0 =	vmax.f32 v0, $0.0e+00  }
0x1d9: {  	[tilespmem:s1+$0xFFFFFFF0] =	vst v0  }
0x1da: {  	v0 =	vld [tilespmem:s13+$0x0]  }
0x1db: {  	v1 =	vld [tilespmem:s21+$0x0];
	_ =	sdelay $0x1  }
0x1dc: {  	v2 =	vld [tilespmem:s15+$0x0];
	_ =	sdelay $0x2  }
0x1dd: {  	v0 =	vadd.f32 v1, v0;
	_ =	sdelay $0x1  }
0x1de: {  	v0 =	vadd.f32 v2, v0;
	_ =	sdelay $0x1  }
0x1df: {  	v0 =	vmax.f32 v0, $0.0e+00  }
0x1e0: {  	[tilespmem:s1+$0x0] =	vst v0  }
0x1e1: {  	v0 =	vld [tilespmem:s13+$0x10]  }
0x1e2: {  	v1 =	vld [tilespmem:s21+$0x10]  }
0x1e3: {  	v2 =	vld [tilespmem:s15+$0x10];
	_ =	sdelay $0x3  }
0x1e4: {  	v0 =	vadd.f32 v1, v0;
	_ =	sdelay $0x1  }
0x1e5: {  	v0 =	vadd.f32 v2, v0;
	_ =	sdelay $0x1  }
0x1e6: {  	v0 =	vmax.f32 v0, $0.0e+00  }
0x1e7: {  	[tilespmem:s1+$0x10] =	vst v0  }
0x1e8: {  	v0 =	vld [tilespmem:s13+$0x20]  }
0x1e9: {  	v1 =	vld [tilespmem:s21+$0x20]  }
0x1ea: {  	v2 =	vld [tilespmem:s15+$0x20];
	_ =	sdelay $0x3  }
0x1eb: {  	v0 =	vadd.f32 v1, v0;
	_ =	sdelay $0x1  }
0x1ec: {  	v0 =	vadd.f32 v2, v0;
	_ =	sdelay $0x1  }
0x1ed: {  	v0 =	vmax.f32 v0, $0.0e+00  }
0x1ee: {  	[tilespmem:s1+$0x20] =	vst v0  }
0x1ef: {  	v0 =	vld [tilespmem:s13+$0x30]  }
0x1f0: {  	v1 =	vld [tilespmem:s21+$0x30]  }
0x1f1: {  	v2 =	vld [tilespmem:s15+$0x30];
	_ =	sdelay $0x3  }
0x1f2: {  	v0 =	vadd.f32 v1, v0;
	_ =	sdelay $0x1  }
0x1f3: {  	v0 =	vadd.f32 v2, v0;
	_ =	sdelay $0x1  }
0x1f4: {  	v0 =	vmax.f32 v0, $0.0e+00  }
0x1f5: {  	[tilespmem:s1+$0x30] =	vst v0  }
0x1f6: {  	v0 =	vld [tilespmem:s13+$0x40]  }
0x1f7: {  	v1 =	vld [tilespmem:s21+$0x40]  }
0x1f8: {  	v2 =	vld [tilespmem:s15+$0x40];
	_ =	sdelay $0x3  }
0x1f9: {  	v0 =	vadd.f32 v1, v0;
	_ =	sdelay $0x1  }
0x1fa: {  	v0 =	vadd.f32 v2, v0;
	_ =	sdelay $0x1  }
0x1fb: {  	v0 =	vmax.f32 v0, $0.0e+00  }
0x1fc: {  	[tilespmem:s1+$0x40] =	vst v0  }
0x1fd: {  	v0 =	vld [tilespmem:s13+$0x50]  }
0x1fe: {  	v1 =	vld [tilespmem:s21+$0x50]  }
0x1ff: {  	v2 =	vld [tilespmem:s15+$0x50];
	_ =	sdelay $0x3  }
0x200: {  	v0 =	vadd.f32 v1, v0;
	_ =	sdelay $0x1  }
0x201: {  	v0 =	vadd.f32 v2, v0;
	_ =	sdelay $0x1  }
0x202: {  	v0 =	vmax.f32 v0, $0.0e+00  }
0x203: {  	[tilespmem:s1+$0x50] =	vst v0  }
0x204: {  	v1 =	vld [tilespmem:s13+$0x60]  }
0x205: {  	v2 =	vld [tilespmem:s21+$0x60]  }
.Ltmp1:
0x206: {  	v0 =	vld [tilespmem:s15+$0x60];
	(pc) =	sbr.rel @p0 .LBB2_5-.Ltmp1, $2  }
0x207: {  	_ =	sdelay $0x2  }
0x208: {  	s21 =	sadd.s32 $0x100, s21;
	s15 =	sadd.s32 $0x100, s15;
	v1 =	vadd.f32 v2, v1  }
0x209: {  	_ = 	snop  }
0x20a: {  	v0 =	vadd.f32 v0, v1;
	_ =	sdelay $0x1  }
0x20b: {  	v0 =	vmax.f32 v0, $0.0e+00  }
0x20c: {  	[tilespmem:s0+$0x60] =	vst v0  }
0x20d: {  	v0 =	vld [tilespmem:s20+$0x70]  }
0x20e: {  	v63 =	vld [tilespmem:s11+$0x70];
	_ =	sdelay $0x1  }
0x20f: {  	v2 =	vld [tilespmem:s12+$0x70];
	_ =	sdelay $0x2  }
0x210: {  	s9 =	sadd.s32 $0x1, s9;
	v0 =	vadd.f32 v63, v0  }
0x211: {  	p0 =	sne.s32 s9, $0x3E  }
.Ltmp2:
0x212: {  	s1 =	sadd.s32 s4, s10;
	v0 =	vadd.f32 v2, v0;
	(pc) =	sbr.rel @p0 .LBB2_2-.Ltmp2, $4  }
0x213: {  	s1 =	sshll.u32 s1, $0x1  }
0x214: {  	s1 =	sand.u32 $0x1FFFFFE0, s1;
	v0 =	vmax.f32 v0, $0.0e+00  }
0x215: {  	s22 =	sadd.s32 s2, s1;
	[tilespmem:s0+$0x70] =	vst v0  }
0x216: {  	[hbm4b:s22+s3] =	stream.linear.scatter [tilespmem:s31], [sflag:$0x8], $0x500, $0x38;
	[tilespmem:$0x7620] =	vst v63  }
0x217: {  	_ =	swait.ge [sflag:s23], $0x500  }
0x218: {  	[sflag:s23] =	ssyncset.done $0x0  }
0x219: {  	[sflag:s23] =	ssyncadd.s32 $0xFFFFFB00  }
0x21a: {  	_ =	swait.ge [sflag:s24], $0x500  }
0x21b: {  	[sflag:s24] =	ssyncset.done $0x0  }
0x21c: {  	[sflag:s24] =	ssyncadd.s32 $0xFFFFFB00  }
0x21d: {  	_ =	swait.ge [sflag:s25], $0x500  }
0x21e: {  	[sflag:s25] =	ssyncset.done $0x0  }
0x21f: {  	s20 =	simm.s32 $0x7;
	[sflag:s25] =	ssyncadd.s32 $0xFFFFFB00  }
0x220: {  	_ =	swait.ge [sflag:s20], $0x500  }
0x221: {  	[sflag:s20] =	ssyncset.done $0x0  }
0x222: {  	s9 =	simm.s32 $0x58A0;
	[sflag:s20] =	ssyncadd.s32 $0xFFFFFB00  }
0x223: {  	s11 =	simm.s32 $0x4EA0;
	v0 =	vld [tilespmem:s9+$0xFFFFFF80]  }
0x224: {  	v1 =	vld [tilespmem:s11+$0xFFFFFF80]  }
0x225: {  	s10 =	simm.s32 $0x62A0  }
0x226: {  	v2 =	vld [tilespmem:s10+$0xFFFFFF80];
	_ =	sdelay $0x2  }
0x227: {  	v0 =	vadd.f32 v0, v1;
	_ =	sdelay $0x1  }
0x228: {  	v0 =	vadd.f32 v2, v0;
	_ =	sdelay $0x1  }
0x229: {  	s1 =	simm.s32 $0x6CA0;
	v0 =	vmax.f32 v0, $0.0e+00  }
0x22a: {  	[tilespmem:s1+$0xFFFFFF80] =	vst v0  }
0x22b: {  	v0 =	vld [tilespmem:s11+$0xFFFFFF90]  }
0x22c: {  	v1 =	vld [tilespmem:s9+$0xFFFFFF90];
	_ =	sdelay $0x1  }
0x22d: {  	v2 =	vld [tilespmem:s10+$0xFFFFFF90];
	_ =	sdelay $0x2  }
0x22e: {  	v0 =	vadd.f32 v1, v0;
	_ =	sdelay $0x1  }
0x22f: {  	v0 =	vadd.f32 v2, v0;
	_ =	sdelay $0x1  }
0x230: {  	v0 =	vmax.f32 v0, $0.0e+00  }
0x231: {  	[tilespmem:s1+$0xFFFFFF90] =	vst v0  }
0x232: {  	v0 =	vld [tilespmem:s11+$0xFFFFFFA0]  }
0x233: {  	v1 =	vld [tilespmem:s9+$0xFFFFFFA0];
	_ =	sdelay $0x1  }
0x234: {  	v2 =	vld [tilespmem:s10+$0xFFFFFFA0];
	_ =	sdelay $0x2  }
0x235: {  	v0 =	vadd.f32 v1, v0;
	_ =	sdelay $0x1  }
0x236: {  	v0 =	vadd.f32 v2, v0;
	_ =	sdelay $0x1  }
0x237: {  	v0 =	vmax.f32 v0, $0.0e+00  }
0x238: {  	[tilespmem:s1+$0xFFFFFFA0] =	vst v0  }
0x239: {  	v0 =	vld [tilespmem:s11+$0xFFFFFFB0]  }
0x23a: {  	v1 =	vld [tilespmem:s9+$0xFFFFFFB0];
	_ =	sdelay $0x1  }
0x23b: {  	v2 =	vld [tilespmem:s10+$0xFFFFFFB0];
	_ =	sdelay $0x2  }
0x23c: {  	v0 =	vadd.f32 v1, v0;
	_ =	sdelay $0x1  }
0x23d: {  	v0 =	vadd.f32 v2, v0;
	_ =	sdelay $0x1  }
0x23e: {  	v0 =	vmax.f32 v0, $0.0e+00  }
0x23f: {  	[tilespmem:s1+$0xFFFFFFB0] =	vst v0  }
0x240: {  	v0 =	vld [tilespmem:s11+$0xFFFFFFC0]  }
0x241: {  	v1 =	vld [tilespmem:s9+$0xFFFFFFC0];
	_ =	sdelay $0x1  }
0x242: {  	v2 =	vld [tilespmem:s10+$0xFFFFFFC0];
	_ =	sdelay $0x2  }
0x243: {  	v0 =	vadd.f32 v1, v0;
	_ =	sdelay $0x1  }
0x244: {  	v0 =	vadd.f32 v2, v0;
	_ =	sdelay $0x1  }
0x245: {  	v0 =	vmax.f32 v0, $0.0e+00  }
0x246: {  	[tilespmem:s1+$0xFFFFFFC0] =	vst v0  }
0x247: {  	v0 =	vld [tilespmem:s11+$0xFFFFFFD0]  }
0x248: {  	v1 =	vld [tilespmem:s9+$0xFFFFFFD0];
	_ =	sdelay $0x1  }
0x249: {  	v2 =	vld [tilespmem:s10+$0xFFFFFFD0];
	_ =	sdelay $0x2  }
0x24a: {  	v0 =	vadd.f32 v1, v0;
	_ =	sdelay $0x1  }
0x24b: {  	v0 =	vadd.f32 v2, v0;
	_ =	sdelay $0x1  }
0x24c: {  	v0 =	vmax.f32 v0, $0.0e+00  }
0x24d: {  	[tilespmem:s1+$0xFFFFFFD0] =	vst v0  }
0x24e: {  	v0 =	vld [tilespmem:s11+$0xFFFFFFE0]  }
0x24f: {  	v1 =	vld [tilespmem:s9+$0xFFFFFFE0];
	_ =	sdelay $0x1  }
0x250: {  	v2 =	vld [tilespmem:s10+$0xFFFFFFE0];
	_ =	sdelay $0x2  }
0x251: {  	v0 =	vadd.f32 v1, v0;
	_ =	sdelay $0x1  }
0x252: {  	v0 =	vadd.f32 v2, v0;
	_ =	sdelay $0x1  }
0x253: {  	v0 =	vmax.f32 v0, $0.0e+00  }
0x254: {  	[tilespmem:s1+$0xFFFFFFE0] =	vst v0  }
0x255: {  	v0 =	vld [tilespmem:s11+$0xFFFFFFF0]  }
0x256: {  	v1 =	vld [tilespmem:s9+$0xFFFFFFF0];
	_ =	sdelay $0x1  }
0x257: {  	v2 =	vld [tilespmem:s10+$0xFFFFFFF0];
	_ =	sdelay $0x2  }
0x258: {  	v0 =	vadd.f32 v1, v0;
	_ =	sdelay $0x1  }
0x259: {  	v0 =	vadd.f32 v2, v0;
	_ =	sdelay $0x1  }
0x25a: {  	v0 =	vmax.f32 v0, $0.0e+00  }
0x25b: {  	[tilespmem:s1+$0xFFFFFFF0] =	vst v0  }
0x25c: {  	v0 =	vld [tilespmem:s11+$0x0]  }
0x25d: {  	v1 =	vld [tilespmem:s9+$0x0];
	_ =	sdelay $0x1  }
0x25e: {  	v2 =	vld [tilespmem:s10+$0x0];
	_ =	sdelay $0x2  }
0x25f: {  	v0 =	vadd.f32 v1, v0;
	_ =	sdelay $0x1  }
0x260: {  	v0 =	vadd.f32 v2, v0;
	_ =	sdelay $0x1  }
0x261: {  	v0 =	vmax.f32 v0, $0.0e+00  }
0x262: {  	[tilespmem:s1+$0x0] =	vst v0  }
0x263: {  	v0 =	vld [tilespmem:s11+$0x10]  }
0x264: {  	v1 =	vld [tilespmem:s9+$0x10];
	_ =	sdelay $0x1  }
0x265: {  	v2 =	vld [tilespmem:s10+$0x10];
	_ =	sdelay $0x2  }
0x266: {  	v0 =	vadd.f32 v1, v0;
	_ =	sdelay $0x1  }
0x267: {  	v0 =	vadd.f32 v2, v0;
	_ =	sdelay $0x1  }
0x268: {  	v0 =	vmax.f32 v0, $0.0e+00  }
0x269: {  	[tilespmem:s1+$0x10] =	vst v0  }
0x26a: {  	v0 =	vld [tilespmem:s11+$0x20]  }
0x26b: {  	v1 =	vld [tilespmem:s9+$0x20];
	_ =	sdelay $0x1  }
0x26c: {  	v2 =	vld [tilespmem:s10+$0x20];
	_ =	sdelay $0x2  }
0x26d: {  	v0 =	vadd.f32 v1, v0;
	_ =	sdelay $0x1  }
0x26e: {  	v0 =	vadd.f32 v2, v0;
	_ =	sdelay $0x1  }
0x26f: {  	v0 =	vmax.f32 v0, $0.0e+00  }
0x270: {  	[tilespmem:s1+$0x20] =	vst v0  }
0x271: {  	v0 =	vld [tilespmem:s11+$0x30]  }
0x272: {  	v1 =	vld [tilespmem:s9+$0x30];
	_ =	sdelay $0x1  }
0x273: {  	v2 =	vld [tilespmem:s10+$0x30];
	_ =	sdelay $0x2  }
0x274: {  	v0 =	vadd.f32 v1, v0;
	_ =	sdelay $0x1  }
0x275: {  	v0 =	vadd.f32 v2, v0;
	_ =	sdelay $0x1  }
0x276: {  	v0 =	vmax.f32 v0, $0.0e+00  }
0x277: {  	[tilespmem:s1+$0x30] =	vst v0  }
0x278: {  	v0 =	vld [tilespmem:s11+$0x40]  }
0x279: {  	v1 =	vld [tilespmem:s9+$0x40];
	_ =	sdelay $0x1  }
0x27a: {  	v2 =	vld [tilespmem:s10+$0x40];
	_ =	sdelay $0x2  }
0x27b: {  	v0 =	vadd.f32 v1, v0;
	_ =	sdelay $0x1  }
0x27c: {  	v0 =	vadd.f32 v2, v0;
	_ =	sdelay $0x1  }
0x27d: {  	v0 =	vmax.f32 v0, $0.0e+00  }
0x27e: {  	[tilespmem:s1+$0x40] =	vst v0  }
0x27f: {  	v0 =	vld [tilespmem:s11+$0x50]  }
0x280: {  	v1 =	vld [tilespmem:s9+$0x50];
	_ =	sdelay $0x1  }
0x281: {  	v2 =	vld [tilespmem:s10+$0x50];
	_ =	sdelay $0x2  }
0x282: {  	v0 =	vadd.f32 v1, v0;
	_ =	sdelay $0x1  }
0x283: {  	v0 =	vadd.f32 v2, v0;
	_ =	sdelay $0x1  }
0x284: {  	v0 =	vmax.f32 v0, $0.0e+00  }
0x285: {  	[tilespmem:s1+$0x50] =	vst v0  }
0x286: {  	v1 =	vld [tilespmem:s11+$0x60]  }
0x287: {  	v2 =	vld [tilespmem:s9+$0x60];
	_ =	sdelay $0x1  }
0x288: {  	v0 =	vld [tilespmem:s10+$0x60];
	_ =	sdelay $0x1  }
0x289: {  	s12 =	simm.s32 $0x0;
	s13 =	simm.s32 $0x63A0  }
0x28a: {  	s15 =	simm.s32 $0x59A0;
	s0 =	simm.s32 $0x6CA0;
	s14 =	simm.s32 $0x4EA0;
	v1 =	vadd.f32 v2, v1  }
.LBB2_8:
0x28b: {  	s12 =	sadd.s32 $0x2, s12;
	s11 =	sadd.s32 $0x100, s11;
	s1 =	sadd.s32 $0x100, s1  }
0x28c: {  	p0 =	slt.u32 s12, $0x8;
	v0 =	vadd.f32 v0, v1;
	_ =	sdelay $0x1  }
0x28d: {  	v0 =	vmax.f32 v0, $0.0e+00  }
0x28e: {  	[tilespmem:s0+$0x60] =	vst v0  }
0x28f: {  	v0 =	vld [tilespmem:s14+$0x70];
	s14 =	smov.u32 s11  }
0x290: {  	v1 =	vld [tilespmem:s9+$0x70];
	s9 =	smov.u32 s15  }
0x291: {  	v2 =	vld [tilespmem:s10+$0x70];
	s10 =	smov.u32 s13;
	_ =	sdelay $0x3  }
0x292: {  	v0 =	vadd.f32 v1, v0;
	_ =	sdelay $0x1  }
0x293: {  	v0 =	vadd.f32 v2, v0;
	_ =	sdelay $0x1  }
0x294: {  	v0 =	vmax.f32 v0, $0.0e+00  }
0x295: {  	[tilespmem:s0+$0x70] =	vst v0;
	s0 =	smov.u32 s1  }
0x296: {  	v0 =	vld [tilespmem:s15+$0xFFFFFF80]  }
0x297: {  	v1 =	vld [tilespmem:s11+$0xFFFFFF80]  }
0x298: {  	v2 =	vld [tilespmem:s13+$0xFFFFFF80];
	_ =	sdelay $0x3  }
0x299: {  	v0 =	vadd.f32 v0, v1;
	_ =	sdelay $0x1  }
0x29a: {  	v0 =	vadd.f32 v2, v0;
	_ =	sdelay $0x1  }
0x29b: {  	v0 =	vmax.f32 v0, $0.0e+00  }
0x29c: {  	[tilespmem:s1+$0xFFFFFF80] =	vst v0  }
0x29d: {  	v0 =	vld [tilespmem:s11+$0xFFFFFF90]  }
0x29e: {  	v1 =	vld [tilespmem:s15+$0xFFFFFF90];
	_ =	sdelay $0x1  }
0x29f: {  	v2 =	vld [tilespmem:s13+$0xFFFFFF90];
	_ =	sdelay $0x2  }
0x2a0: {  	v0 =	vadd.f32 v1, v0;
	_ =	sdelay $0x1  }
0x2a1: {  	v0 =	vadd.f32 v2, v0;
	_ =	sdelay $0x1  }
0x2a2: {  	v0 =	vmax.f32 v0, $0.0e+00  }
0x2a3: {  	[tilespmem:s1+$0xFFFFFF90] =	vst v0  }
0x2a4: {  	v0 =	vld [tilespmem:s11+$0xFFFFFFA0]  }
0x2a5: {  	v1 =	vld [tilespmem:s15+$0xFFFFFFA0];
	_ =	sdelay $0x1  }
0x2a6: {  	v2 =	vld [tilespmem:s13+$0xFFFFFFA0];
	_ =	sdelay $0x2  }
0x2a7: {  	v0 =	vadd.f32 v1, v0;
	_ =	sdelay $0x1  }
0x2a8: {  	v0 =	vadd.f32 v2, v0;
	_ =	sdelay $0x1  }
0x2a9: {  	v0 =	vmax.f32 v0, $0.0e+00  }
0x2aa: {  	[tilespmem:s1+$0xFFFFFFA0] =	vst v0  }
0x2ab: {  	v0 =	vld [tilespmem:s11+$0xFFFFFFB0]  }
0x2ac: {  	v1 =	vld [tilespmem:s15+$0xFFFFFFB0];
	_ =	sdelay $0x1  }
0x2ad: {  	v2 =	vld [tilespmem:s13+$0xFFFFFFB0];
	_ =	sdelay $0x2  }
0x2ae: {  	v0 =	vadd.f32 v1, v0;
	_ =	sdelay $0x1  }
0x2af: {  	v0 =	vadd.f32 v2, v0;
	_ =	sdelay $0x1  }
0x2b0: {  	v0 =	vmax.f32 v0, $0.0e+00  }
0x2b1: {  	[tilespmem:s1+$0xFFFFFFB0] =	vst v0  }
0x2b2: {  	v0 =	vld [tilespmem:s11+$0xFFFFFFC0]  }
0x2b3: {  	v1 =	vld [tilespmem:s15+$0xFFFFFFC0];
	_ =	sdelay $0x1  }
0x2b4: {  	v2 =	vld [tilespmem:s13+$0xFFFFFFC0];
	_ =	sdelay $0x2  }
0x2b5: {  	v0 =	vadd.f32 v1, v0;
	_ =	sdelay $0x1  }
0x2b6: {  	v0 =	vadd.f32 v2, v0;
	_ =	sdelay $0x1  }
0x2b7: {  	v0 =	vmax.f32 v0, $0.0e+00  }
0x2b8: {  	[tilespmem:s1+$0xFFFFFFC0] =	vst v0  }
0x2b9: {  	v0 =	vld [tilespmem:s11+$0xFFFFFFD0]  }
0x2ba: {  	v1 =	vld [tilespmem:s15+$0xFFFFFFD0]  }
0x2bb: {  	v2 =	vld [tilespmem:s13+$0xFFFFFFD0];
	_ =	sdelay $0x3  }
0x2bc: {  	v0 =	vadd.f32 v1, v0;
	_ =	sdelay $0x1  }
0x2bd: {  	v0 =	vadd.f32 v2, v0;
	_ =	sdelay $0x1  }
0x2be: {  	v0 =	vmax.f32 v0, $0.0e+00  }
0x2bf: {  	[tilespmem:s1+$0xFFFFFFD0] =	vst v0  }
0x2c0: {  	v0 =	vld [tilespmem:s11+$0xFFFFFFE0]  }
0x2c1: {  	v1 =	vld [tilespmem:s15+$0xFFFFFFE0]  }
0x2c2: {  	v2 =	vld [tilespmem:s13+$0xFFFFFFE0];
	_ =	sdelay $0x3  }
0x2c3: {  	v0 =	vadd.f32 v1, v0;
	_ =	sdelay $0x1  }
0x2c4: {  	v0 =	vadd.f32 v2, v0;
	_ =	sdelay $0x1  }
0x2c5: {  	v0 =	vmax.f32 v0, $0.0e+00  }
0x2c6: {  	[tilespmem:s1+$0xFFFFFFE0] =	vst v0  }
0x2c7: {  	v0 =	vld [tilespmem:s11+$0xFFFFFFF0]  }
0x2c8: {  	v1 =	vld [tilespmem:s15+$0xFFFFFFF0]  }
0x2c9: {  	v2 =	vld [tilespmem:s13+$0xFFFFFFF0];
	_ =	sdelay $0x3  }
0x2ca: {  	v0 =	vadd.f32 v1, v0;
	_ =	sdelay $0x1  }
0x2cb: {  	v0 =	vadd.f32 v2, v0;
	_ =	sdelay $0x1  }
0x2cc: {  	v0 =	vmax.f32 v0, $0.0e+00  }
0x2cd: {  	[tilespmem:s1+$0xFFFFFFF0] =	vst v0  }
0x2ce: {  	v0 =	vld [tilespmem:s11+$0x0]  }
0x2cf: {  	v1 =	vld [tilespmem:s15+$0x0];
	_ =	sdelay $0x1  }
0x2d0: {  	v2 =	vld [tilespmem:s13+$0x0];
	_ =	sdelay $0x2  }
0x2d1: {  	v0 =	vadd.f32 v1, v0;
	_ =	sdelay $0x1  }
0x2d2: {  	v0 =	vadd.f32 v2, v0;
	_ =	sdelay $0x1  }
0x2d3: {  	v0 =	vmax.f32 v0, $0.0e+00  }
0x2d4: {  	[tilespmem:s1+$0x0] =	vst v0  }
0x2d5: {  	v0 =	vld [tilespmem:s11+$0x10]  }
0x2d6: {  	v1 =	vld [tilespmem:s15+$0x10]  }
0x2d7: {  	v2 =	vld [tilespmem:s13+$0x10];
	_ =	sdelay $0x3  }
0x2d8: {  	v0 =	vadd.f32 v1, v0;
	_ =	sdelay $0x1  }
0x2d9: {  	v0 =	vadd.f32 v2, v0;
	_ =	sdelay $0x1  }
0x2da: {  	v0 =	vmax.f32 v0, $0.0e+00  }
0x2db: {  	[tilespmem:s1+$0x10] =	vst v0  }
0x2dc: {  	v0 =	vld [tilespmem:s11+$0x20]  }
0x2dd: {  	v1 =	vld [tilespmem:s15+$0x20]  }
0x2de: {  	v2 =	vld [tilespmem:s13+$0x20];
	_ =	sdelay $0x3  }
0x2df: {  	v0 =	vadd.f32 v1, v0;
	_ =	sdelay $0x1  }
0x2e0: {  	v0 =	vadd.f32 v2, v0;
	_ =	sdelay $0x1  }
0x2e1: {  	v0 =	vmax.f32 v0, $0.0e+00  }
0x2e2: {  	[tilespmem:s1+$0x20] =	vst v0  }
0x2e3: {  	v0 =	vld [tilespmem:s11+$0x30]  }
0x2e4: {  	v1 =	vld [tilespmem:s15+$0x30]  }
0x2e5: {  	v2 =	vld [tilespmem:s13+$0x30];
	_ =	sdelay $0x3  }
0x2e6: {  	v0 =	vadd.f32 v1, v0;
	_ =	sdelay $0x1  }
0x2e7: {  	v0 =	vadd.f32 v2, v0;
	_ =	sdelay $0x1  }
0x2e8: {  	v0 =	vmax.f32 v0, $0.0e+00  }
0x2e9: {  	[tilespmem:s1+$0x30] =	vst v0  }
0x2ea: {  	v0 =	vld [tilespmem:s11+$0x40]  }
0x2eb: {  	v1 =	vld [tilespmem:s15+$0x40]  }
0x2ec: {  	v2 =	vld [tilespmem:s13+$0x40];
	_ =	sdelay $0x3  }
0x2ed: {  	v0 =	vadd.f32 v1, v0;
	_ =	sdelay $0x1  }
0x2ee: {  	v0 =	vadd.f32 v2, v0;
	_ =	sdelay $0x1  }
0x2ef: {  	v0 =	vmax.f32 v0, $0.0e+00  }
0x2f0: {  	[tilespmem:s1+$0x40] =	vst v0  }
0x2f1: {  	v0 =	vld [tilespmem:s11+$0x50]  }
0x2f2: {  	v1 =	vld [tilespmem:s15+$0x50]  }
0x2f3: {  	v2 =	vld [tilespmem:s13+$0x50];
	_ =	sdelay $0x3  }
0x2f4: {  	v0 =	vadd.f32 v1, v0;
	_ =	sdelay $0x1  }
0x2f5: {  	v0 =	vadd.f32 v2, v0;
	_ =	sdelay $0x1  }
0x2f6: {  	v0 =	vmax.f32 v0, $0.0e+00  }
0x2f7: {  	[tilespmem:s1+$0x50] =	vst v0  }
0x2f8: {  	v1 =	vld [tilespmem:s11+$0x60]  }
0x2f9: {  	v2 =	vld [tilespmem:s15+$0x60]  }
.Ltmp3:
0x2fa: {  	v0 =	vld [tilespmem:s13+$0x60];
	(pc) =	sbr.rel @p0 .LBB2_8-.Ltmp3, $2  }
0x2fb: {  	_ =	sdelay $0x2  }
0x2fc: {  	s15 =	sadd.s32 $0x100, s15;
	s13 =	sadd.s32 $0x100, s13;
	v1 =	vadd.f32 v2, v1  }
0x2fd: {  	_ = 	snop  }
0x2fe: {  	v0 =	vadd.f32 v0, v1;
	_ =	sdelay $0x1  }
0x2ff: {  	v0 =	vmax.f32 v0, $0.0e+00  }
0x300: {  	[tilespmem:s0+$0x60] =	vst v0  }
0x301: {  	v0 =	vld [tilespmem:s14+$0x70]  }
0x302: {  	v63 =	vld [tilespmem:s9+$0x70];
	_ =	sdelay $0x1  }
0x303: {  	v2 =	vld [tilespmem:s10+$0x70];
	_ =	sdelay $0x2  }
0x304: {  	v0 =	vadd.f32 v63, v0;
	_ =	sdelay $0x1  }
0x305: {  	v0 =	vadd.f32 v2, v0;
	_ =	sdelay $0x1  }
0x306: {  	v0 =	vmax.f32 v0, $0.0e+00  }
0x307: {  	s15 =	rddreg [dreg:$0x6];
	s21 =	simm.s32 $0x8;
	[tilespmem:s0+$0x70] =	vst v0  }
0x308: {  	[hbm4b:s15+s3] =	stream.linear.scatter [tilespmem:s26], [sflag:$0x7], $0x500, $0x38;
	[tilespmem:$0x7620] =	vst v63  }
0x309: {  	_ =	swait.ge [sflag:s21], $0x500  }
0x30a: {  	[sflag:s21] =	ssyncset.done $0x0  }
0x30b: {  	[sflag:s21] =	ssyncadd.s32 $0xFFFFFB00  }
0x30c: {  	_ =	swait.ge [sflag:s20], $0x500  }
0x30d: {  	s1 =	rddreg [dreg:$0x8]  }
0x30e: {  	s22 =	rddreg [dreg:$0x7];
	s1 =	sadd.s32 $0x1, s1  }
0x30f: {  	p0 =	sne.s32 s1, s22  }
.Ltmp4:
0x310: {  	_ = 	snop;
	(pc) =	sbr.rel @p0 .LBB2_1-.Ltmp4, $3  }
0x311: {  	_ =	sdelay $0x1  }
0x312: {  	[sflag:s20] =	ssyncset.done $0x0  }
0x313: {  	[sflag:s20] =	ssyncadd.s32 $0xFFFFFB00  }
0x314: {  	_ =	sfence.sel $0x180000  }
0x315: {  	[bflag:$0x0] =	sbarrier.arrive $0xFFFF  }
0x316: {  	_ =	strace $0x90000047  }
0x317: {  	s0 =	stileid.u32;
	[bflag:$0x2] =	sbarrier.arrive $0xFFFF  }
0x318: {  	p0 =	sne.s32 s0, $0x0;
	s0 =	rddreg [dreg:$0x2]  }
0x319: {  	s0 =	sadd.s32 @!p0 $0x100000, s0  }
0x31a: {  	[sflag:s0] =	ssyncadd.tile.s32 @!p0 $0x1;
	_ =	shalt  }
.Lfunc_end2:
_tile_overlayer_lowered:
.L_overlay_start_2:
0x31b: {  	(tag) =	ssettag $0x2  }
0x31c: {  	s0 =	rddreg [dreg:$0x0];
	s2 =	stileid.u32  }
0x31d: {  	s1 =	rddreg [dreg:$0x1];
	p0 =	sne.s32 s2, $0x0  }
0x31e: {  	s3 =	rddreg [dreg:$0x2];
	[bflag:$0x3] =	sbarrier.arrive $0xFFFF;
	s2 =	simm.s32 @!p0 $0x1C09  }
0x31f: {  	[timem:s3], [sflag:s2] =	dma.local @!p0 [hbm:s0], s1  }
0x320: {  	s0 =	simm.s32 @!p0 $0x9  }
0x321: {  	_ =	swait.ge @!p0 [sflag:s0], s1  }
0x322: {  	s1 =	ssub.s32 @!p0 $0x0, s1;
	[sflag:s0] =	ssyncset.done @!p0 $0x0  }
0x323: {  	[sflag:s0] =	ssyncadd.s32 @!p0 s1  }
0x324: {  	[bflag:$0x3] =	sbarrier.arrive $0xFFFF  }
0x325: {  	_ =	shalt  }

</sc_bundles>
